<compile_context>
chip_gen: v7x
topology: tpu7x:2x2x1
jax: 0.10.2.dev20260603
libtpu: 0.0.44.dev20260713+nightly
codegen_flags: <defaults>
</compile_context>

<pallas_src>
import functools

import jax
import jax.numpy as jnp
from jax import lax
from jax.experimental import pallas as pl
from jax.experimental.pallas import tpu as pltpu
from jax.experimental.pallas import tpu_sc as plsc

NC = 2
NS = 16
L = 16
NW = NC * NS
F = 16
SUB = 8
CHUNK = SUB * 128


def _mesh():
    return plsc.VectorSubcoreMesh(core_axis_name="c", subcore_axis_name="s")




def _sc_degree(col2, ew2, z1, T, NP):
    npt = NP // NS
    nst = npt // 128

    @functools.partial(
        pl.kernel,
        out_type=jax.ShapeDtypeStruct((NC, NP, F), jnp.float32),
        mesh=_mesh(),
        scratch_types=[
            pltpu.VMEM_SHARED((NP,), jnp.float32),
            pltpu.VMEM((SUB, 128), jnp.int32),
            pltpu.VMEM((SUB, 128), jnp.float32),
            pltpu.VMEM((npt,), jnp.float32),
            pltpu.VMEM((128, F), jnp.float32),
            pltpu.VMEM((16,), jnp.float32),
        ],
    )
    def k(col_h, ew_h, z_h, out_h, dacc, cbuf, ebuf, bbuf, rows, zbuf):
        cid = lax.axis_index("c")
        sid = lax.axis_index("s")
        wid = cid * NS + sid
        pltpu.sync_copy(z_h, bbuf)
        pltpu.sync_copy(bbuf, dacc.at[pl.ds(sid * npt, npt)])
        plsc.subcore_barrier()

        def body(g, carry):
            r0 = (wid * T + g) * SUB
            pltpu.sync_copy(col_h.at[pl.ds(r0, SUB), :], cbuf)
            pltpu.sync_copy(ew_h.at[pl.ds(r0, SUB), :], ebuf)
            for s in range(SUB):
                pltpu.sync_copy(ebuf.at[s], dacc.at[cbuf.at[s]], add=True)
            return carry

        lax.fori_loop(0, T, body, 0)
        plsc.subcore_barrier()
        pltpu.sync_copy(z_h.at[pl.ds(0, 16)], zbuf)
        pltpu.sync_copy(dacc.at[pl.ds(sid * npt, npt)], bbuf)

        def expand(i, carry):
            zero16 = zbuf[...]

            def blk(kk, carry2):
                d16 = bbuf[pl.ds(i * 128 + kk * 16, 16)]
                for j in range(L):
                    w = d16.at[jnp.full((L,), j, jnp.int32)].get(
                        mode="promise_in_bounds")
                    rows[kk * 16 + j] = w + zero16
                return carry2

            lax.fori_loop(0, 8, blk, 0)
            pltpu.sync_copy(
                rows, out_h.at[cid, pl.ds(sid * npt + i * 128, 128), :])
            return carry

        lax.fori_loop(0, nst, expand, 0)

    return k(col2, ew2, z1)


def _sc_scale(row2, ew2, u, nidx, T, NP, EP):
    npt = NP // NS
    nst = npt // 128

    @functools.partial(
        pl.kernel,
        out_type=jax.ShapeDtypeStruct((EP, F), jnp.float32),
        mesh=_mesh(),
        scratch_types=[
            pltpu.VMEM_SHARED((NP, F), jnp.float32),
            pltpu.VMEM((SUB, 128), jnp.int32),
            pltpu.VMEM((SUB, 128), jnp.float32),
            pltpu.VMEM((128, F), jnp.float32),
            pltpu.VMEM((128,), jnp.int32),
            pltpu.SemaphoreType.DMA,
        ],
    )
    def k(row_h, ew_h, u_h, nidx_h, msg_h, table, rbuf, ebuf, rows, ibuf,
          gsem):
        cid = lax.axis_index("c")
        sid = lax.axis_index("s")
        wid = cid * NS + sid

        def stage(i, carry):
            o = sid * npt + i * 128
            pltpu.sync_copy(u_h.at[pl.ds(o, 128), :], rows)
            pltpu.sync_copy(nidx_h.at[pl.ds(o, 128)], ibuf)
            pltpu.sync_copy(rows, table.at[ibuf])
            return carry

        lax.fori_loop(0, nst, stage, 0)
        plsc.subcore_barrier()

        def scale16(kk, s):
            ew16 = ebuf[s, pl.ds(kk * 16, 16)]
            for j in range(L):
                ewb = ew16.at[jnp.full((L,), j, jnp.int32)].get(
                    mode="promise_in_bounds")
                e = kk * 16 + j
                rows[e] = rows[e] * ewb

        def body(g, carry):
            r0 = (wid * T + g) * SUB
            pltpu.sync_copy(row_h.at[pl.ds(r0, SUB), :], rbuf)
            pltpu.sync_copy(ew_h.at[pl.ds(r0, SUB), :], ebuf)
            for s in range(SUB):
                pltpu.async_copy(table.at[rbuf.at[s]], rows, gsem).wait()
                lax.fori_loop(
                    0, 8, lambda kk, c, s=s: (scale16(kk, s), c)[1], 0)
                pltpu.sync_copy(rows, msg_h.at[pl.ds((r0 + s) * 128, 128), :])
            return carry

        lax.fori_loop(0, T, body, 0)

    return k(row2, ew2, u, nidx)


def _sc_scatter(msg, col2, z2, nidx, T, NP):
    npt = NP // NS
    nst = npt // 128

    @functools.partial(
        pl.kernel,
        out_type=jax.ShapeDtypeStruct((NC, NP, F), jnp.float32),
        mesh=_mesh(),
        scratch_types=[
            pltpu.VMEM_SHARED((NP, F), jnp.float32),
            pltpu.VMEM((SUB, 128), jnp.int32),
            pltpu.VMEM((128, F), jnp.float32),
            pltpu.VMEM((128,), jnp.int32),
            pltpu.SemaphoreType.DMA,
        ],
    )
    def k(msg_h, col_h, z_h, nidx_h, out_h, acc, cbuf, rows, ibuf, gsem):
        cid = lax.axis_index("c")
        sid = lax.axis_index("s")
        wid = cid * NS + sid
        pltpu.sync_copy(z_h, rows)

        def zinit(i, carry):
            o = sid * npt + i * 128
            pltpu.sync_copy(nidx_h.at[pl.ds(o, 128)], ibuf)
            pltpu.sync_copy(rows, acc.at[ibuf])
            return carry

        lax.fori_loop(0, nst, zinit, 0)
        plsc.subcore_barrier()

        def body(g, carry):
            r0 = (wid * T + g) * SUB
            pltpu.sync_copy(col_h.at[pl.ds(r0, SUB), :], cbuf)
            for s in range(SUB):
                pltpu.sync_copy(msg_h.at[pl.ds((r0 + s) * 128, 128), :], rows)
                pltpu.sync_copy(rows, acc.at[cbuf.at[s]], add=True)
            return carry

        lax.fori_loop(0, T, body, 0)
        plsc.subcore_barrier()

        def wb(i, carry):
            o = sid * npt + i * 128
            pltpu.sync_copy(nidx_h.at[pl.ds(o, 128)], ibuf)
            pltpu.async_copy(acc.at[ibuf], rows, gsem).wait()
            pltpu.sync_copy(rows, out_h.at[cid, pl.ds(o, 128), :])
            return carry

        lax.fori_loop(0, nst, wb, 0)

    return k(msg, col2, z2, nidx)


_BLK = 2048


def _tc_prep(degp, xp, NP):
    def body(d_ref, x_ref, dinv_ref, u1_ref):
        deg = d_ref[0] + d_ref[1] + 1.0
        dinv = lax.rsqrt(deg)
        dinv_ref[...] = dinv
        u1_ref[...] = x_ref[...] * dinv

    g = NP // _BLK
    return pl.pallas_call(
        body,
        grid=(g,),
        in_specs=[
            pl.BlockSpec((NC, _BLK, F), lambda i: (0, i, 0)),
            pl.BlockSpec((_BLK, F), lambda i: (i, 0)),
        ],
        out_specs=[
            pl.BlockSpec((_BLK, F), lambda i: (i, 0)),
            pl.BlockSpec((_BLK, F), lambda i: (i, 0)),
        ],
        out_shape=[
            jax.ShapeDtypeStruct((NP, F), jnp.float32),
            jax.ShapeDtypeStruct((NP, F), jnp.float32),
        ],
    )(degp, xp)


def _tc_mid(dinv, p1, u1, W1p, b1r, W2p, NP):
    def body(dinv_ref, p_ref, u1_ref, w1_ref, b1_ref, w2_ref, u2_ref):
        dv = dinv_ref[...]
        t = (p_ref[0] + p_ref[1] + u1_ref[...]) * dv
        h = jnp.dot(t, w1_ref[...], preferred_element_type=jnp.float32)
        h = jnp.maximum(h + b1_ref[...], 0.0)
        u2_ref[...] = jnp.dot(h, w2_ref[...],
                              preferred_element_type=jnp.float32) * dv

    g = NP // _BLK
    return pl.pallas_call(
        body,
        grid=(g,),
        in_specs=[
            pl.BlockSpec((_BLK, F), lambda i: (i, 0)),
            pl.BlockSpec((NC, _BLK, F), lambda i: (0, i, 0)),
            pl.BlockSpec((_BLK, F), lambda i: (i, 0)),
            pl.BlockSpec((F, F), lambda i: (0, 0)),
            pl.BlockSpec((1, F), lambda i: (0, 0)),
            pl.BlockSpec((F, F), lambda i: (0, 0)),
        ],
        out_specs=pl.BlockSpec((_BLK, F), lambda i: (i, 0)),
        out_shape=jax.ShapeDtypeStruct((NP, F), jnp.float32),
    )(dinv, p1, u1, W1p, b1r, W2p)


def _tc_final(dinv, p2, u2, b2r, NP):
    def body(dinv_ref, p_ref, u2_ref, b2_ref, o_ref):
        o_ref[...] = ((p_ref[0] + p_ref[1] + u2_ref[...]) * dinv_ref[...]
                      + b2_ref[...])

    g = NP // _BLK
    return pl.pallas_call(
        body,
        grid=(g,),
        in_specs=[
            pl.BlockSpec((_BLK, F), lambda i: (i, 0)),
            pl.BlockSpec((NC, _BLK, F), lambda i: (0, i, 0)),
            pl.BlockSpec((_BLK, F), lambda i: (i, 0)),
            pl.BlockSpec((1, F), lambda i: (0, 0)),
        ],
        out_specs=pl.BlockSpec((_BLK, F), lambda i: (i, 0)),
        out_shape=jax.ShapeDtypeStruct((NP, F), jnp.float32),
    )(dinv, p2, u2, b2r)


def kernel(x, edge_index, edge_attr, W1, b1, W2, b2):
    n = x.shape[0]
    e = edge_index.shape[1]
    NP = -(-n // (NS * 128)) * NS * 128
    T = -(-e // (NW * CHUNK))
    EP = NW * CHUNK * T
    EPc = EP // 128
    npt = NP // NS

    row = edge_index[0]
    col = edge_index[1]
    ew = edge_attr[:, 0]
    padlen = EP - e
    pidx = (jnp.arange(padlen, dtype=jnp.int32) % n).astype(jnp.int32)
    row2 = jnp.concatenate([row, pidx]).reshape(EPc, 128)
    col2 = jnp.concatenate([col, pidx]).reshape(EPc, 128)
    ew2 = jnp.concatenate(
        [ew, jnp.zeros((padlen,), jnp.float32)]).reshape(EPc, 128)

    xp = jnp.pad(x, ((0, NP - n), (0, F - x.shape[1])))
    W1p = jnp.pad(W1, ((0, F - W1.shape[0]), (0, 0)))
    W2p = jnp.pad(W2, ((0, 0), (0, F - W2.shape[1])))
    b1r = b1.reshape(1, -1)
    b2r = jnp.pad(b2, (0, F - b2.shape[0])).reshape(1, F)
    z1 = jnp.zeros((npt,), jnp.float32)
    z2 = jnp.zeros((128, F), jnp.float32)
    nidx = jnp.arange(NP, dtype=jnp.int32)

    degp = _sc_degree(col2, ew2, z1, T, NP)
    dinv, u1 = _tc_prep(degp, xp, NP)
    s1 = jax.ops.segment_sum(
        ew[:, None] * jnp.take(u1[:n], row, axis=0), col, num_segments=n)
    o1pre = (s1 + u1[:n]) * dinv[:n]
    h = jnp.maximum(o1pre @ W1p + b1r, 0.0)
    u2n = dinv[:n] * (h @ W2p)
    s2 = jax.ops.segment_sum(ew[:, None] * jnp.take(u2n, row, axis=0),
                             col, num_segments=n)
    out = dinv[:n] * (s2 + u2n) + b2r
    return out[:, : W2.shape[1]]

# --- scband reference (transcript-rebuilt; emitter-appended) ---
"""Pipeline reference for scband-metro-gnn-25409026523319 (READ-ONLY COPY).

The authoritative reference and input builder live on the scoring server;
editing this copy changes nothing except your own understanding.
"""

import jax, jax.numpy as jnp
import numpy as np

N = 100000
E = 3200000


def setup_inputs(seed: int = 0) -> dict:
    key = jax.random.key(seed)
    k1, k2, k3, k4, k5 = jax.random.split(key, 5)
    x = jax.random.normal(k1, (N, 5), dtype=jnp.float32)
    edge_index = jax.random.randint(k2, (2, E), 0, N, dtype=jnp.int32)
    edge_attr = jax.random.uniform(k3, (E, 4), dtype=jnp.float32)
    W1 = jax.random.normal(k4, (5, 16), dtype=jnp.float32) * 0.3
    b1 = jnp.zeros((16,), dtype=jnp.float32)
    W2 = jax.random.normal(k5, (16, 4), dtype=jnp.float32) * 0.3
    b2 = jnp.zeros((4,), dtype=jnp.float32)
    return {"x": x, "edge_index": edge_index, "edge_attr": edge_attr,
            "W1": W1, "b1": b1, "W2": W2, "b2": b2}


def _gcn_conv(x, row, col, ew, W, b, n):
    # PyG GCNConv with normalize=True, add_self_loops already applied by caller.
    deg = jax.ops.segment_sum(ew, col, num_segments=n)
    deg_safe = jnp.where(deg > 0, deg, 1.0)
    dinv = jnp.where(deg > 0, jax.lax.rsqrt(deg_safe), 0.0)
    norm = dinv[row] * ew * dinv[col]
    xw = x @ W
    msg = norm[:, None] * jnp.take(xw, row, axis=0)
    out = jax.ops.segment_sum(msg, col, num_segments=n)
    return out + b


def reference(x, edge_index, edge_attr, W1, b1, W2, b2):
    n = x.shape[0]
    edge_weight = edge_attr[:, 0]
    # add self loops with fill_value = 1.0 (PyG default)
    loop = jnp.arange(n, dtype=edge_index.dtype)
    row = jnp.concatenate([edge_index[0], loop])
    col = jnp.concatenate([edge_index[1], loop])
    ew = jnp.concatenate([edge_weight, jnp.ones((n,), dtype=edge_weight.dtype)])
    h = _gcn_conv(x, row, col, ew, W1, b1, n)
    h = jax.nn.relu(h)
    out = _gcn_conv(h, row, col, ew, W2, b2, n)
    return out

if __name__ == "__main__":
    import jax
    _d = setup_inputs()
    print(jax.jit(kernel)(*tuple(_d.values())))

</pallas_src>

<mosaic_0001>
#map = affine_map<(d0, d1) -> (0, 0)>
#map1 = affine_map<(d0, d1) -> (0)>
#map2 = affine_map<(d0, d1) -> (0, 0, 0)>
module attributes {stable_mosaic.version = 14 : i64} {
  func.func @k(%arg0: i32, %arg1: i32, %arg2: memref<25088x128xi32, #tpu.memory_space<hbm>>, %arg3: memref<25088x128xf32, #tpu.memory_space<hbm>>, %arg4: memref<6272xf32, #tpu.memory_space<hbm>>, %arg5: memref<2x100352x16xf32, #tpu.memory_space<hbm>>, %arg6: memref<100352xf32, #tpu.memory_space<vmem_shared>>, %arg7: memref<8x128xi32, #tpu.memory_space<vmem>>, %arg8: memref<8x128xf32, #tpu.memory_space<vmem>>, %arg9: memref<6272xf32, #tpu.memory_space<vmem>>, %arg10: memref<128x16xf32, #tpu.memory_space<vmem>>, %arg11: memref<16xf32, #tpu.memory_space<vmem>>) attributes {dimension_semantics = [#tpu.dimension_semantics<core_parallel>, #tpu.dimension_semantics<subcore_parallel>], iteration_bounds = array<i64: 2, 16>, scalar_prefetch = 0 : i64, scratch_operands = 6 : i64, tpu.core_type = #tpu.core_type<sc_vector_subcore>, window_params = [{transform_indices = #map}, {transform_indices = #map}, {transform_indices = #map1}, {transform_indices = #map2}]} {
    %mul3A = arith.constant 16 : i32
    %mul3A_0 = arith.muli %arg0, %mul3A : i32
    %add3A = arith.addi %mul3A_0, %arg1 : i32
    "tpu.region"() ({
      %run_scoped3A = tpu.sem_alloc : memref<!tpu.dma_semaphore, #tpu.memory_space<semaphore_mem>>
      tpu.enqueue_dma source(%arg4 : memref<6272xf32, #tpu.memory_space<hbm>>) target(%arg9 : memref<6272xf32, #tpu.memory_space<vmem>>) target_semaphore(%run_scoped3A : memref<!tpu.dma_semaphore, #tpu.memory_space<semaphore_mem>>)
      tpu.wait_dma2 semaphore(%run_scoped3A : memref<!tpu.dma_semaphore, #tpu.memory_space<semaphore_mem>>) src(%arg4 : memref<6272xf32, #tpu.memory_space<hbm>>) dst(%arg9 : memref<6272xf32, #tpu.memory_space<vmem>>)
      tpu.yield
    }) : () -> ()
    %mul3A_1 = arith.constant 6272 : i32
    %mul3A_2 = arith.muli %arg1, %mul3A_1 : i32
    "tpu.region"() ({
      %run_scoped3A = tpu.sem_alloc : memref<!tpu.dma_semaphore, #tpu.memory_space<semaphore_mem>>
      %dma_start3A = tpu.memref_slice %arg6[%mul3A_2] : memref<100352xf32, #tpu.memory_space<vmem_shared>> -> memref<6272xf32, #tpu.memory_space<vmem_shared>>
      %dma_start3A_17 = tpu.memref_slice %arg6[%mul3A_2] : memref<100352xf32, #tpu.memory_space<vmem_shared>> -> memref<6272xf32, #tpu.memory_space<vmem_shared>>
      tpu.enqueue_dma source(%arg9 : memref<6272xf32, #tpu.memory_space<vmem>>) target(%dma_start3A_17 : memref<6272xf32, #tpu.memory_space<vmem_shared>>) target_semaphore(%run_scoped3A : memref<!tpu.dma_semaphore, #tpu.memory_space<semaphore_mem>>)
      %dma_wait3A = tpu.memref_slice %arg6[%mul3A_2] : memref<100352xf32, #tpu.memory_space<vmem_shared>> -> memref<6272xf32, #tpu.memory_space<vmem_shared>>
      %dma_wait3A_18 = tpu.memref_slice %arg6[%mul3A_2] : memref<100352xf32, #tpu.memory_space<vmem_shared>> -> memref<6272xf32, #tpu.memory_space<vmem_shared>>
      tpu.wait_dma2 semaphore(%run_scoped3A : memref<!tpu.dma_semaphore, #tpu.memory_space<semaphore_mem>>) src(%arg9 : memref<6272xf32, #tpu.memory_space<vmem>>) dst(%dma_wait3A_18 : memref<6272xf32, #tpu.memory_space<vmem_shared>>)
      tpu.yield
    }) : () -> ()
    %barrier3A = arith.constant 0 : index
    tpu.barrier barrier_id(%barrier3A)
    %scan3A = arith.constant 0 : i32
    %scan3A_3 = arith.constant 0 : i32
    %scan3A_4 = arith.constant 98 : i32
    %scan3A_5 = arith.addi %scan3A_3, %scan3A_4 : i32
    %scan3A_6 = arith.constant 1 : i32
    scf.for %scan3A_17 = %scan3A_3 to %scan3A_5 step %scan3A_6  : i32 {
      %mul3A_18 = arith.constant 98 : i32
      %mul3A_19 = arith.muli %add3A, %mul3A_18 : i32
      %add3A_20 = arith.addi %mul3A_19, %scan3A_17 : i32
      %mul3A_21 = arith.constant 8 : i32
      %mul3A_22 = arith.muli %add3A_20, %mul3A_21 : i32
      "tpu.region"() ({
        %run_scoped3A_38 = tpu.sem_alloc : memref<!tpu.dma_semaphore, #tpu.memory_space<semaphore_mem>>
        %dma_start3A = arith.constant 0 : i32
        %dma_start3A_39 = tpu.memref_slice %arg2[%mul3A_22, %dma_start3A] : memref<25088x128xi32, #tpu.memory_space<hbm>> -> memref<8x128xi32, #tpu.memory_space<hbm>>
        %dma_start3A_40 = arith.constant 0 : i32
        %dma_start3A_41 = tpu.memref_slice %arg2[%mul3A_22, %dma_start3A_40] : memref<25088x128xi32, #tpu.memory_space<hbm>> -> memref<8x128xi32, #tpu.memory_space<hbm>>
        tpu.enqueue_dma source(%dma_start3A_41 : memref<8x128xi32, #tpu.memory_space<hbm>>) target(%arg7 : memref<8x128xi32, #tpu.memory_space<vmem>>) target_semaphore(%run_scoped3A_38 : memref<!tpu.dma_semaphore, #tpu.memory_space<semaphore_mem>>)
        %dma_wait3A = arith.constant 0 : i32
        %dma_wait3A_42 = tpu.memref_slice %arg2[%mul3A_22, %dma_wait3A] : memref<25088x128xi32, #tpu.memory_space<hbm>> -> memref<8x128xi32, #tpu.memory_space<hbm>>
        %dma_wait3A_43 = arith.constant 0 : i32
        %dma_wait3A_44 = tpu.memref_slice %arg2[%mul3A_22, %dma_wait3A_43] : memref<25088x128xi32, #tpu.memory_space<hbm>> -> memref<8x128xi32, #tpu.memory_space<hbm>>
        tpu.wait_dma2 semaphore(%run_scoped3A_38 : memref<!tpu.dma_semaphore, #tpu.memory_space<semaphore_mem>>) src(%dma_wait3A_44 : memref<8x128xi32, #tpu.memory_space<hbm>>) dst(%arg7 : memref<8x128xi32, #tpu.memory_space<vmem>>)
        tpu.yield
      }) : () -> ()
      "tpu.region"() ({
        %run_scoped3A_38 = tpu.sem_alloc : memref<!tpu.dma_semaphore, #tpu.memory_space<semaphore_mem>>
        %dma_start3A = arith.constant 0 : i32
        %dma_start3A_39 = tpu.memref_slice %arg3[%mul3A_22, %dma_start3A] : memref<25088x128xf32, #tpu.memory_space<hbm>> -> memref<8x128xf32, #tpu.memory_space<hbm>>
        %dma_start3A_40 = arith.constant 0 : i32
        %dma_start3A_41 = tpu.memref_slice %arg3[%mul3A_22, %dma_start3A_40] : memref<25088x128xf32, #tpu.memory_space<hbm>> -> memref<8x128xf32, #tpu.memory_space<hbm>>
        tpu.enqueue_dma source(%dma_start3A_41 : memref<8x128xf32, #tpu.memory_space<hbm>>) target(%arg8 : memref<8x128xf32, #tpu.memory_space<vmem>>) target_semaphore(%run_scoped3A_38 : memref<!tpu.dma_semaphore, #tpu.memory_space<semaphore_mem>>)
        %dma_wait3A = arith.constant 0 : i32
        %dma_wait3A_42 = tpu.memref_slice %arg3[%mul3A_22, %dma_wait3A] : memref<25088x128xf32, #tpu.memory_space<hbm>> -> memref<8x128xf32, #tpu.memory_space<hbm>>
        %dma_wait3A_43 = arith.constant 0 : i32
        %dma_wait3A_44 = tpu.memref_slice %arg3[%mul3A_22, %dma_wait3A_43] : memref<25088x128xf32, #tpu.memory_space<hbm>> -> memref<8x128xf32, #tpu.memory_space<hbm>>
        tpu.wait_dma2 semaphore(%run_scoped3A_38 : memref<!tpu.dma_semaphore, #tpu.memory_space<semaphore_mem>>) src(%dma_wait3A_44 : memref<8x128xf32, #tpu.memory_space<hbm>>) dst(%arg8 : memref<8x128xf32, #tpu.memory_space<vmem>>)
        tpu.yield
      }) : () -> ()
      %run_scoped3A = arith.constant 0 : i32
      %run_scoped3A_23 = arith.constant 0 : i32
      "tpu.region"() ({
        %run_scoped3A_38 = tpu.sem_alloc : memref<!tpu.dma_semaphore, #tpu.memory_space<semaphore_mem>>
        %dma_start3A = arith.constant 0 : i32
        %dma_start3A_39 = tpu.memref_slice %arg8[%run_scoped3A, %dma_start3A] : memref<8x128xf32, #tpu.memory_space<vmem>> -> memref<1x128xf32, #tpu.memory_space<vmem>>
        %dma_start3A_40 = tpu.memref_squeeze %dma_start3A_39 : memref<1x128xf32, #tpu.memory_space<vmem>> -> memref<128xf32, #tpu.memory_space<vmem>>
        %dma_start3A_41 = arith.constant 0 : i32
        %dma_start3A_42 = tpu.memref_slice %arg7[%run_scoped3A_23, %dma_start3A_41] : memref<8x128xi32, #tpu.memory_space<vmem>> -> memref<1x128xi32, #tpu.memory_space<vmem>>
        %dma_start3A_43 = tpu.memref_squeeze %dma_start3A_42 : memref<1x128xi32, #tpu.memory_space<vmem>> -> memref<128xi32, #tpu.memory_space<vmem>>
        %dma_start3A_44 = arith.constant 0 : i32
        %dma_start3A_45 = tpu.memref_slice %arg6[%dma_start3A_44] : memref<100352xf32, #tpu.memory_space<vmem_shared>> -> memref<100352xf32, #tpu.memory_space<vmem_shared>>
        tpu.enqueue_indirect_dma source(%dma_start3A_40 : memref<128xf32, #tpu.memory_space<vmem>>) target(%dma_start3A_45 : memref<100352xf32, #tpu.memory_space<vmem_shared>>) offsets(%dma_start3A_43 : memref<128xi32, #tpu.memory_space<vmem>>) semaphore(%run_scoped3A_38 : memref<!tpu.dma_semaphore, #tpu.memory_space<semaphore_mem>>) {add = true}
        %dma_wait3A = arith.constant 0 : i32
        %dma_wait3A_46 = tpu.memref_slice %arg8[%run_scoped3A, %dma_wait3A] : memref<8x128xf32, #tpu.memory_space<vmem>> -> memref<1x128xf32, #tpu.memory_space<vmem>>
        %dma_wait3A_47 = tpu.memref_squeeze %dma_wait3A_46 : memref<1x128xf32, #tpu.memory_space<vmem>> -> memref<128xf32, #tpu.memory_space<vmem>>
        %dma_wait3A_48 = arith.constant 0 : i32
        %dma_wait3A_49 = tpu.memref_slice %arg7[%run_scoped3A_23, %dma_wait3A_48] : memref<8x128xi32, #tpu.memory_space<vmem>> -> memref<1x128xi32, #tpu.memory_space<vmem>>
        %dma_wait3A_50 = tpu.memref_squeeze %dma_wait3A_49 : memref<1x128xi32, #tpu.memory_space<vmem>> -> memref<128xi32, #tpu.memory_space<vmem>>
        %dma_wait3A_51 = arith.constant 0 : i32
        %dma_wait3A_52 = tpu.memref_slice %arg6[%dma_wait3A_51] : memref<100352xf32, #tpu.memory_space<vmem_shared>> -> memref<100352xf32, #tpu.memory_space<vmem_shared>>
        tpu.wait_indirect_dma semaphore(%run_scoped3A_38 : memref<!tpu.dma_semaphore, #tpu.memory_space<semaphore_mem>>) src(%dma_wait3A_47 : memref<128xf32, #tpu.memory_space<vmem>>) dst(%dma_wait3A_52 : memref<100352xf32, #tpu.memory_space<vmem_shared>>)
        tpu.yield
      }) : () -> ()
      %run_scoped3A_24 = arith.constant 1 : i32
      %run_scoped3A_25 = arith.constant 1 : i32
      "tpu.region"() ({
        %run_scoped3A_38 = tpu.sem_alloc : memref<!tpu.dma_semaphore, #tpu.memory_space<semaphore_mem>>
        %dma_start3A = arith.constant 0 : i32
        %dma_start3A_39 = tpu.memref_slice %arg8[%run_scoped3A_24, %dma_start3A] : memref<8x128xf32, #tpu.memory_space<vmem>> -> memref<1x128xf32, #tpu.memory_space<vmem>>
        %dma_start3A_40 = tpu.memref_squeeze %dma_start3A_39 : memref<1x128xf32, #tpu.memory_space<vmem>> -> memref<128xf32, #tpu.memory_space<vmem>>
        %dma_start3A_41 = arith.constant 0 : i32
        %dma_start3A_42 = tpu.memref_slice %arg7[%run_scoped3A_25, %dma_start3A_41] : memref<8x128xi32, #tpu.memory_space<vmem>> -> memref<1x128xi32, #tpu.memory_space<vmem>>
        %dma_start3A_43 = tpu.memref_squeeze %dma_start3A_42 : memref<1x128xi32, #tpu.memory_space<vmem>> -> memref<128xi32, #tpu.memory_space<vmem>>
        %dma_start3A_44 = arith.constant 0 : i32
        %dma_start3A_45 = tpu.memref_slice %arg6[%dma_start3A_44] : memref<100352xf32, #tpu.memory_space<vmem_shared>> -> memref<100352xf32, #tpu.memory_space<vmem_shared>>
        tpu.enqueue_indirect_dma source(%dma_start3A_40 : memref<128xf32, #tpu.memory_space<vmem>>) target(%dma_start3A_45 : memref<100352xf32, #tpu.memory_space<vmem_shared>>) offsets(%dma_start3A_43 : memref<128xi32, #tpu.memory_space<vmem>>) semaphore(%run_scoped3A_38 : memref<!tpu.dma_semaphore, #tpu.memory_space<semaphore_mem>>) {add = true}
        %dma_wait3A = arith.constant 0 : i32
        %dma_wait3A_46 = tpu.memref_slice %arg8[%run_scoped3A_24, %dma_wait3A] : memref<8x128xf32, #tpu.memory_space<vmem>> -> memref<1x128xf32, #tpu.memory_space<vmem>>
        %dma_wait3A_47 = tpu.memref_squeeze %dma_wait3A_46 : memref<1x128xf32, #tpu.memory_space<vmem>> -> memref<128xf32, #tpu.memory_space<vmem>>
        %dma_wait3A_48 = arith.constant 0 : i32
        %dma_wait3A_49 = tpu.memref_slice %arg7[%run_scoped3A_25, %dma_wait3A_48] : memref<8x128xi32, #tpu.memory_space<vmem>> -> memref<1x128xi32, #tpu.memory_space<vmem>>
        %dma_wait3A_50 = tpu.memref_squeeze %dma_wait3A_49 : memref<1x128xi32, #tpu.memory_space<vmem>> -> memref<128xi32, #tpu.memory_space<vmem>>
        %dma_wait3A_51 = arith.constant 0 : i32
        %dma_wait3A_52 = tpu.memref_slice %arg6[%dma_wait3A_51] : memref<100352xf32, #tpu.memory_space<vmem_shared>> -> memref<100352xf32, #tpu.memory_space<vmem_shared>>
        tpu.wait_indirect_dma semaphore(%run_scoped3A_38 : memref<!tpu.dma_semaphore, #tpu.memory_space<semaphore_mem>>) src(%dma_wait3A_47 : memref<128xf32, #tpu.memory_space<vmem>>) dst(%dma_wait3A_52 : memref<100352xf32, #tpu.memory_space<vmem_shared>>)
        tpu.yield
      }) : () -> ()
      %run_scoped3A_26 = arith.constant 2 : i32
      %run_scoped3A_27 = arith.constant 2 : i32
      "tpu.region"() ({
        %run_scoped3A_38 = tpu.sem_alloc : memref<!tpu.dma_semaphore, #tpu.memory_space<semaphore_mem>>
        %dma_start3A = arith.constant 0 : i32
        %dma_start3A_39 = tpu.memref_slice %arg8[%run_scoped3A_26, %dma_start3A] : memref<8x128xf32, #tpu.memory_space<vmem>> -> memref<1x128xf32, #tpu.memory_space<vmem>>
        %dma_start3A_40 = tpu.memref_squeeze %dma_start3A_39 : memref<1x128xf32, #tpu.memory_space<vmem>> -> memref<128xf32, #tpu.memory_space<vmem>>
        %dma_start3A_41 = arith.constant 0 : i32
        %dma_start3A_42 = tpu.memref_slice %arg7[%run_scoped3A_27, %dma_start3A_41] : memref<8x128xi32, #tpu.memory_space<vmem>> -> memref<1x128xi32, #tpu.memory_space<vmem>>
        %dma_start3A_43 = tpu.memref_squeeze %dma_start3A_42 : memref<1x128xi32, #tpu.memory_space<vmem>> -> memref<128xi32, #tpu.memory_space<vmem>>
        %dma_start3A_44 = arith.constant 0 : i32
        %dma_start3A_45 = tpu.memref_slice %arg6[%dma_start3A_44] : memref<100352xf32, #tpu.memory_space<vmem_shared>> -> memref<100352xf32, #tpu.memory_space<vmem_shared>>
        tpu.enqueue_indirect_dma source(%dma_start3A_40 : memref<128xf32, #tpu.memory_space<vmem>>) target(%dma_start3A_45 : memref<100352xf32, #tpu.memory_space<vmem_shared>>) offsets(%dma_start3A_43 : memref<128xi32, #tpu.memory_space<vmem>>) semaphore(%run_scoped3A_38 : memref<!tpu.dma_semaphore, #tpu.memory_space<semaphore_mem>>) {add = true}
        %dma_wait3A = arith.constant 0 : i32
        %dma_wait3A_46 = tpu.memref_slice %arg8[%run_scoped3A_26, %dma_wait3A] : memref<8x128xf32, #tpu.memory_space<vmem>> -> memref<1x128xf32, #tpu.memory_space<vmem>>
        %dma_wait3A_47 = tpu.memref_squeeze %dma_wait3A_46 : memref<1x128xf32, #tpu.memory_space<vmem>> -> memref<128xf32, #tpu.memory_space<vmem>>
        %dma_wait3A_48 = arith.constant 0 : i32
        %dma_wait3A_49 = tpu.memref_slice %arg7[%run_scoped3A_27, %dma_wait3A_48] : memref<8x128xi32, #tpu.memory_space<vmem>> -> memref<1x128xi32, #tpu.memory_space<vmem>>
        %dma_wait3A_50 = tpu.memref_squeeze %dma_wait3A_49 : memref<1x128xi32, #tpu.memory_space<vmem>> -> memref<128xi32, #tpu.memory_space<vmem>>
        %dma_wait3A_51 = arith.constant 0 : i32
        %dma_wait3A_52 = tpu.memref_slice %arg6[%dma_wait3A_51] : memref<100352xf32, #tpu.memory_space<vmem_shared>> -> memref<100352xf32, #tpu.memory_space<vmem_shared>>
        tpu.wait_indirect_dma semaphore(%run_scoped3A_38 : memref<!tpu.dma_semaphore, #tpu.memory_space<semaphore_mem>>) src(%dma_wait3A_47 : memref<128xf32, #tpu.memory_space<vmem>>) dst(%dma_wait3A_52 : memref<100352xf32, #tpu.memory_space<vmem_shared>>)
        tpu.yield
      }) : () -> ()
      %run_scoped3A_28 = arith.constant 3 : i32
      %run_scoped3A_29 = arith.constant 3 : i32
      "tpu.region"() ({
        %run_scoped3A_38 = tpu.sem_alloc : memref<!tpu.dma_semaphore, #tpu.memory_space<semaphore_mem>>
        %dma_start3A = arith.constant 0 : i32
        %dma_start3A_39 = tpu.memref_slice %arg8[%run_scoped3A_28, %dma_start3A] : memref<8x128xf32, #tpu.memory_space<vmem>> -> memref<1x128xf32, #tpu.memory_space<vmem>>
        %dma_start3A_40 = tpu.memref_squeeze %dma_start3A_39 : memref<1x128xf32, #tpu.memory_space<vmem>> -> memref<128xf32, #tpu.memory_space<vmem>>
        %dma_start3A_41 = arith.constant 0 : i32
        %dma_start3A_42 = tpu.memref_slice %arg7[%run_scoped3A_29, %dma_start3A_41] : memref<8x128xi32, #tpu.memory_space<vmem>> -> memref<1x128xi32, #tpu.memory_space<vmem>>
        %dma_start3A_43 = tpu.memref_squeeze %dma_start3A_42 : memref<1x128xi32, #tpu.memory_space<vmem>> -> memref<128xi32, #tpu.memory_space<vmem>>
        %dma_start3A_44 = arith.constant 0 : i32
        %dma_start3A_45 = tpu.memref_slice %arg6[%dma_start3A_44] : memref<100352xf32, #tpu.memory_space<vmem_shared>> -> memref<100352xf32, #tpu.memory_space<vmem_shared>>
        tpu.enqueue_indirect_dma source(%dma_start3A_40 : memref<128xf32, #tpu.memory_space<vmem>>) target(%dma_start3A_45 : memref<100352xf32, #tpu.memory_space<vmem_shared>>) offsets(%dma_start3A_43 : memref<128xi32, #tpu.memory_space<vmem>>) semaphore(%run_scoped3A_38 : memref<!tpu.dma_semaphore, #tpu.memory_space<semaphore_mem>>) {add = true}
        %dma_wait3A = arith.constant 0 : i32
        %dma_wait3A_46 = tpu.memref_slice %arg8[%run_scoped3A_28, %dma_wait3A] : memref<8x128xf32, #tpu.memory_space<vmem>> -> memref<1x128xf32, #tpu.memory_space<vmem>>
        %dma_wait3A_47 = tpu.memref_squeeze %dma_wait3A_46 : memref<1x128xf32, #tpu.memory_space<vmem>> -> memref<128xf32, #tpu.memory_space<vmem>>
        %dma_wait3A_48 = arith.constant 0 : i32
        %dma_wait3A_49 = tpu.memref_slice %arg7[%run_scoped3A_29, %dma_wait3A_48] : memref<8x128xi32, #tpu.memory_space<vmem>> -> memref<1x128xi32, #tpu.memory_space<vmem>>
        %dma_wait3A_50 = tpu.memref_squeeze %dma_wait3A_49 : memref<1x128xi32, #tpu.memory_space<vmem>> -> memref<128xi32, #tpu.memory_space<vmem>>
        %dma_wait3A_51 = arith.constant 0 : i32
        %dma_wait3A_52 = tpu.memref_slice %arg6[%dma_wait3A_51] : memref<100352xf32, #tpu.memory_space<vmem_shared>> -> memref<100352xf32, #tpu.memory_space<vmem_shared>>
        tpu.wait_indirect_dma semaphore(%run_scoped3A_38 : memref<!tpu.dma_semaphore, #tpu.memory_space<semaphore_mem>>) src(%dma_wait3A_47 : memref<128xf32, #tpu.memory_space<vmem>>) dst(%dma_wait3A_52 : memref<100352xf32, #tpu.memory_space<vmem_shared>>)
        tpu.yield
      }) : () -> ()
      %run_scoped3A_30 = arith.constant 4 : i32
      %run_scoped3A_31 = arith.constant 4 : i32
      "tpu.region"() ({
        %run_scoped3A_38 = tpu.sem_alloc : memref<!tpu.dma_semaphore, #tpu.memory_space<semaphore_mem>>
        %dma_start3A = arith.constant 0 : i32
        %dma_start3A_39 = tpu.memref_slice %arg8[%run_scoped3A_30, %dma_start3A] : memref<8x128xf32, #tpu.memory_space<vmem>> -> memref<1x128xf32, #tpu.memory_space<vmem>>
        %dma_start3A_40 = tpu.memref_squeeze %dma_start3A_39 : memref<1x128xf32, #tpu.memory_space<vmem>> -> memref<128xf32, #tpu.memory_space<vmem>>
        %dma_start3A_41 = arith.constant 0 : i32
        %dma_start3A_42 = tpu.memref_slice %arg7[%run_scoped3A_31, %dma_start3A_41] : memref<8x128xi32, #tpu.memory_space<vmem>> -> memref<1x128xi32, #tpu.memory_space<vmem>>
        %dma_start3A_43 = tpu.memref_squeeze %dma_start3A_42 : memref<1x128xi32, #tpu.memory_space<vmem>> -> memref<128xi32, #tpu.memory_space<vmem>>
        %dma_start3A_44 = arith.constant 0 : i32
        %dma_start3A_45 = tpu.memref_slice %arg6[%dma_start3A_44] : memref<100352xf32, #tpu.memory_space<vmem_shared>> -> memref<100352xf32, #tpu.memory_space<vmem_shared>>
        tpu.enqueue_indirect_dma source(%dma_start3A_40 : memref<128xf32, #tpu.memory_space<vmem>>) target(%dma_start3A_45 : memref<100352xf32, #tpu.memory_space<vmem_shared>>) offsets(%dma_start3A_43 : memref<128xi32, #tpu.memory_space<vmem>>) semaphore(%run_scoped3A_38 : memref<!tpu.dma_semaphore, #tpu.memory_space<semaphore_mem>>) {add = true}
        %dma_wait3A = arith.constant 0 : i32
        %dma_wait3A_46 = tpu.memref_slice %arg8[%run_scoped3A_30, %dma_wait3A] : memref<8x128xf32, #tpu.memory_space<vmem>> -> memref<1x128xf32, #tpu.memory_space<vmem>>
        %dma_wait3A_47 = tpu.memref_squeeze %dma_wait3A_46 : memref<1x128xf32, #tpu.memory_space<vmem>> -> memref<128xf32, #tpu.memory_space<vmem>>
        %dma_wait3A_48 = arith.constant 0 : i32
        %dma_wait3A_49 = tpu.memref_slice %arg7[%run_scoped3A_31, %dma_wait3A_48] : memref<8x128xi32, #tpu.memory_space<vmem>> -> memref<1x128xi32, #tpu.memory_space<vmem>>
        %dma_wait3A_50 = tpu.memref_squeeze %dma_wait3A_49 : memref<1x128xi32, #tpu.memory_space<vmem>> -> memref<128xi32, #tpu.memory_space<vmem>>
        %dma_wait3A_51 = arith.constant 0 : i32
        %dma_wait3A_52 = tpu.memref_slice %arg6[%dma_wait3A_51] : memref<100352xf32, #tpu.memory_space<vmem_shared>> -> memref<100352xf32, #tpu.memory_space<vmem_shared>>
        tpu.wait_indirect_dma semaphore(%run_scoped3A_38 : memref<!tpu.dma_semaphore, #tpu.memory_space<semaphore_mem>>) src(%dma_wait3A_47 : memref<128xf32, #tpu.memory_space<vmem>>) dst(%dma_wait3A_52 : memref<100352xf32, #tpu.memory_space<vmem_shared>>)
        tpu.yield
      }) : () -> ()
      %run_scoped3A_32 = arith.constant 5 : i32
      %run_scoped3A_33 = arith.constant 5 : i32
      "tpu.region"() ({
        %run_scoped3A_38 = tpu.sem_alloc : memref<!tpu.dma_semaphore, #tpu.memory_space<semaphore_mem>>
        %dma_start3A = arith.constant 0 : i32
        %dma_start3A_39 = tpu.memref_slice %arg8[%run_scoped3A_32, %dma_start3A] : memref<8x128xf32, #tpu.memory_space<vmem>> -> memref<1x128xf32, #tpu.memory_space<vmem>>
        %dma_start3A_40 = tpu.memref_squeeze %dma_start3A_39 : memref<1x128xf32, #tpu.memory_space<vmem>> -> memref<128xf32, #tpu.memory_space<vmem>>
        %dma_start3A_41 = arith.constant 0 : i32
        %dma_start3A_42 = tpu.memref_slice %arg7[%run_scoped3A_33, %dma_start3A_41] : memref<8x128xi32, #tpu.memory_space<vmem>> -> memref<1x128xi32, #tpu.memory_space<vmem>>
        %dma_start3A_43 = tpu.memref_squeeze %dma_start3A_42 : memref<1x128xi32, #tpu.memory_space<vmem>> -> memref<128xi32, #tpu.memory_space<vmem>>
        %dma_start3A_44 = arith.constant 0 : i32
        %dma_start3A_45 = tpu.memref_slice %arg6[%dma_start3A_44] : memref<100352xf32, #tpu.memory_space<vmem_shared>> -> memref<100352xf32, #tpu.memory_space<vmem_shared>>
        tpu.enqueue_indirect_dma source(%dma_start3A_40 : memref<128xf32, #tpu.memory_space<vmem>>) target(%dma_start3A_45 : memref<100352xf32, #tpu.memory_space<vmem_shared>>) offsets(%dma_start3A_43 : memref<128xi32, #tpu.memory_space<vmem>>) semaphore(%run_scoped3A_38 : memref<!tpu.dma_semaphore, #tpu.memory_space<semaphore_mem>>) {add = true}
        %dma_wait3A = arith.constant 0 : i32
        %dma_wait3A_46 = tpu.memref_slice %arg8[%run_scoped3A_32, %dma_wait3A] : memref<8x128xf32, #tpu.memory_space<vmem>> -> memref<1x128xf32, #tpu.memory_space<vmem>>
        %dma_wait3A_47 = tpu.memref_squeeze %dma_wait3A_46 : memref<1x128xf32, #tpu.memory_space<vmem>> -> memref<128xf32, #tpu.memory_space<vmem>>
        %dma_wait3A_48 = arith.constant 0 : i32
        %dma_wait3A_49 = tpu.memref_slice %arg7[%run_scoped3A_33, %dma_wait3A_48] : memref<8x128xi32, #tpu.memory_space<vmem>> -> memref<1x128xi32, #tpu.memory_space<vmem>>
        %dma_wait3A_50 = tpu.memref_squeeze %dma_wait3A_49 : memref<1x128xi32, #tpu.memory_space<vmem>> -> memref<128xi32, #tpu.memory_space<vmem>>
        %dma_wait3A_51 = arith.constant 0 : i32
        %dma_wait3A_52 = tpu.memref_slice %arg6[%dma_wait3A_51] : memref<100352xf32, #tpu.memory_space<vmem_shared>> -> memref<100352xf32, #tpu.memory_space<vmem_shared>>
        tpu.wait_indirect_dma semaphore(%run_scoped3A_38 : memref<!tpu.dma_semaphore, #tpu.memory_space<semaphore_mem>>) src(%dma_wait3A_47 : memref<128xf32, #tpu.memory_space<vmem>>) dst(%dma_wait3A_52 : memref<100352xf32, #tpu.memory_space<vmem_shared>>)
        tpu.yield
      }) : () -> ()
      %run_scoped3A_34 = arith.constant 6 : i32
      %run_scoped3A_35 = arith.constant 6 : i32
      "tpu.region"() ({
        %run_scoped3A_38 = tpu.sem_alloc : memref<!tpu.dma_semaphore, #tpu.memory_space<semaphore_mem>>
        %dma_start3A = arith.constant 0 : i32
        %dma_start3A_39 = tpu.memref_slice %arg8[%run_scoped3A_34, %dma_start3A] : memref<8x128xf32, #tpu.memory_space<vmem>> -> memref<1x128xf32, #tpu.memory_space<vmem>>
        %dma_start3A_40 = tpu.memref_squeeze %dma_start3A_39 : memref<1x128xf32, #tpu.memory_space<vmem>> -> memref<128xf32, #tpu.memory_space<vmem>>
        %dma_start3A_41 = arith.constant 0 : i32
        %dma_start3A_42 = tpu.memref_slice %arg7[%run_scoped3A_35, %dma_start3A_41] : memref<8x128xi32, #tpu.memory_space<vmem>> -> memref<1x128xi32, #tpu.memory_space<vmem>>
        %dma_start3A_43 = tpu.memref_squeeze %dma_start3A_42 : memref<1x128xi32, #tpu.memory_space<vmem>> -> memref<128xi32, #tpu.memory_space<vmem>>
        %dma_start3A_44 = arith.constant 0 : i32
        %dma_start3A_45 = tpu.memref_slice %arg6[%dma_start3A_44] : memref<100352xf32, #tpu.memory_space<vmem_shared>> -> memref<100352xf32, #tpu.memory_space<vmem_shared>>
        tpu.enqueue_indirect_dma source(%dma_start3A_40 : memref<128xf32, #tpu.memory_space<vmem>>) target(%dma_start3A_45 : memref<100352xf32, #tpu.memory_space<vmem_shared>>) offsets(%dma_start3A_43 : memref<128xi32, #tpu.memory_space<vmem>>) semaphore(%run_scoped3A_38 : memref<!tpu.dma_semaphore, #tpu.memory_space<semaphore_mem>>) {add = true}
        %dma_wait3A = arith.constant 0 : i32
        %dma_wait3A_46 = tpu.memref_slice %arg8[%run_scoped3A_34, %dma_wait3A] : memref<8x128xf32, #tpu.memory_space<vmem>> -> memref<1x128xf32, #tpu.memory_space<vmem>>
        %dma_wait3A_47 = tpu.memref_squeeze %dma_wait3A_46 : memref<1x128xf32, #tpu.memory_space<vmem>> -> memref<128xf32, #tpu.memory_space<vmem>>
        %dma_wait3A_48 = arith.constant 0 : i32
        %dma_wait3A_49 = tpu.memref_slice %arg7[%run_scoped3A_35, %dma_wait3A_48] : memref<8x128xi32, #tpu.memory_space<vmem>> -> memref<1x128xi32, #tpu.memory_space<vmem>>
        %dma_wait3A_50 = tpu.memref_squeeze %dma_wait3A_49 : memref<1x128xi32, #tpu.memory_space<vmem>> -> memref<128xi32, #tpu.memory_space<vmem>>
        %dma_wait3A_51 = arith.constant 0 : i32
        %dma_wait3A_52 = tpu.memref_slice %arg6[%dma_wait3A_51] : memref<100352xf32, #tpu.memory_space<vmem_shared>> -> memref<100352xf32, #tpu.memory_space<vmem_shared>>
        tpu.wait_indirect_dma semaphore(%run_scoped3A_38 : memref<!tpu.dma_semaphore, #tpu.memory_space<semaphore_mem>>) src(%dma_wait3A_47 : memref<128xf32, #tpu.memory_space<vmem>>) dst(%dma_wait3A_52 : memref<100352xf32, #tpu.memory_space<vmem_shared>>)
        tpu.yield
      }) : () -> ()
      %run_scoped3A_36 = arith.constant 7 : i32
      %run_scoped3A_37 = arith.constant 7 : i32
      "tpu.region"() ({
        %run_scoped3A_38 = tpu.sem_alloc : memref<!tpu.dma_semaphore, #tpu.memory_space<semaphore_mem>>
        %dma_start3A = arith.constant 0 : i32
        %dma_start3A_39 = tpu.memref_slice %arg8[%run_scoped3A_36, %dma_start3A] : memref<8x128xf32, #tpu.memory_space<vmem>> -> memref<1x128xf32, #tpu.memory_space<vmem>>
        %dma_start3A_40 = tpu.memref_squeeze %dma_start3A_39 : memref<1x128xf32, #tpu.memory_space<vmem>> -> memref<128xf32, #tpu.memory_space<vmem>>
        %dma_start3A_41 = arith.constant 0 : i32
        %dma_start3A_42 = tpu.memref_slice %arg7[%run_scoped3A_37, %dma_start3A_41] : memref<8x128xi32, #tpu.memory_space<vmem>> -> memref<1x128xi32, #tpu.memory_space<vmem>>
        %dma_start3A_43 = tpu.memref_squeeze %dma_start3A_42 : memref<1x128xi32, #tpu.memory_space<vmem>> -> memref<128xi32, #tpu.memory_space<vmem>>
        %dma_start3A_44 = arith.constant 0 : i32
        %dma_start3A_45 = tpu.memref_slice %arg6[%dma_start3A_44] : memref<100352xf32, #tpu.memory_space<vmem_shared>> -> memref<100352xf32, #tpu.memory_space<vmem_shared>>
        tpu.enqueue_indirect_dma source(%dma_start3A_40 : memref<128xf32, #tpu.memory_space<vmem>>) target(%dma_start3A_45 : memref<100352xf32, #tpu.memory_space<vmem_shared>>) offsets(%dma_start3A_43 : memref<128xi32, #tpu.memory_space<vmem>>) semaphore(%run_scoped3A_38 : memref<!tpu.dma_semaphore, #tpu.memory_space<semaphore_mem>>) {add = true}
        %dma_wait3A = arith.constant 0 : i32
        %dma_wait3A_46 = tpu.memref_slice %arg8[%run_scoped3A_36, %dma_wait3A] : memref<8x128xf32, #tpu.memory_space<vmem>> -> memref<1x128xf32, #tpu.memory_space<vmem>>
        %dma_wait3A_47 = tpu.memref_squeeze %dma_wait3A_46 : memref<1x128xf32, #tpu.memory_space<vmem>> -> memref<128xf32, #tpu.memory_space<vmem>>
        %dma_wait3A_48 = arith.constant 0 : i32
        %dma_wait3A_49 = tpu.memref_slice %arg7[%run_scoped3A_37, %dma_wait3A_48] : memref<8x128xi32, #tpu.memory_space<vmem>> -> memref<1x128xi32, #tpu.memory_space<vmem>>
        %dma_wait3A_50 = tpu.memref_squeeze %dma_wait3A_49 : memref<1x128xi32, #tpu.memory_space<vmem>> -> memref<128xi32, #tpu.memory_space<vmem>>
        %dma_wait3A_51 = arith.constant 0 : i32
        %dma_wait3A_52 = tpu.memref_slice %arg6[%dma_wait3A_51] : memref<100352xf32, #tpu.memory_space<vmem_shared>> -> memref<100352xf32, #tpu.memory_space<vmem_shared>>
        tpu.wait_indirect_dma semaphore(%run_scoped3A_38 : memref<!tpu.dma_semaphore, #tpu.memory_space<semaphore_mem>>) src(%dma_wait3A_47 : memref<128xf32, #tpu.memory_space<vmem>>) dst(%dma_wait3A_52 : memref<100352xf32, #tpu.memory_space<vmem_shared>>)
        tpu.yield
      }) : () -> ()
    }
    %scan3A_7 = arith.constant 98 : i32
    %barrier3A_8 = arith.constant 0 : index
    tpu.barrier barrier_id(%barrier3A_8)
    "tpu.region"() ({
      %run_scoped3A = tpu.sem_alloc : memref<!tpu.dma_semaphore, #tpu.memory_space<semaphore_mem>>
      %dma_start3A = arith.constant 0 : i32
      %dma_start3A_17 = tpu.memref_slice %arg4[%dma_start3A] : memref<6272xf32, #tpu.memory_space<hbm>> -> memref<16xf32, #tpu.memory_space<hbm>>
      %dma_start3A_18 = arith.constant 0 : i32
      %dma_start3A_19 = tpu.memref_slice %arg4[%dma_start3A_18] : memref<6272xf32, #tpu.memory_space<hbm>> -> memref<16xf32, #tpu.memory_space<hbm>>
      tpu.enqueue_dma source(%dma_start3A_19 : memref<16xf32, #tpu.memory_space<hbm>>) target(%arg11 : memref<16xf32, #tpu.memory_space<vmem>>) target_semaphore(%run_scoped3A : memref<!tpu.dma_semaphore, #tpu.memory_space<semaphore_mem>>)
      %dma_wait3A = arith.constant 0 : i32
      %dma_wait3A_20 = tpu.memref_slice %arg4[%dma_wait3A] : memref<6272xf32, #tpu.memory_space<hbm>> -> memref<16xf32, #tpu.memory_space<hbm>>
      %dma_wait3A_21 = arith.constant 0 : i32
      %dma_wait3A_22 = tpu.memref_slice %arg4[%dma_wait3A_21] : memref<6272xf32, #tpu.memory_space<hbm>> -> memref<16xf32, #tpu.memory_space<hbm>>
      tpu.wait_dma2 semaphore(%run_scoped3A : memref<!tpu.dma_semaphore, #tpu.memory_space<semaphore_mem>>) src(%dma_wait3A_22 : memref<16xf32, #tpu.memory_space<hbm>>) dst(%arg11 : memref<16xf32, #tpu.memory_space<vmem>>)
      tpu.yield
    }) : () -> ()
    %mul3A_9 = arith.constant 6272 : i32
    %mul3A_10 = arith.muli %arg1, %mul3A_9 : i32
    "tpu.region"() ({
      %run_scoped3A = tpu.sem_alloc : memref<!tpu.dma_semaphore, #tpu.memory_space<semaphore_mem>>
      %dma_start3A = tpu.memref_slice %arg6[%mul3A_10] : memref<100352xf32, #tpu.memory_space<vmem_shared>> -> memref<6272xf32, #tpu.memory_space<vmem_shared>>
      %dma_start3A_17 = tpu.memref_slice %arg6[%mul3A_10] : memref<100352xf32, #tpu.memory_space<vmem_shared>> -> memref<6272xf32, #tpu.memory_space<vmem_shared>>
      tpu.enqueue_dma source(%dma_start3A_17 : memref<6272xf32, #tpu.memory_space<vmem_shared>>) target(%arg9 : memref<6272xf32, #tpu.memory_space<vmem>>) target_semaphore(%run_scoped3A : memref<!tpu.dma_semaphore, #tpu.memory_space<semaphore_mem>>)
      %dma_wait3A = tpu.memref_slice %arg6[%mul3A_10] : memref<100352xf32, #tpu.memory_space<vmem_shared>> -> memref<6272xf32, #tpu.memory_space<vmem_shared>>
      %dma_wait3A_18 = tpu.memref_slice %arg6[%mul3A_10] : memref<100352xf32, #tpu.memory_space<vmem_shared>> -> memref<6272xf32, #tpu.memory_space<vmem_shared>>
      tpu.wait_dma2 semaphore(%run_scoped3A : memref<!tpu.dma_semaphore, #tpu.memory_space<semaphore_mem>>) src(%dma_wait3A_18 : memref<6272xf32, #tpu.memory_space<vmem_shared>>) dst(%arg9 : memref<6272xf32, #tpu.memory_space<vmem>>)
      tpu.yield
    }) : () -> ()
    %scan3A_11 = arith.constant 0 : i32
    %scan3A_12 = arith.constant 0 : i32
    %scan3A_13 = arith.constant 49 : i32
    %scan3A_14 = arith.addi %scan3A_12, %scan3A_13 : i32
    %scan3A_15 = arith.constant 1 : i32
    scf.for %scan3A_17 = %scan3A_12 to %scan3A_14 step %scan3A_15  : i32 {
      %get3A = arith.constant 0 : index
      %get3A_18 = tpu.vector_load %arg11[%get3A] {strides = array<i32>} : memref<16xf32, #tpu.memory_space<vmem>>, vector<16xf32>,
      %get3A_19 = vector.shape_cast %get3A_18 : vector<16xf32> to vector<16xf32>
      %scan3A_20 = arith.constant 0 : i32
      %scan3A_21 = arith.constant 0 : i32
      %scan3A_22 = arith.constant 8 : i32
      %scan3A_23 = arith.addi %scan3A_21, %scan3A_22 : i32
      %scan3A_24 = arith.constant 1 : i32
      scf.for %scan3A_31 = %scan3A_21 to %scan3A_23 step %scan3A_24  : i32 {
        %mul3A_32 = arith.constant 128 : i32
        %mul3A_33 = arith.muli %scan3A_17, %mul3A_32 : i32
        %mul3A_34 = arith.constant 16 : i32
        %mul3A_35 = arith.muli %scan3A_31, %mul3A_34 : i32
        %add3A_36 = arith.addi %mul3A_33, %mul3A_35 : i32
        %get3A_37 = arith.index_cast %add3A_36 : i32 to index
        %get3A_38 = tpu.vector_load %arg9[%get3A_37] {strides = array<i32>} : memref<6272xf32, #tpu.memory_space<vmem>>, vector<16xf32>,
        %get3A_39 = vector.shape_cast %get3A_38 : vector<16xf32> to vector<16xf32>
        %broadcast_in_dim3A = arith.constant 0 : i32
        %broadcast_in_dim3A_40 = vector.broadcast %broadcast_in_dim3A : i32 to vector<16xi32>
        %lt3A = arith.constant 0 : i32
        %lt3A_41 = vector.broadcast %lt3A : i32 to vector<16xi32>
        %lt3A_42 = arith.cmpi slt, %broadcast_in_dim3A_40, %lt3A_41 : vector<16xi32>
        %add3A_43 = arith.constant 16 : i32
        %add3A_44 = vector.broadcast %add3A_43 : i32 to vector<16xi32>
        %add3A_45 = arith.addi %broadcast_in_dim3A_40, %add3A_44 : vector<16xi32>
        %select_n3A = arith.select %lt3A_42, %add3A_45, %broadcast_in_dim3A_40 : vector<16xi1>, vector<16xi32>
        %broadcast_in_dim3A_46 = vector.shape_cast %select_n3A : vector<16xi32> to vector<16x1xi32>
        %gather3A = vector.shape_cast %broadcast_in_dim3A_46 : vector<16x1xi32> to vector<16xi32>
        %gather3A_47 = tpu.dynamic_gather %get3A_39[%gather3A] in [0] : vector<16xf32>, vector<16xi32> -> vector<16xf32>
        %add3A_48 = arith.addf %gather3A_47, %get3A_19 : vector<16xf32>
        %mul3A_49 = arith.constant 16 : i32
        %mul3A_50 = arith.muli %scan3A_31, %mul3A_49 : i32
        %add3A_51 = arith.constant 0 : i32
        %add3A_52 = arith.addi %mul3A_50, %add3A_51 : i32
        %swap3A = arith.index_cast %add3A_52 : i32 to index
        %swap3A_53 = arith.constant 0 : index
        %swap3A_54 = tpu.vector_load %arg10[%swap3A, %swap3A_53] {strides = array<i32>} : memref<128x16xf32, #tpu.memory_space<vmem>>, vector<1x16xf32>,
        %swap3A_55 = vector.shape_cast %swap3A_54 : vector<1x16xf32> to vector<16xf32>
        %swap3A_56 = vector.shape_cast %add3A_48 : vector<16xf32> to vector<1x16xf32>
        tpu.vector_store %arg10[%swap3A, %swap3A_53], %swap3A_56 {strides = array<i32>} : memref<128x16xf32, #tpu.memory_space<vmem>>, vector<1x16xf32>,
        %broadcast_in_dim3A_57 = arith.constant 1 : i32
        %broadcast_in_dim3A_58 = vector.broadcast %broadcast_in_dim3A_57 : i32 to vector<16xi32>
        %lt3A_59 = arith.constant 0 : i32
        %lt3A_60 = vector.broadcast %lt3A_59 : i32 to vector<16xi32>
        %lt3A_61 = arith.cmpi slt, %broadcast_in_dim3A_58, %lt3A_60 : vector<16xi32>
        %add3A_62 = arith.constant 16 : i32
        %add3A_63 = vector.broadcast %add3A_62 : i32 to vector<16xi32>
        %add3A_64 = arith.addi %broadcast_in_dim3A_58, %add3A_63 : vector<16xi32>
        %select_n3A_65 = arith.select %lt3A_61, %add3A_64, %broadcast_in_dim3A_58 : vector<16xi1>, vector<16xi32>
        %broadcast_in_dim3A_66 = vector.shape_cast %select_n3A_65 : vector<16xi32> to vector<16x1xi32>
        %gather3A_67 = vector.shape_cast %broadcast_in_dim3A_66 : vector<16x1xi32> to vector<16xi32>
        %gather3A_68 = tpu.dynamic_gather %get3A_39[%gather3A_67] in [0] : vector<16xf32>, vector<16xi32> -> vector<16xf32>
        %add3A_69 = arith.addf %gather3A_68, %get3A_19 : vector<16xf32>
        %mul3A_70 = arith.constant 16 : i32
        %mul3A_71 = arith.muli %scan3A_31, %mul3A_70 : i32
        %add3A_72 = arith.constant 1 : i32
        %add3A_73 = arith.addi %mul3A_71, %add3A_72 : i32
        %swap3A_74 = arith.index_cast %add3A_73 : i32 to index
        %swap3A_75 = arith.constant 0 : index
        %swap3A_76 = tpu.vector_load %arg10[%swap3A_74, %swap3A_75] {strides = array<i32>} : memref<128x16xf32, #tpu.memory_space<vmem>>, vector<1x16xf32>,
        %swap3A_77 = vector.shape_cast %swap3A_76 : vector<1x16xf32> to vector<16xf32>
        %swap3A_78 = vector.shape_cast %add3A_69 : vector<16xf32> to vector<1x16xf32>
        tpu.vector_store %arg10[%swap3A_74, %swap3A_75], %swap3A_78 {strides = array<i32>} : memref<128x16xf32, #tpu.memory_space<vmem>>, vector<1x16xf32>,
        %broadcast_in_dim3A_79 = arith.constant 2 : i32
        %broadcast_in_dim3A_80 = vector.broadcast %broadcast_in_dim3A_79 : i32 to vector<16xi32>
        %lt3A_81 = arith.constant 0 : i32
        %lt3A_82 = vector.broadcast %lt3A_81 : i32 to vector<16xi32>
        %lt3A_83 = arith.cmpi slt, %broadcast_in_dim3A_80, %lt3A_82 : vector<16xi32>
        %add3A_84 = arith.constant 16 : i32
        %add3A_85 = vector.broadcast %add3A_84 : i32 to vector<16xi32>
        %add3A_86 = arith.addi %broadcast_in_dim3A_80, %add3A_85 : vector<16xi32>
        %select_n3A_87 = arith.select %lt3A_83, %add3A_86, %broadcast_in_dim3A_80 : vector<16xi1>, vector<16xi32>
        %broadcast_in_dim3A_88 = vector.shape_cast %select_n3A_87 : vector<16xi32> to vector<16x1xi32>
        %gather3A_89 = vector.shape_cast %broadcast_in_dim3A_88 : vector<16x1xi32> to vector<16xi32>
        %gather3A_90 = tpu.dynamic_gather %get3A_39[%gather3A_89] in [0] : vector<16xf32>, vector<16xi32> -> vector<16xf32>
        %add3A_91 = arith.addf %gather3A_90, %get3A_19 : vector<16xf32>
        %mul3A_92 = arith.constant 16 : i32
        %mul3A_93 = arith.muli %scan3A_31, %mul3A_92 : i32
        %add3A_94 = arith.constant 2 : i32
        %add3A_95 = arith.addi %mul3A_93, %add3A_94 : i32
        %swap3A_96 = arith.index_cast %add3A_95 : i32 to index
        %swap3A_97 = arith.constant 0 : index
        %swap3A_98 = tpu.vector_load %arg10[%swap3A_96, %swap3A_97] {strides = array<i32>} : memref<128x16xf32, #tpu.memory_space<vmem>>, vector<1x16xf32>,
        %swap3A_99 = vector.shape_cast %swap3A_98 : vector<1x16xf32> to vector<16xf32>
        %swap3A_100 = vector.shape_cast %add3A_91 : vector<16xf32> to vector<1x16xf32>
        tpu.vector_store %arg10[%swap3A_96, %swap3A_97], %swap3A_100 {strides = array<i32>} : memref<128x16xf32, #tpu.memory_space<vmem>>, vector<1x16xf32>,
        %broadcast_in_dim3A_101 = arith.constant 3 : i32
        %broadcast_in_dim3A_102 = vector.broadcast %broadcast_in_dim3A_101 : i32 to vector<16xi32>
        %lt3A_103 = arith.constant 0 : i32
        %lt3A_104 = vector.broadcast %lt3A_103 : i32 to vector<16xi32>
        %lt3A_105 = arith.cmpi slt, %broadcast_in_dim3A_102, %lt3A_104 : vector<16xi32>
        %add3A_106 = arith.constant 16 : i32
        %add3A_107 = vector.broadcast %add3A_106 : i32 to vector<16xi32>
        %add3A_108 = arith.addi %broadcast_in_dim3A_102, %add3A_107 : vector<16xi32>
        %select_n3A_109 = arith.select %lt3A_105, %add3A_108, %broadcast_in_dim3A_102 : vector<16xi1>, vector<16xi32>
        %broadcast_in_dim3A_110 = vector.shape_cast %select_n3A_109 : vector<16xi32> to vector<16x1xi32>
        %gather3A_111 = vector.shape_cast %broadcast_in_dim3A_110 : vector<16x1xi32> to vector<16xi32>
        %gather3A_112 = tpu.dynamic_gather %get3A_39[%gather3A_111] in [0] : vector<16xf32>, vector<16xi32> -> vector<16xf32>
        %add3A_113 = arith.addf %gather3A_112, %get3A_19 : vector<16xf32>
        %mul3A_114 = arith.constant 16 : i32
        %mul3A_115 = arith.muli %scan3A_31, %mul3A_114 : i32
        %add3A_116 = arith.constant 3 : i32
        %add3A_117 = arith.addi %mul3A_115, %add3A_116 : i32
        %swap3A_118 = arith.index_cast %add3A_117 : i32 to index
        %swap3A_119 = arith.constant 0 : index
        %swap3A_120 = tpu.vector_load %arg10[%swap3A_118, %swap3A_119] {strides = array<i32>} : memref<128x16xf32, #tpu.memory_space<vmem>>, vector<1x16xf32>,
        %swap3A_121 = vector.shape_cast %swap3A_120 : vector<1x16xf32> to vector<16xf32>
        %swap3A_122 = vector.shape_cast %add3A_113 : vector<16xf32> to vector<1x16xf32>
        tpu.vector_store %arg10[%swap3A_118, %swap3A_119], %swap3A_122 {strides = array<i32>} : memref<128x16xf32, #tpu.memory_space<vmem>>, vector<1x16xf32>,
        %broadcast_in_dim3A_123 = arith.constant 4 : i32
        %broadcast_in_dim3A_124 = vector.broadcast %broadcast_in_dim3A_123 : i32 to vector<16xi32>
        %lt3A_125 = arith.constant 0 : i32
        %lt3A_126 = vector.broadcast %lt3A_125 : i32 to vector<16xi32>
        %lt3A_127 = arith.cmpi slt, %broadcast_in_dim3A_124, %lt3A_126 : vector<16xi32>
        %add3A_128 = arith.constant 16 : i32
        %add3A_129 = vector.broadcast %add3A_128 : i32 to vector<16xi32>
        %add3A_130 = arith.addi %broadcast_in_dim3A_124, %add3A_129 : vector<16xi32>
        %select_n3A_131 = arith.select %lt3A_127, %add3A_130, %broadcast_in_dim3A_124 : vector<16xi1>, vector<16xi32>
        %broadcast_in_dim3A_132 = vector.shape_cast %select_n3A_131 : vector<16xi32> to vector<16x1xi32>
        %gather3A_133 = vector.shape_cast %broadcast_in_dim3A_132 : vector<16x1xi32> to vector<16xi32>
        %gather3A_134 = tpu.dynamic_gather %get3A_39[%gather3A_133] in [0] : vector<16xf32>, vector<16xi32> -> vector<16xf32>
        %add3A_135 = arith.addf %gather3A_134, %get3A_19 : vector<16xf32>
        %mul3A_136 = arith.constant 16 : i32
        %mul3A_137 = arith.muli %scan3A_31, %mul3A_136 : i32
        %add3A_138 = arith.constant 4 : i32
        %add3A_139 = arith.addi %mul3A_137, %add3A_138 : i32
        %swap3A_140 = arith.index_cast %add3A_139 : i32 to index
        %swap3A_141 = arith.constant 0 : index
        %swap3A_142 = tpu.vector_load %arg10[%swap3A_140, %swap3A_141] {strides = array<i32>} : memref<128x16xf32, #tpu.memory_space<vmem>>, vector<1x16xf32>,
        %swap3A_143 = vector.shape_cast %swap3A_142 : vector<1x16xf32> to vector<16xf32>
        %swap3A_144 = vector.shape_cast %add3A_135 : vector<16xf32> to vector<1x16xf32>
        tpu.vector_store %arg10[%swap3A_140, %swap3A_141], %swap3A_144 {strides = array<i32>} : memref<128x16xf32, #tpu.memory_space<vmem>>, vector<1x16xf32>,
        %broadcast_in_dim3A_145 = arith.constant 5 : i32
        %broadcast_in_dim3A_146 = vector.broadcast %broadcast_in_dim3A_145 : i32 to vector<16xi32>
        %lt3A_147 = arith.constant 0 : i32
        %lt3A_148 = vector.broadcast %lt3A_147 : i32 to vector<16xi32>
        %lt3A_149 = arith.cmpi slt, %broadcast_in_dim3A_146, %lt3A_148 : vector<16xi32>
        %add3A_150 = arith.constant 16 : i32
        %add3A_151 = vector.broadcast %add3A_150 : i32 to vector<16xi32>
        %add3A_152 = arith.addi %broadcast_in_dim3A_146, %add3A_151 : vector<16xi32>
        %select_n3A_153 = arith.select %lt3A_149, %add3A_152, %broadcast_in_dim3A_146 : vector<16xi1>, vector<16xi32>
        %broadcast_in_dim3A_154 = vector.shape_cast %select_n3A_153 : vector<16xi32> to vector<16x1xi32>
        %gather3A_155 = vector.shape_cast %broadcast_in_dim3A_154 : vector<16x1xi32> to vector<16xi32>
        %gather3A_156 = tpu.dynamic_gather %get3A_39[%gather3A_155] in [0] : vector<16xf32>, vector<16xi32> -> vector<16xf32>
        %add3A_157 = arith.addf %gather3A_156, %get3A_19 : vector<16xf32>
        %mul3A_158 = arith.constant 16 : i32
        %mul3A_159 = arith.muli %scan3A_31, %mul3A_158 : i32
        %add3A_160 = arith.constant 5 : i32
        %add3A_161 = arith.addi %mul3A_159, %add3A_160 : i32
        %swap3A_162 = arith.index_cast %add3A_161 : i32 to index
        %swap3A_163 = arith.constant 0 : index
        %swap3A_164 = tpu.vector_load %arg10[%swap3A_162, %swap3A_163] {strides = array<i32>} : memref<128x16xf32, #tpu.memory_space<vmem>>, vector<1x16xf32>,
        %swap3A_165 = vector.shape_cast %swap3A_164 : vector<1x16xf32> to vector<16xf32>
        %swap3A_166 = vector.shape_cast %add3A_157 : vector<16xf32> to vector<1x16xf32>
        tpu.vector_store %arg10[%swap3A_162, %swap3A_163], %swap3A_166 {strides = array<i32>} : memref<128x16xf32, #tpu.memory_space<vmem>>, vector<1x16xf32>,
        %broadcast_in_dim3A_167 = arith.constant 6 : i32
        %broadcast_in_dim3A_168 = vector.broadcast %broadcast_in_dim3A_167 : i32 to vector<16xi32>
        %lt3A_169 = arith.constant 0 : i32
        %lt3A_170 = vector.broadcast %lt3A_169 : i32 to vector<16xi32>
        %lt3A_171 = arith.cmpi slt, %broadcast_in_dim3A_168, %lt3A_170 : vector<16xi32>
        %add3A_172 = arith.constant 16 : i32
        %add3A_173 = vector.broadcast %add3A_172 : i32 to vector<16xi32>
        %add3A_174 = arith.addi %broadcast_in_dim3A_168, %add3A_173 : vector<16xi32>
        %select_n3A_175 = arith.select %lt3A_171, %add3A_174, %broadcast_in_dim3A_168 : vector<16xi1>, vector<16xi32>
        %broadcast_in_dim3A_176 = vector.shape_cast %select_n3A_175 : vector<16xi32> to vector<16x1xi32>
        %gather3A_177 = vector.shape_cast %broadcast_in_dim3A_176 : vector<16x1xi32> to vector<16xi32>
        %gather3A_178 = tpu.dynamic_gather %get3A_39[%gather3A_177] in [0] : vector<16xf32>, vector<16xi32> -> vector<16xf32>
        %add3A_179 = arith.addf %gather3A_178, %get3A_19 : vector<16xf32>
        %mul3A_180 = arith.constant 16 : i32
        %mul3A_181 = arith.muli %scan3A_31, %mul3A_180 : i32
        %add3A_182 = arith.constant 6 : i32
        %add3A_183 = arith.addi %mul3A_181, %add3A_182 : i32
        %swap3A_184 = arith.index_cast %add3A_183 : i32 to index
        %swap3A_185 = arith.constant 0 : index
        %swap3A_186 = tpu.vector_load %arg10[%swap3A_184, %swap3A_185] {strides = array<i32>} : memref<128x16xf32, #tpu.memory_space<vmem>>, vector<1x16xf32>,
        %swap3A_187 = vector.shape_cast %swap3A_186 : vector<1x16xf32> to vector<16xf32>
        %swap3A_188 = vector.shape_cast %add3A_179 : vector<16xf32> to vector<1x16xf32>
        tpu.vector_store %arg10[%swap3A_184, %swap3A_185], %swap3A_188 {strides = array<i32>} : memref<128x16xf32, #tpu.memory_space<vmem>>, vector<1x16xf32>,
        %broadcast_in_dim3A_189 = arith.constant 7 : i32
        %broadcast_in_dim3A_190 = vector.broadcast %broadcast_in_dim3A_189 : i32 to vector<16xi32>
        %lt3A_191 = arith.constant 0 : i32
        %lt3A_192 = vector.broadcast %lt3A_191 : i32 to vector<16xi32>
        %lt3A_193 = arith.cmpi slt, %broadcast_in_dim3A_190, %lt3A_192 : vector<16xi32>
        %add3A_194 = arith.constant 16 : i32
        %add3A_195 = vector.broadcast %add3A_194 : i32 to vector<16xi32>
        %add3A_196 = arith.addi %broadcast_in_dim3A_190, %add3A_195 : vector<16xi32>
        %select_n3A_197 = arith.select %lt3A_193, %add3A_196, %broadcast_in_dim3A_190 : vector<16xi1>, vector<16xi32>
        %broadcast_in_dim3A_198 = vector.shape_cast %select_n3A_197 : vector<16xi32> to vector<16x1xi32>
        %gather3A_199 = vector.shape_cast %broadcast_in_dim3A_198 : vector<16x1xi32> to vector<16xi32>
        %gather3A_200 = tpu.dynamic_gather %get3A_39[%gather3A_199] in [0] : vector<16xf32>, vector<16xi32> -> vector<16xf32>
        %add3A_201 = arith.addf %gather3A_200, %get3A_19 : vector<16xf32>
        %mul3A_202 = arith.constant 16 : i32
        %mul3A_203 = arith.muli %scan3A_31, %mul3A_202 : i32
        %add3A_204 = arith.constant 7 : i32
        %add3A_205 = arith.addi %mul3A_203, %add3A_204 : i32
        %swap3A_206 = arith.index_cast %add3A_205 : i32 to index
        %swap3A_207 = arith.constant 0 : index
        %swap3A_208 = tpu.vector_load %arg10[%swap3A_206, %swap3A_207] {strides = array<i32>} : memref<128x16xf32, #tpu.memory_space<vmem>>, vector<1x16xf32>,
        %swap3A_209 = vector.shape_cast %swap3A_208 : vector<1x16xf32> to vector<16xf32>
        %swap3A_210 = vector.shape_cast %add3A_201 : vector<16xf32> to vector<1x16xf32>
        tpu.vector_store %arg10[%swap3A_206, %swap3A_207], %swap3A_210 {strides = array<i32>} : memref<128x16xf32, #tpu.memory_space<vmem>>, vector<1x16xf32>,
        %broadcast_in_dim3A_211 = arith.constant 8 : i32
        %broadcast_in_dim3A_212 = vector.broadcast %broadcast_in_dim3A_211 : i32 to vector<16xi32>
        %lt3A_213 = arith.constant 0 : i32
        %lt3A_214 = vector.broadcast %lt3A_213 : i32 to vector<16xi32>
        %lt3A_215 = arith.cmpi slt, %broadcast_in_dim3A_212, %lt3A_214 : vector<16xi32>
        %add3A_216 = arith.constant 16 : i32
        %add3A_217 = vector.broadcast %add3A_216 : i32 to vector<16xi32>
        %add3A_218 = arith.addi %broadcast_in_dim3A_212, %add3A_217 : vector<16xi32>
        %select_n3A_219 = arith.select %lt3A_215, %add3A_218, %broadcast_in_dim3A_212 : vector<16xi1>, vector<16xi32>
        %broadcast_in_dim3A_220 = vector.shape_cast %select_n3A_219 : vector<16xi32> to vector<16x1xi32>
        %gather3A_221 = vector.shape_cast %broadcast_in_dim3A_220 : vector<16x1xi32> to vector<16xi32>
        %gather3A_222 = tpu.dynamic_gather %get3A_39[%gather3A_221] in [0] : vector<16xf32>, vector<16xi32> -> vector<16xf32>
        %add3A_223 = arith.addf %gather3A_222, %get3A_19 : vector<16xf32>
        %mul3A_224 = arith.constant 16 : i32
        %mul3A_225 = arith.muli %scan3A_31, %mul3A_224 : i32
        %add3A_226 = arith.constant 8 : i32
        %add3A_227 = arith.addi %mul3A_225, %add3A_226 : i32
        %swap3A_228 = arith.index_cast %add3A_227 : i32 to index
        %swap3A_229 = arith.constant 0 : index
        %swap3A_230 = tpu.vector_load %arg10[%swap3A_228, %swap3A_229] {strides = array<i32>} : memref<128x16xf32, #tpu.memory_space<vmem>>, vector<1x16xf32>,
        %swap3A_231 = vector.shape_cast %swap3A_230 : vector<1x16xf32> to vector<16xf32>
        %swap3A_232 = vector.shape_cast %add3A_223 : vector<16xf32> to vector<1x16xf32>
        tpu.vector_store %arg10[%swap3A_228, %swap3A_229], %swap3A_232 {strides = array<i32>} : memref<128x16xf32, #tpu.memory_space<vmem>>, vector<1x16xf32>,
        %broadcast_in_dim3A_233 = arith.constant 9 : i32
        %broadcast_in_dim3A_234 = vector.broadcast %broadcast_in_dim3A_233 : i32 to vector<16xi32>
        %lt3A_235 = arith.constant 0 : i32
        %lt3A_236 = vector.broadcast %lt3A_235 : i32 to vector<16xi32>
        %lt3A_237 = arith.cmpi slt, %broadcast_in_dim3A_234, %lt3A_236 : vector<16xi32>
        %add3A_238 = arith.constant 16 : i32
        %add3A_239 = vector.broadcast %add3A_238 : i32 to vector<16xi32>
        %add3A_240 = arith.addi %broadcast_in_dim3A_234, %add3A_239 : vector<16xi32>
        %select_n3A_241 = arith.select %lt3A_237, %add3A_240, %broadcast_in_dim3A_234 : vector<16xi1>, vector<16xi32>
        %broadcast_in_dim3A_242 = vector.shape_cast %select_n3A_241 : vector<16xi32> to vector<16x1xi32>
        %gather3A_243 = vector.shape_cast %broadcast_in_dim3A_242 : vector<16x1xi32> to vector<16xi32>
        %gather3A_244 = tpu.dynamic_gather %get3A_39[%gather3A_243] in [0] : vector<16xf32>, vector<16xi32> -> vector<16xf32>
        %add3A_245 = arith.addf %gather3A_244, %get3A_19 : vector<16xf32>
        %mul3A_246 = arith.constant 16 : i32
        %mul3A_247 = arith.muli %scan3A_31, %mul3A_246 : i32
        %add3A_248 = arith.constant 9 : i32
        %add3A_249 = arith.addi %mul3A_247, %add3A_248 : i32
        %swap3A_250 = arith.index_cast %add3A_249 : i32 to index
        %swap3A_251 = arith.constant 0 : index
        %swap3A_252 = tpu.vector_load %arg10[%swap3A_250, %swap3A_251] {strides = array<i32>} : memref<128x16xf32, #tpu.memory_space<vmem>>, vector<1x16xf32>,
        %swap3A_253 = vector.shape_cast %swap3A_252 : vector<1x16xf32> to vector<16xf32>
        %swap3A_254 = vector.shape_cast %add3A_245 : vector<16xf32> to vector<1x16xf32>
        tpu.vector_store %arg10[%swap3A_250, %swap3A_251], %swap3A_254 {strides = array<i32>} : memref<128x16xf32, #tpu.memory_space<vmem>>, vector<1x16xf32>,
        %broadcast_in_dim3A_255 = arith.constant 10 : i32
        %broadcast_in_dim3A_256 = vector.broadcast %broadcast_in_dim3A_255 : i32 to vector<16xi32>
        %lt3A_257 = arith.constant 0 : i32
        %lt3A_258 = vector.broadcast %lt3A_257 : i32 to vector<16xi32>
        %lt3A_259 = arith.cmpi slt, %broadcast_in_dim3A_256, %lt3A_258 : vector<16xi32>
        %add3A_260 = arith.constant 16 : i32
        %add3A_261 = vector.broadcast %add3A_260 : i32 to vector<16xi32>
        %add3A_262 = arith.addi %broadcast_in_dim3A_256, %add3A_261 : vector<16xi32>
        %select_n3A_263 = arith.select %lt3A_259, %add3A_262, %broadcast_in_dim3A_256 : vector<16xi1>, vector<16xi32>
        %broadcast_in_dim3A_264 = vector.shape_cast %select_n3A_263 : vector<16xi32> to vector<16x1xi32>
        %gather3A_265 = vector.shape_cast %broadcast_in_dim3A_264 : vector<16x1xi32> to vector<16xi32>
        %gather3A_266 = tpu.dynamic_gather %get3A_39[%gather3A_265] in [0] : vector<16xf32>, vector<16xi32> -> vector<16xf32>
        %add3A_267 = arith.addf %gather3A_266, %get3A_19 : vector<16xf32>
        %mul3A_268 = arith.constant 16 : i32
        %mul3A_269 = arith.muli %scan3A_31, %mul3A_268 : i32
        %add3A_270 = arith.constant 10 : i32
        %add3A_271 = arith.addi %mul3A_269, %add3A_270 : i32
        %swap3A_272 = arith.index_cast %add3A_271 : i32 to index
        %swap3A_273 = arith.constant 0 : index
        %swap3A_274 = tpu.vector_load %arg10[%swap3A_272, %swap3A_273] {strides = array<i32>} : memref<128x16xf32, #tpu.memory_space<vmem>>, vector<1x16xf32>,
        %swap3A_275 = vector.shape_cast %swap3A_274 : vector<1x16xf32> to vector<16xf32>
        %swap3A_276 = vector.shape_cast %add3A_267 : vector<16xf32> to vector<1x16xf32>
        tpu.vector_store %arg10[%swap3A_272, %swap3A_273], %swap3A_276 {strides = array<i32>} : memref<128x16xf32, #tpu.memory_space<vmem>>, vector<1x16xf32>,
        %broadcast_in_dim3A_277 = arith.constant 11 : i32
        %broadcast_in_dim3A_278 = vector.broadcast %broadcast_in_dim3A_277 : i32 to vector<16xi32>
        %lt3A_279 = arith.constant 0 : i32
        %lt3A_280 = vector.broadcast %lt3A_279 : i32 to vector<16xi32>
        %lt3A_281 = arith.cmpi slt, %broadcast_in_dim3A_278, %lt3A_280 : vector<16xi32>
        %add3A_282 = arith.constant 16 : i32
        %add3A_283 = vector.broadcast %add3A_282 : i32 to vector<16xi32>
        %add3A_284 = arith.addi %broadcast_in_dim3A_278, %add3A_283 : vector<16xi32>
        %select_n3A_285 = arith.select %lt3A_281, %add3A_284, %broadcast_in_dim3A_278 : vector<16xi1>, vector<16xi32>
        %broadcast_in_dim3A_286 = vector.shape_cast %select_n3A_285 : vector<16xi32> to vector<16x1xi32>
        %gather3A_287 = vector.shape_cast %broadcast_in_dim3A_286 : vector<16x1xi32> to vector<16xi32>
        %gather3A_288 = tpu.dynamic_gather %get3A_39[%gather3A_287] in [0] : vector<16xf32>, vector<16xi32> -> vector<16xf32>
        %add3A_289 = arith.addf %gather3A_288, %get3A_19 : vector<16xf32>
        %mul3A_290 = arith.constant 16 : i32
        %mul3A_291 = arith.muli %scan3A_31, %mul3A_290 : i32
        %add3A_292 = arith.constant 11 : i32
        %add3A_293 = arith.addi %mul3A_291, %add3A_292 : i32
        %swap3A_294 = arith.index_cast %add3A_293 : i32 to index
        %swap3A_295 = arith.constant 0 : index
        %swap3A_296 = tpu.vector_load %arg10[%swap3A_294, %swap3A_295] {strides = array<i32>} : memref<128x16xf32, #tpu.memory_space<vmem>>, vector<1x16xf32>,
        %swap3A_297 = vector.shape_cast %swap3A_296 : vector<1x16xf32> to vector<16xf32>
        %swap3A_298 = vector.shape_cast %add3A_289 : vector<16xf32> to vector<1x16xf32>
        tpu.vector_store %arg10[%swap3A_294, %swap3A_295], %swap3A_298 {strides = array<i32>} : memref<128x16xf32, #tpu.memory_space<vmem>>, vector<1x16xf32>,
        %broadcast_in_dim3A_299 = arith.constant 12 : i32
        %broadcast_in_dim3A_300 = vector.broadcast %broadcast_in_dim3A_299 : i32 to vector<16xi32>
        %lt3A_301 = arith.constant 0 : i32
        %lt3A_302 = vector.broadcast %lt3A_301 : i32 to vector<16xi32>
        %lt3A_303 = arith.cmpi slt, %broadcast_in_dim3A_300, %lt3A_302 : vector<16xi32>
        %add3A_304 = arith.constant 16 : i32
        %add3A_305 = vector.broadcast %add3A_304 : i32 to vector<16xi32>
        %add3A_306 = arith.addi %broadcast_in_dim3A_300, %add3A_305 : vector<16xi32>
        %select_n3A_307 = arith.select %lt3A_303, %add3A_306, %broadcast_in_dim3A_300 : vector<16xi1>, vector<16xi32>
        %broadcast_in_dim3A_308 = vector.shape_cast %select_n3A_307 : vector<16xi32> to vector<16x1xi32>
        %gather3A_309 = vector.shape_cast %broadcast_in_dim3A_308 : vector<16x1xi32> to vector<16xi32>
        %gather3A_310 = tpu.dynamic_gather %get3A_39[%gather3A_309] in [0] : vector<16xf32>, vector<16xi32> -> vector<16xf32>
        %add3A_311 = arith.addf %gather3A_310, %get3A_19 : vector<16xf32>
        %mul3A_312 = arith.constant 16 : i32
        %mul3A_313 = arith.muli %scan3A_31, %mul3A_312 : i32
        %add3A_314 = arith.constant 12 : i32
        %add3A_315 = arith.addi %mul3A_313, %add3A_314 : i32
        %swap3A_316 = arith.index_cast %add3A_315 : i32 to index
        %swap3A_317 = arith.constant 0 : index
        %swap3A_318 = tpu.vector_load %arg10[%swap3A_316, %swap3A_317] {strides = array<i32>} : memref<128x16xf32, #tpu.memory_space<vmem>>, vector<1x16xf32>,
        %swap3A_319 = vector.shape_cast %swap3A_318 : vector<1x16xf32> to vector<16xf32>
        %swap3A_320 = vector.shape_cast %add3A_311 : vector<16xf32> to vector<1x16xf32>
        tpu.vector_store %arg10[%swap3A_316, %swap3A_317], %swap3A_320 {strides = array<i32>} : memref<128x16xf32, #tpu.memory_space<vmem>>, vector<1x16xf32>,
        %broadcast_in_dim3A_321 = arith.constant 13 : i32
        %broadcast_in_dim3A_322 = vector.broadcast %broadcast_in_dim3A_321 : i32 to vector<16xi32>
        %lt3A_323 = arith.constant 0 : i32
        %lt3A_324 = vector.broadcast %lt3A_323 : i32 to vector<16xi32>
        %lt3A_325 = arith.cmpi slt, %broadcast_in_dim3A_322, %lt3A_324 : vector<16xi32>
        %add3A_326 = arith.constant 16 : i32
        %add3A_327 = vector.broadcast %add3A_326 : i32 to vector<16xi32>
        %add3A_328 = arith.addi %broadcast_in_dim3A_322, %add3A_327 : vector<16xi32>
        %select_n3A_329 = arith.select %lt3A_325, %add3A_328, %broadcast_in_dim3A_322 : vector<16xi1>, vector<16xi32>
        %broadcast_in_dim3A_330 = vector.shape_cast %select_n3A_329 : vector<16xi32> to vector<16x1xi32>
        %gather3A_331 = vector.shape_cast %broadcast_in_dim3A_330 : vector<16x1xi32> to vector<16xi32>
        %gather3A_332 = tpu.dynamic_gather %get3A_39[%gather3A_331] in [0] : vector<16xf32>, vector<16xi32> -> vector<16xf32>
        %add3A_333 = arith.addf %gather3A_332, %get3A_19 : vector<16xf32>
        %mul3A_334 = arith.constant 16 : i32
        %mul3A_335 = arith.muli %scan3A_31, %mul3A_334 : i32
        %add3A_336 = arith.constant 13 : i32
        %add3A_337 = arith.addi %mul3A_335, %add3A_336 : i32
        %swap3A_338 = arith.index_cast %add3A_337 : i32 to index
        %swap3A_339 = arith.constant 0 : index
        %swap3A_340 = tpu.vector_load %arg10[%swap3A_338, %swap3A_339] {strides = array<i32>} : memref<128x16xf32, #tpu.memory_space<vmem>>, vector<1x16xf32>,
        %swap3A_341 = vector.shape_cast %swap3A_340 : vector<1x16xf32> to vector<16xf32>
        %swap3A_342 = vector.shape_cast %add3A_333 : vector<16xf32> to vector<1x16xf32>
        tpu.vector_store %arg10[%swap3A_338, %swap3A_339], %swap3A_342 {strides = array<i32>} : memref<128x16xf32, #tpu.memory_space<vmem>>, vector<1x16xf32>,
        %broadcast_in_dim3A_343 = arith.constant 14 : i32
        %broadcast_in_dim3A_344 = vector.broadcast %broadcast_in_dim3A_343 : i32 to vector<16xi32>
        %lt3A_345 = arith.constant 0 : i32
        %lt3A_346 = vector.broadcast %lt3A_345 : i32 to vector<16xi32>
        %lt3A_347 = arith.cmpi slt, %broadcast_in_dim3A_344, %lt3A_346 : vector<16xi32>
        %add3A_348 = arith.constant 16 : i32
        %add3A_349 = vector.broadcast %add3A_348 : i32 to vector<16xi32>
        %add3A_350 = arith.addi %broadcast_in_dim3A_344, %add3A_349 : vector<16xi32>
        %select_n3A_351 = arith.select %lt3A_347, %add3A_350, %broadcast_in_dim3A_344 : vector<16xi1>, vector<16xi32>
        %broadcast_in_dim3A_352 = vector.shape_cast %select_n3A_351 : vector<16xi32> to vector<16x1xi32>
        %gather3A_353 = vector.shape_cast %broadcast_in_dim3A_352 : vector<16x1xi32> to vector<16xi32>
        %gather3A_354 = tpu.dynamic_gather %get3A_39[%gather3A_353] in [0] : vector<16xf32>, vector<16xi32> -> vector<16xf32>
        %add3A_355 = arith.addf %gather3A_354, %get3A_19 : vector<16xf32>
        %mul3A_356 = arith.constant 16 : i32
        %mul3A_357 = arith.muli %scan3A_31, %mul3A_356 : i32
        %add3A_358 = arith.constant 14 : i32
        %add3A_359 = arith.addi %mul3A_357, %add3A_358 : i32
        %swap3A_360 = arith.index_cast %add3A_359 : i32 to index
        %swap3A_361 = arith.constant 0 : index
        %swap3A_362 = tpu.vector_load %arg10[%swap3A_360, %swap3A_361] {strides = array<i32>} : memref<128x16xf32, #tpu.memory_space<vmem>>, vector<1x16xf32>,
        %swap3A_363 = vector.shape_cast %swap3A_362 : vector<1x16xf32> to vector<16xf32>
        %swap3A_364 = vector.shape_cast %add3A_355 : vector<16xf32> to vector<1x16xf32>
        tpu.vector_store %arg10[%swap3A_360, %swap3A_361], %swap3A_364 {strides = array<i32>} : memref<128x16xf32, #tpu.memory_space<vmem>>, vector<1x16xf32>,
        %broadcast_in_dim3A_365 = arith.constant 15 : i32
        %broadcast_in_dim3A_366 = vector.broadcast %broadcast_in_dim3A_365 : i32 to vector<16xi32>
        %lt3A_367 = arith.constant 0 : i32
        %lt3A_368 = vector.broadcast %lt3A_367 : i32 to vector<16xi32>
        %lt3A_369 = arith.cmpi slt, %broadcast_in_dim3A_366, %lt3A_368 : vector<16xi32>
        %add3A_370 = arith.constant 16 : i32
        %add3A_371 = vector.broadcast %add3A_370 : i32 to vector<16xi32>
        %add3A_372 = arith.addi %broadcast_in_dim3A_366, %add3A_371 : vector<16xi32>
        %select_n3A_373 = arith.select %lt3A_369, %add3A_372, %broadcast_in_dim3A_366 : vector<16xi1>, vector<16xi32>
        %broadcast_in_dim3A_374 = vector.shape_cast %select_n3A_373 : vector<16xi32> to vector<16x1xi32>
        %gather3A_375 = vector.shape_cast %broadcast_in_dim3A_374 : vector<16x1xi32> to vector<16xi32>
        %gather3A_376 = tpu.dynamic_gather %get3A_39[%gather3A_375] in [0] : vector<16xf32>, vector<16xi32> -> vector<16xf32>
        %add3A_377 = arith.addf %gather3A_376, %get3A_19 : vector<16xf32>
        %mul3A_378 = arith.constant 16 : i32
        %mul3A_379 = arith.muli %scan3A_31, %mul3A_378 : i32
        %add3A_380 = arith.constant 15 : i32
        %add3A_381 = arith.addi %mul3A_379, %add3A_380 : i32
        %swap3A_382 = arith.index_cast %add3A_381 : i32 to index
        %swap3A_383 = arith.constant 0 : index
        %swap3A_384 = tpu.vector_load %arg10[%swap3A_382, %swap3A_383] {strides = array<i32>} : memref<128x16xf32, #tpu.memory_space<vmem>>, vector<1x16xf32>,
        %swap3A_385 = vector.shape_cast %swap3A_384 : vector<1x16xf32> to vector<16xf32>
        %swap3A_386 = vector.shape_cast %add3A_377 : vector<16xf32> to vector<1x16xf32>
        tpu.vector_store %arg10[%swap3A_382, %swap3A_383], %swap3A_386 {strides = array<i32>} : memref<128x16xf32, #tpu.memory_space<vmem>>, vector<1x16xf32>,
      }
      %scan3A_25 = arith.constant 8 : i32
      %mul3A_26 = arith.constant 6272 : i32
      %mul3A_27 = arith.muli %arg1, %mul3A_26 : i32
      %mul3A_28 = arith.constant 128 : i32
      %mul3A_29 = arith.muli %scan3A_17, %mul3A_28 : i32
      %add3A_30 = arith.addi %mul3A_27, %mul3A_29 : i32
      "tpu.region"() ({
        %run_scoped3A = tpu.sem_alloc : memref<!tpu.dma_semaphore, #tpu.memory_space<semaphore_mem>>
        %dma_start3A = arith.constant 0 : i32
        %dma_start3A_31 = tpu.memref_slice %arg5[%arg0, %add3A_30, %dma_start3A] : memref<2x100352x16xf32, #tpu.memory_space<hbm>> -> memref<1x128x16xf32, #tpu.memory_space<hbm>>
        %dma_start3A_32 = tpu.memref_squeeze %dma_start3A_31 : memref<1x128x16xf32, #tpu.memory_space<hbm>> -> memref<128x16xf32, #tpu.memory_space<hbm>>
        %dma_start3A_33 = arith.constant 0 : i32
        %dma_start3A_34 = tpu.memref_slice %arg5[%arg0, %add3A_30, %dma_start3A_33] : memref<2x100352x16xf32, #tpu.memory_space<hbm>> -> memref<1x128x16xf32, #tpu.memory_space<hbm>>
        %dma_start3A_35 = tpu.memref_squeeze %dma_start3A_34 : memref<1x128x16xf32, #tpu.memory_space<hbm>> -> memref<128x16xf32, #tpu.memory_space<hbm>>
        tpu.enqueue_dma source(%arg10 : memref<128x16xf32, #tpu.memory_space<vmem>>) target(%dma_start3A_35 : memref<128x16xf32, #tpu.memory_space<hbm>>) target_semaphore(%run_scoped3A : memref<!tpu.dma_semaphore, #tpu.memory_space<semaphore_mem>>)
        %dma_wait3A = arith.constant 0 : i32
        %dma_wait3A_36 = tpu.memref_slice %arg5[%arg0, %add3A_30, %dma_wait3A] : memref<2x100352x16xf32, #tpu.memory_space<hbm>> -> memref<1x128x16xf32, #tpu.memory_space<hbm>>
        %dma_wait3A_37 = tpu.memref_squeeze %dma_wait3A_36 : memref<1x128x16xf32, #tpu.memory_space<hbm>> -> memref<128x16xf32, #tpu.memory_space<hbm>>
        %dma_wait3A_38 = arith.constant 0 : i32
        %dma_wait3A_39 = tpu.memref_slice %arg5[%arg0, %add3A_30, %dma_wait3A_38] : memref<2x100352x16xf32, #tpu.memory_space<hbm>> -> memref<1x128x16xf32, #tpu.memory_space<hbm>>
        %dma_wait3A_40 = tpu.memref_squeeze %dma_wait3A_39 : memref<1x128x16xf32, #tpu.memory_space<hbm>> -> memref<128x16xf32, #tpu.memory_space<hbm>>
        tpu.wait_dma2 semaphore(%run_scoped3A : memref<!tpu.dma_semaphore, #tpu.memory_space<semaphore_mem>>) src(%arg10 : memref<128x16xf32, #tpu.memory_space<vmem>>) dst(%dma_wait3A_40 : memref<128x16xf32, #tpu.memory_space<hbm>>)
        tpu.yield
      }) : () -> ()
    }
    %scan3A_16 = arith.constant 49 : i32
    return
  }
}

module attributes {stable_mosaic.version = 14 : i64} {
  func.func @body(%arg0: i32, %arg1: memref<2x2048x16xf32, #tpu.memory_space<vmem>>, %arg2: memref<2048x16xf32, #tpu.memory_space<vmem>>, %arg3: memref<2048x16xf32, #tpu.memory_space<vmem>>, %arg4: memref<2048x16xf32, #tpu.memory_space<vmem>>) attributes {dimension_semantics = [#tpu.dimension_semantics<arbitrary>], iteration_bounds = array<i64: 49>, scalar_prefetch = 0 : i64, scratch_operands = 0 : i64, tpu.core_type = #tpu.core_type<tc>, window_params = [{transform_indices = @transform_0, window_bounds = array<i64: 2, 2048, 16>}, {transform_indices = @transform_1, window_bounds = array<i64: 2048, 16>}, {transform_indices = @transform_2, window_bounds = array<i64: 2048, 16>}, {transform_indices = @transform_3, window_bounds = array<i64: 2048, 16>}]} {
    %get3A = arith.constant 0 : index
    %get3A_0 = arith.constant 0 : index
    %get3A_1 = arith.constant 0 : index
    %get3A_2 = vector.load %arg1[%get3A, %get3A_0, %get3A_1] : memref<2x2048x16xf32, #tpu.memory_space<vmem>>, vector<1x2048x16xf32>
    %get3A_3 = vector.shape_cast %get3A_2 : vector<1x2048x16xf32> to vector<2048x16xf32>
    %get3A_4 = arith.constant 1 : index
    %get3A_5 = arith.constant 0 : index
    %get3A_6 = arith.constant 0 : index
    %get3A_7 = vector.load %arg1[%get3A_4, %get3A_5, %get3A_6] : memref<2x2048x16xf32, #tpu.memory_space<vmem>>, vector<1x2048x16xf32>
    %get3A_8 = vector.shape_cast %get3A_7 : vector<1x2048x16xf32> to vector<2048x16xf32>
    %add3A = arith.addf %get3A_3, %get3A_8 : vector<2048x16xf32>
    %add3A_9 = arith.constant 1.000000e+00 : f32
    %add3A_10 = vector.broadcast %add3A_9 : f32 to vector<2048x16xf32>
    %add3A_11 = arith.addf %add3A, %add3A_10 : vector<2048x16xf32>
    %rsqrt3A = math.rsqrt %add3A_11 : vector<2048x16xf32>
    %swap3A = arith.constant 0 : index
    %swap3A_12 = arith.constant 0 : index
    %swap3A_13 = vector.load %arg3[%swap3A, %swap3A_12] : memref<2048x16xf32, #tpu.memory_space<vmem>>, vector<2048x16xf32>
    tpu.vector_store %arg3[%swap3A, %swap3A_12], %rsqrt3A {strides = array<i32>} : memref<2048x16xf32, #tpu.memory_space<vmem>>, vector<2048x16xf32>,
    %get3A_14 = arith.constant 0 : index
    %get3A_15 = arith.constant 0 : index
    %get3A_16 = vector.load %arg2[%get3A_14, %get3A_15] : memref<2048x16xf32, #tpu.memory_space<vmem>>, vector<2048x16xf32>
    %mul3A = arith.mulf %get3A_16, %rsqrt3A : vector<2048x16xf32>
    %swap3A_17 = arith.constant 0 : index
    %swap3A_18 = arith.constant 0 : index
    %swap3A_19 = vector.load %arg4[%swap3A_17, %swap3A_18] : memref<2048x16xf32, #tpu.memory_space<vmem>>, vector<2048x16xf32>
    tpu.vector_store %arg4[%swap3A_17, %swap3A_18], %mul3A {strides = array<i32>} : memref<2048x16xf32, #tpu.memory_space<vmem>>, vector<2048x16xf32>,
    return
  }
  func.func @transform_0(%arg0: i32) -> (i32, i32, i32) {
    %c0_i32 = arith.constant 0 : i32
    %c0_i32_0 = arith.constant 0 : i32
    %c0_i32_1 = arith.constant 0 : i32
    return %c0_i32, %arg0, %c0_i32_0 : i32, i32, i32
  }
  func.func @transform_1(%arg0: i32) -> (i32, i32) {
    %c0_i32 = arith.constant 0 : i32
    %c0_i32_0 = arith.constant 0 : i32
    return %arg0, %c0_i32 : i32, i32
  }
  func.func @transform_2(%arg0: i32) -> (i32, i32) {
    %c0_i32 = arith.constant 0 : i32
    %c0_i32_0 = arith.constant 0 : i32
    return %arg0, %c0_i32 : i32, i32
  }
  func.func @transform_3(%arg0: i32) -> (i32, i32) {
    %c0_i32 = arith.constant 0 : i32
    %c0_i32_0 = arith.constant 0 : i32
    return %arg0, %c0_i32 : i32, i32
  }
}

</mosaic_0001>

<sc_bundles>
// kernel: kernel.4.cloned.1.call-start
scs
__scs_entry_jumppad:
0x0: {  	(pc) =	sbr.rel $0x88, $3  }
0x1: {  	(tag) =	ssettag $0x0;
	lr =	simm.s32 $0x1  }
0x2: {  	[smem:$0x3F9A] =	sst lr;
	_ =	strace $0xD0000000  }
0x3: {  	_ = 	snop  }
0x4: {  	_ = 	snop  }
0x5: {  	_ = 	snop  }
0x6: {  	_ = 	snop  }
0x7: {  	_ = 	snop  }
__scs_overlays_trampoline_lowered:
0x8: {  	[smem:$0x3FA9] =	sst s0  }
0x9: {  	[smem:$0x3FAA] =	sst s1  }
0xa: {  	[smem:$0x3FAB] =	sst s2  }
0xb: {  	[smem:$0x3FAC] =	sst s3  }
0xc: {  	[smem:$0x3FAD] =	sst s4  }
0xd: {  	[smem:$0x3FAE] =	sst s5  }
0xe: {  	[smem:$0x3FAF] =	sst s6  }
0xf: {  	[smem:$0x3FB0] =	sst s7  }
0x10: {  	[smem:$0x3FB1] =	sst s8  }
0x11: {  	[smem:$0x3FB2] =	sst s9;
	s0 =	simm.s32 @!p0 $0x0  }
0x12: {  	s1 =	sld [smem:$0x3F98];
	s0 =	simm.s32 @p0 $0x1  }
0x13: {  	[smem:$0x3FB3] =	sst s0;
	s0 =	simm.s32 @!p1 $0x0  }
0x14: {  	s2 =	sld [smem:$0x3F97];
	s0 =	simm.s32 @p1 $0x1  }
0x15: {  	[smem:$0x3FB4] =	sst s0;
	s0 =	simm.s32 @!p2 $0x0  }
0x16: {  	s3 =	sld [smem:$0x3FDB];
	s0 =	simm.s32 @p2 $0x1  }
0x17: {  	s4 =	simm.s32 $0x1BF5;
	[smem:$0x3FB6] =	sst s0  }
0x18: {  	s0 =	sld [smem:$0x3F99];
	_ =	swait.ge [sflag:s4], $0x0  }
0x19: {  	s7 =	sld [smem:$0x3F9A]  }
0x1a: {  	s8 =	sadd.s32 $0xFFFFE003, lr  }
0x1b: {  	s9 =	sadd.s32 $0xFFFFFEF7, lr;
	s5 =	simm.s32 $0xFFFFFFFF;
	p2 =	slt.u32 s8, $0xFFFFF086  }
0x1c: {  	p1 =	slt.u32 s9, $0xF7A;
	s5 =	simm.s32 @!p2 $0x0  }
0x1d: {  	s5 =	simm.s32 @p1 $0x1;
	p0 =	seq.s32 s7, s2  }
0x1e: {  	s7 =	smul.u32 @!p0 $0xF7A, s2;
	p2 =	seq.s32 @!p0 s5, $0x0  }
0x1f: {  	s9 =	smul.u32 $0xF7A, s1;
	s8 =	simm.s32 @!p0 $0x1BF5;
	p2 =	por !p2, p0  }
0x20: {  	[sflag:s8] =	ssyncset.s32 @!p0 $0xFFFFF086;
	s6 =	sadd.s32 @!p0 s3, s7;
	s7 =	simm.s32 @!p0 $0x108  }
0x21: {  	s3 =	sadd.s32 s3, s9;
	s6 =	sadd.s32 @!p0 $0x88, s6;
	s7 =	simm.s32 @p2 $0x1082  }
0x22: {  	[simem:s7], [sflag:s8] =	dma.local @!p0 [hbm:s6], $0xF7A  }
0x23: {  	s9 =	sor.u32 $0xD0000000, s2;
	s6 =	simm.s32 $0x108;
	_ =	swait.ge @!p0 [sflag:s8], $0x0  }
0x24: {  	s3 =	sadd.s32 $0x88, s3;
	s6 =	simm.s32 @!p1 $0x1082;
	[sflag:s4] =	ssyncset.s32 $0xFFFFF086  }
0x25: {  	[simem:s6], [sflag:s4] =	dma.local [hbm:s3], $0xF7A  }
0x26: {  	[smem:$0x3F9A] =	sst s1;
	(tag) =	ssettag s2;
	_ =	strace s9  }
0x27: {  	s1 =	sld [smem:$0x3FAA]  }
0x28: {  	s2 =	sld [smem:$0x3FAB]  }
0x29: {  	s4 =	sld [smem:$0x3FAD]  }
0x2a: {  	p0 =	seq.s32 s5, $0x0;
	s5 =	sld [smem:$0x3FAE]  }
0x2b: {  	s6 =	sld [smem:$0x3FAF]  }
0x2c: {  	s7 =	sld [smem:$0x3FB0]  }
0x2d: {  	s3 =	simm.s32 $0x108;
	s8 =	sld [smem:$0x3FB1]  }
0x2e: {  	s3 =	simm.s32 @!p0 $0x1082;
	s9 =	sld [smem:$0x3FB2]  }
0x2f: {  	lr =	sadd.s32 s0, s3;
	s0 =	sld [smem:$0x3FA9]  }
0x30: {  	s3 =	sld [smem:$0x3FAC]  }
0x31: {  	[smem:$0x3FB5] =	sst s10  }
0x32: {  	s10 =	sld [smem:$0x3FB3];
	_ =	sdelay $0x3  }
0x33: {  	p0 =	seq.s32 s10, $0x1;
	s10 =	sld [smem:$0x3FB5];
	_ =	sdelay $0x3  }
0x34: {  	[smem:$0x3FB5] =	sst s10  }
0x35: {  	s10 =	sld [smem:$0x3FB4];
	_ =	sdelay $0x3  }
0x36: {  	p1 =	seq.s32 s10, $0x1;
	s10 =	sld [smem:$0x3FB5];
	_ =	sdelay $0x3  }
0x37: {  	[smem:$0x3FB5] =	sst s10  }
0x38: {  	s10 =	sld [smem:$0x3FB6]  }
0x39: {  	_ = 	snop;
	(pc) =	sbr.ind lr, $3  }
0x3a: {  	_ = 	snop  }
0x3b: {  	_ = 	snop  }
0x3c: {  	p2 =	seq.s32 s10, $0x1;
	s10 =	sld [smem:$0x3FB5]  }
0x3d: {  	_ =	shalt  }
0x3e: {  	_ =	shalt  }
0x3f: {  	_ =	shalt  }
0x40: {  	_ =	shalt  }
0x41: {  	_ =	shalt  }
0x42: {  	_ =	shalt  }
0x43: {  	_ =	shalt  }
0x44: {  	_ =	shalt  }
0x45: {  	_ =	shalt  }
0x46: {  	_ =	shalt  }
0x47: {  	_ =	shalt  }
0x48: {  	_ =	shalt  }
0x49: {  	_ =	shalt  }
0x4a: {  	_ =	shalt  }
0x4b: {  	_ =	shalt  }
0x4c: {  	_ =	shalt  }
0x4d: {  	_ =	shalt  }
0x4e: {  	_ =	shalt  }
0x4f: {  	_ =	shalt  }
0x50: {  	_ =	shalt  }
0x51: {  	_ =	shalt  }
0x52: {  	_ =	shalt  }
0x53: {  	_ =	shalt  }
0x54: {  	_ =	shalt  }
0x55: {  	_ =	shalt  }
0x56: {  	_ =	shalt  }
0x57: {  	_ =	shalt  }
0x58: {  	_ =	shalt  }
0x59: {  	_ =	shalt  }
0x5a: {  	_ =	shalt  }
0x5b: {  	_ =	shalt  }
0x5c: {  	_ =	shalt  }
0x5d: {  	_ =	shalt  }
0x5e: {  	_ =	shalt  }
0x5f: {  	_ =	shalt  }
0x60: {  	_ =	shalt  }
0x61: {  	_ =	shalt  }
0x62: {  	_ =	shalt  }
0x63: {  	_ =	shalt  }
0x64: {  	_ =	shalt  }
0x65: {  	_ =	shalt  }
0x66: {  	_ =	shalt  }
0x67: {  	_ =	shalt  }
0x68: {  	_ =	shalt  }
0x69: {  	_ =	shalt  }
0x6a: {  	_ =	shalt  }
0x6b: {  	_ =	shalt  }
0x6c: {  	_ =	shalt  }
0x6d: {  	_ =	shalt  }
0x6e: {  	_ =	shalt  }
0x6f: {  	_ =	shalt  }
0x70: {  	_ =	shalt  }
0x71: {  	_ =	shalt  }
0x72: {  	_ =	shalt  }
0x73: {  	_ =	shalt  }
0x74: {  	_ =	shalt  }
0x75: {  	_ =	shalt  }
0x76: {  	_ =	shalt  }
0x77: {  	_ =	shalt  }
0x78: {  	_ =	shalt  }
0x79: {  	_ =	shalt  }
0x7a: {  	_ =	shalt  }
0x7b: {  	_ =	shalt  }
0x7c: {  	_ =	shalt  }
0x7d: {  	_ =	shalt  }
0x7e: {  	_ =	shalt  }
0x7f: {  	_ =	shalt  }
0x80: {  	_ =	shalt  }
0x81: {  	_ =	shalt  }
0x82: {  	_ =	shalt  }
0x83: {  	_ =	shalt  }
0x84: {  	_ =	shalt  }
0x85: {  	_ =	shalt  }
0x86: {  	_ =	shalt  }
0x87: {  	_ =	shalt  }
.Lfunc_end0:
.L_simem_size_0:
called_computation.2_lowered:
.L_overlay_start_0:
0x88: {  	s2 =	sld [smem:$0x3FD9]  }
0x89: {  	s3 =	sld [smem:$0x3FFE];
	_ =	sdelay $0x1  }
0x8a: {  	s1 =	srdreg.scid  }
0x8b: {  	s0 =	sand.u32 $0x1, s1  }
0x8c: {  	s17 =	sshll.u32 s0, $0xA;
	s2 =	sadd.s32 s3, s2  }
0x8d: {  	s2 =	sadd.s32 s2, s17  }
0x8e: {  	[smem:$0x3FC1] =	sst s2  }
0x8f: {  	_ = 	snop  }
0x90: {  	s2 =	sld [smem:$0x3FD0];
	(tm) =	ssettm $0x1  }
0x91: {  	s18 =	sld [smem:$0x3FFB];
	_ =	sdelay $0x3  }
0x92: {  	_ =	strace s18  }
0x93: {  	s3 =	sld [smem:$0x3FFC];
	_ =	sdelay $0x3  }
0x94: {  	_ =	strace s3  }
0x95: {  	s3 =	sld [smem:$0x3FFD];
	_ =	sdelay $0x3  }
0x96: {  	_ =	strace s3  }
0x97: {  	_ =	strace $0x8FFFFFFF  }
0x98: {  	s19 =	sld [smem:$0x3FDB];
	_ =	sdelay $0x1  }
0x99: {  	s4 =	simm.s32 $_scs_section_size  }
0x9a: {  	s5 =	simm.s32 $_size__tile_overlayer_lowered;
	s6 =	simm.s32 $_tile_overlayer_lowered  }
0x9b: {  	s22 =	simm.s32 $0x1BFF;
	s21 =	sshll.u32 s6, $0x1;
	s3 =	sadd.s32 s4, s19  }
0x9c: {  	s7 =	simm.s32 $0x0;
	s20 =	sshll.u32 s5, $0x1;
	s5 =	sadd.s32 s21, s3  }
0x9d: {  	[timem:s7], [sflag:s22] =	dma.local [hbm:s5], s20  }
0x9e: {  	_ =	swait.ge [sflag:s22], s20  }
0x9f: {  	s4 =	ssub.s32 $0x0, s20;
	[sflag:s22] =	ssyncset.done $0x0  }
0xa0: {  	[sflag:s22] =	ssyncadd.s32 s4;
	_ =	sdelay $0x1  }
0xa1: {  	s23 =	simm.s32 $0x1B8B  }
0xa2: {  	_ =	swait.ge [sflag:s23], $0x1  }
0xa3: {  	[sflag:s23] =	ssyncset.done $0x0  }
0xa4: {  	s25 =	simm.s32 $0x1B8E;
	s24 =	sld [smem:$0x3FFE];
	[sflag:s23] =	ssyncadd.s32 $0xFFFFFFFF  }
0xa5: {  	s26 =	simm.s32 $execute0_lowered;
	[smem:$0x3FD2] =	sst s25  }
0xa6: {  	s5 =	sshll.u32 s26, $0x1;
	_ =	strace $0x80000046;
	[dreg:$0x1] =	wrdreg $0xFFFFFFFF  }
0xa7: {  	s28 =	simm.s32 $_size_execute0_lowered;
	s3 =	sadd.s32 s3, s5;
	[dreg:$0x0] =	wrdreg $0x0  }
0xa8: {  	s5 =	sshll.u32 s28, $0x1;
	[dreg:$0x2] =	wrdreg s3  }
0xa9: {  	[dreg:$0x3] =	wrdreg s5  }
0xaa: {  	[dreg:$0x4] =	wrdreg $0xC0  }
0xab: {  	_ =	task [dreg:s7], $0x5FFFF  }
0xac: {  	[dreg:$0x1] =	wrdreg $0xFFFFFFFF  }
0xad: {  	[dreg:$0x0] =	wrdreg $0x60  }
0xae: {  	[dreg:$0x2] =	wrdreg s24  }
0xaf: {  	[dreg:$0x3] =	wrdreg s2  }
0xb0: {  	[dreg:$0x4] =	wrdreg $0x0  }
0xb1: {  	[dreg:$0x5] =	wrdreg $0x9  }
0xb2: {  	_ =	task.clear_ibuf [dreg:s7], $0x6FFFF;
	_ =	strace $0x90000046  }
0xb3: {  	s29 =	simm.s32 $0x9;
	_ =	strace $0x80000048  }
0xb4: {  	_ =	swait.ge [sflag:s29], $0x1  }
0xb5: {  	[sflag:s29] =	ssyncadd.s32 $0xFFFFFFFF  }
0xb6: {  	_ =	strace $0x90000048  }
0xb7: {  	_ =	sfence  }
0xb8: {  	s30 =	sld [smem:$0x0];
	_ =	sdelay $0x2  }
0xb9: {  	s31 =	sshll.u32 s1, $0xD;
	s1 =	sshrl.u32 s1, $0x2  }
0xba: {  	s3 =	sand.u32 $0x4000, s31;
	s1 =	sadd.s32 s1, s30  }
0xbb: {  	s0 =	sor.u32 s3, s0;
	s1 =	sshll.u32 s1, $0x11  }
0xbc: {  	s0 =	sor.u32 s1, s0  }
0xbd: {  	s0 =	sadd.s32 $0x8F2B, s0  }
0xbe: {  	[sflag:s0] =	ssyncadd.remote.s32 $0x1  }
0xbf: {  	_ =	sfence.sel $0xFFFF  }
0xc0: {  	[dreg:$0x0] =	wrdreg $0xFFFFFFFF;
	(pc) =	sbr.abs _section_cstart, $3  }
0xc1: {  	[dreg:$0x1] =	wrdreg $0xFFFFFFFF  }
0xc2: {  	_ =	task.clear_ibuf [dreg:s7], $0x2FFFF;
	_ =	strace $0x9FFFFFFF  }
0xc3: {  	(tm) =	ssettm $0x7FFFFFFF  }
tec
execute0_lowered:
.L_overlay_start_1:
0x0: {  	(tag) =	ssettag $0x1  }
0x1: {  	s0 =	rddreg [dreg:$0x0]  }
0x2: {  	s2 =	rddreg [dreg:$0x2]  }
0x3: {  	s1 =	srdreg.scid;
	s4 =	simm.s32 $0x0;
	s9 =	stileid.u32  }
0x4: {  	s12 =	simm.s32 $0x1;
	s13 =	simm.s32 $0x1880;
	s14 =	simm.s32 $0x1C80  }
0x5: {  	s15 =	simm.s32 $0x80;
	s16 =	simm.s32 $0x1900;
	s17 =	simm.s32 $0x1D00  }
0x6: {  	s18 =	simm.s32 $0x1980;
	s19 =	simm.s32 $0x1D80;
	s20 =	simm.s32 $0x1A00  }
0x7: {  	s21 =	simm.s32 $0x1E00;
	s22 =	simm.s32 $0x1A80;
	s23 =	simm.s32 $0x1E80  }
0x8: {  	s24 =	simm.s32 $0x1B00;
	s25 =	simm.s32 $0x1F00;
	s6 =	smul.u32 $0x6200, s9  }
0x9: {  	s28 =	simm.s32 $0x1F80;
	s29 =	simm.s32 $0x1C00;
	s8 =	smul.u32 $0x3100, s9  }
0xa: {  	s30 =	simm.s32 $0x2000;
	s1 =	sand.u32 $0x1, s1;
	s9 =	smul.u32 $0xC4000, s9  }
0xb: {  	[smem:$0x7FF] =	sst s4;
	s5 =	sadd.s32 $0x1EC600, s0;
	s3 =	smul.u32 $0x31000, s1  }
0xc: {  	v0 =	vimm.s32 $0x0;
	_ =	strace $0x80000047;
	s7 =	smul.u32 $0xC40000, s1;
	s1 =	ssub.s32 $0x2, s1  }
0xd: {  	v1 =	vimm.s32 $0x1;
	v2 =	vimm.s32 $0x2;
	v3 =	vimm.s32 $0x3;
	s26 =	sshrl.u32 s1, $0x1;
	s31 =	sshrl.u32 s6, $0x2;
	s3 =	sadd.s32 s3, s0  }
0xe: {  	v4 =	vimm.s32 $0x4;
	v5 =	vimm.s32 $0x5;
	v6 =	vimm.s32 $0x6;
	s0 =	ssub.s32 s1, s26;
	s1 =	sadd.s32 s31, s2;
	s7 =	sadd.s32 s9, s7  }
0xf: {  	v7 =	vimm.s32 $0x7;
	v8 =	vimm.s32 $0x8;
	v9 =	vimm.s32 $0x9;
	s3 =	sadd.s32 s8, s3;
	[dreg:$0x4] =	wrdreg s1;
	s0 =	smax.u32 s0, $0x1  }
0x10: {  	v10 =	vimm.s32 $0xA;
	v11 =	vimm.s32 $0xB;
	v12 =	vimm.s32 $0xC;
	s26 =	simm.s32 $0x1B80;
	s8 =	sadd.s32 $0x128600, s3;
	[dreg:$0x5] =	wrdreg s0  }
0x11: {  	v13 =	vimm.s32 $0xD;
	v14 =	vimm.s32 $0xE;
	v15 =	vimm.s32 $0xF;
	s10 =	sadd.s32 $0x18A600, s3;
	s0 =	simm.s32 $0x3900;
	s3 =	simm.s32 $0x0  }
.LBB2_1:
0x12: {  	s1 =	rddreg [dreg:$0x1];
	s6 =	simm.s32 $0x2080  }
0x13: {  	[tilespmem:s6], [sflag:$0x1] =	stream.linear.gather [hbm4b:s1+s4], $0x1880, $0x38;
	[tilespmem:$0x7980] =	vst v63  }
0x14: {  	_ =	swait.ge [sflag:s12], $0x1880  }
0x15: {  	[sflag:s12] =	ssyncset.done $0x0  }
0x16: {  	s9 =	rddreg [dreg:$0x4];
	[sflag:s12] =	ssyncadd.s32 $0xFFFFE780  }
0x17: {  	[spmem:s9] =	stream.linear.scatter [tilespmem:s6], [sflag:$0x1], $0x1880, $0x38;
	[tilespmem:$0x7980] =	vst v63  }
0x18: {  	_ =	swait.ge [sflag:s12], $0x1880  }
0x19: {  	[sflag:s12] =	ssyncset.done $0x0  }
0x1a: {  	[sflag:s12] =	ssyncadd.s32 $0xFFFFE780  }
0x1b: {  	s11 =	sadd.s32 $0x0, s10;
	[bflag:$0x0] =	sbarrier.arrive $0xFFFF  }
0x1c: {  	[tilespmem:s13], [sflag:$0x1] =	stream.linear.gather [hbm4b:s11+s4], $0x400, $0x38;
	[tilespmem:$0x7980] =	vst v63  }
0x1d: {  	_ =	swait.ge [sflag:s12], $0x400  }
0x1e: {  	[sflag:s12] =	ssyncset.done $0x0  }
0x1f: {  	s31 =	sadd.s32 $0x0, s8;
	[sflag:s12] =	ssyncadd.s32 $0xFFFFFC00  }
0x20: {  	[tilespmem:s14], [sflag:$0x1] =	stream.linear.gather [hbm4b:s31+s4], $0x400, $0x38;
	[tilespmem:$0x7980] =	vst v63  }
0x21: {  	_ =	swait.ge [sflag:s12], $0x400  }
0x22: {  	[sflag:s12] =	ssyncset.done $0x0  }
0x23: {  	[sflag:s12] =	ssyncadd.s32 $0xFFFFFC00  }
0x24: {  	[spmem:s2] =	stream.indirect.scatter.add.f32 [tilespmem:s14], [sflag:$0x1], $0x1, s13, s15, $0xb8;
	[tilespmem:$0x7980] =	vst v63  }
0x25: {  	_ =	swait.ge [sflag:s12], $0x80  }
0x26: {  	[sflag:s12] =	ssyncset.done $0x0  }
0x27: {  	[sflag:s12] =	ssyncadd.s32 $0xFFFFFF80  }
0x28: {  	[spmem:s2] =	stream.indirect.scatter.add.f32 [tilespmem:s17], [sflag:$0x1], $0x1, s16, s15, $0xb8;
	[tilespmem:$0x7980] =	vst v63  }
0x29: {  	_ =	swait.ge [sflag:s12], $0x80  }
0x2a: {  	[sflag:s12] =	ssyncset.done $0x0  }
0x2b: {  	[sflag:s12] =	ssyncadd.s32 $0xFFFFFF80  }
0x2c: {  	[spmem:s2] =	stream.indirect.scatter.add.f32 [tilespmem:s19], [sflag:$0x1], $0x1, s18, s15, $0xb8;
	[tilespmem:$0x7980] =	vst v63  }
0x2d: {  	_ =	swait.ge [sflag:s12], $0x80  }
0x2e: {  	[sflag:s12] =	ssyncset.done $0x0  }
0x2f: {  	[sflag:s12] =	ssyncadd.s32 $0xFFFFFF80  }
0x30: {  	[spmem:s2] =	stream.indirect.scatter.add.f32 [tilespmem:s21], [sflag:$0x1], $0x1, s20, s15, $0xb8;
	[tilespmem:$0x7980] =	vst v63  }
0x31: {  	_ =	swait.ge [sflag:s12], $0x80  }
0x32: {  	[sflag:s12] =	ssyncset.done $0x0  }
0x33: {  	[sflag:s12] =	ssyncadd.s32 $0xFFFFFF80  }
0x34: {  	[spmem:s2] =	stream.indirect.scatter.add.f32 [tilespmem:s23], [sflag:$0x1], $0x1, s22, s15, $0xb8;
	[tilespmem:$0x7980] =	vst v63  }
0x35: {  	_ =	swait.ge [sflag:s12], $0x80  }
0x36: {  	[sflag:s12] =	ssyncset.done $0x0  }
0x37: {  	[sflag:s12] =	ssyncadd.s32 $0xFFFFFF80  }
0x38: {  	[spmem:s2] =	stream.indirect.scatter.add.f32 [tilespmem:s25], [sflag:$0x1], $0x1, s24, s15, $0xb8;
	[tilespmem:$0x7980] =	vst v63  }
0x39: {  	_ =	swait.ge [sflag:s12], $0x80  }
0x3a: {  	[sflag:s12] =	ssyncset.done $0x0  }
0x3b: {  	[sflag:s12] =	ssyncadd.s32 $0xFFFFFF80  }
0x3c: {  	[spmem:s2] =	stream.indirect.scatter.add.f32 [tilespmem:s28], [sflag:$0x1], $0x1, s26, s15, $0xb8;
	[tilespmem:$0x7980] =	vst v63  }
0x3d: {  	_ =	swait.ge [sflag:s12], $0x80  }
0x3e: {  	[sflag:s12] =	ssyncset.done $0x0  }
0x3f: {  	[sflag:s12] =	ssyncadd.s32 $0xFFFFFF80  }
0x40: {  	[spmem:s2] =	stream.indirect.scatter.add.f32 [tilespmem:s30], [sflag:$0x1], $0x1, s29, s15, $0xb8;
	[tilespmem:$0x7980] =	vst v63  }
0x41: {  	_ =	swait.ge [sflag:s12], $0x80  }
0x42: {  	s1 =	simm.s32 $0x80;
	s11 =	simm.s32 $0x100;
	[sflag:s12] =	ssyncset.done $0x0  }
.LBB2_2:
0x43: {  	s6 =	sadd.s32 s1, s10  }
0x44: {  	[sflag:s12] =	ssyncadd.s32 $0xFFFFFF80;
	s31 =	smov.u32 s11;
	s9 =	sadd.s32 $0x80, s11  }
0x45: {  	[tilespmem:s13], [sflag:$0x1] =	stream.linear.gather [hbm4b:s6+s4], $0x400, $0x38;
	[tilespmem:$0x7980] =	vst v63  }
0x46: {  	p0 =	sne.s32 s11, $0x3080;
	_ =	swait.ge [sflag:s12], $0x400  }
0x47: {  	[sflag:s12] =	ssyncset.done $0x0  }
0x48: {  	s6 =	sadd.s32 s1, s8;
	s1 =	smov.u32 s31;
	[sflag:s12] =	ssyncadd.s32 $0xFFFFFC00  }
0x49: {  	[tilespmem:s14], [sflag:$0x1] =	stream.linear.gather [hbm4b:s6+s4], $0x400, $0x38;
	[tilespmem:$0x7980] =	vst v63  }
0x4a: {  	_ =	swait.ge [sflag:s12], $0x400  }
0x4b: {  	[sflag:s12] =	ssyncset.done $0x0  }
0x4c: {  	[sflag:s12] =	ssyncadd.s32 $0xFFFFFC00  }
0x4d: {  	[spmem:s2] =	stream.indirect.scatter.add.f32 [tilespmem:s14], [sflag:$0x1], $0x1, s13, s15, $0xb8;
	[tilespmem:$0x7980] =	vst v63  }
0x4e: {  	_ =	swait.ge [sflag:s12], $0x80  }
0x4f: {  	[sflag:s12] =	ssyncset.done $0x0  }
0x50: {  	[sflag:s12] =	ssyncadd.s32 $0xFFFFFF80  }
0x51: {  	[spmem:s2] =	stream.indirect.scatter.add.f32 [tilespmem:s17], [sflag:$0x1], $0x1, s16, s15, $0xb8;
	[tilespmem:$0x7980] =	vst v63  }
0x52: {  	_ =	swait.ge [sflag:s12], $0x80  }
0x53: {  	[sflag:s12] =	ssyncset.done $0x0  }
0x54: {  	[sflag:s12] =	ssyncadd.s32 $0xFFFFFF80  }
0x55: {  	[spmem:s2] =	stream.indirect.scatter.add.f32 [tilespmem:s19], [sflag:$0x1], $0x1, s18, s15, $0xb8;
	[tilespmem:$0x7980] =	vst v63  }
0x56: {  	_ =	swait.ge [sflag:s12], $0x80  }
0x57: {  	[sflag:s12] =	ssyncset.done $0x0  }
0x58: {  	[sflag:s12] =	ssyncadd.s32 $0xFFFFFF80  }
0x59: {  	[spmem:s2] =	stream.indirect.scatter.add.f32 [tilespmem:s21], [sflag:$0x1], $0x1, s20, s15, $0xb8;
	[tilespmem:$0x7980] =	vst v63  }
0x5a: {  	_ =	swait.ge [sflag:s12], $0x80  }
0x5b: {  	[sflag:s12] =	ssyncset.done $0x0  }
0x5c: {  	[sflag:s12] =	ssyncadd.s32 $0xFFFFFF80  }
0x5d: {  	[spmem:s2] =	stream.indirect.scatter.add.f32 [tilespmem:s23], [sflag:$0x1], $0x1, s22, s15, $0xb8;
	[tilespmem:$0x7980] =	vst v63  }
0x5e: {  	_ =	swait.ge [sflag:s12], $0x80  }
0x5f: {  	[sflag:s12] =	ssyncset.done $0x0  }
0x60: {  	[sflag:s12] =	ssyncadd.s32 $0xFFFFFF80  }
0x61: {  	[spmem:s2] =	stream.indirect.scatter.add.f32 [tilespmem:s25], [sflag:$0x1], $0x1, s24, s15, $0xb8;
	[tilespmem:$0x7980] =	vst v63  }
0x62: {  	_ =	swait.ge [sflag:s12], $0x80  }
0x63: {  	[sflag:s12] =	ssyncset.done $0x0  }
0x64: {  	[sflag:s12] =	ssyncadd.s32 $0xFFFFFF80  }
0x65: {  	[spmem:s2] =	stream.indirect.scatter.add.f32 [tilespmem:s28], [sflag:$0x1], $0x1, s26, s15, $0xb8;
	[tilespmem:$0x7980] =	vst v63  }
0x66: {  	_ =	swait.ge [sflag:s12], $0x80  }
.Ltmp0:
0x67: {  	[sflag:s12] =	ssyncset.done $0x0;
	(pc) =	sbr.rel @p0 .LBB2_2-.Ltmp0, $4  }
0x68: {  	[sflag:s12] =	ssyncadd.s32 $0xFFFFFF80  }
0x69: {  	[spmem:s2] =	stream.indirect.scatter.add.f32 [tilespmem:s30], [sflag:$0x1], $0x1, s29, s15, $0xb8;
	[tilespmem:$0x7980] =	vst v63  }
0x6a: {  	_ =	swait.ge [sflag:s12], $0x80  }
0x6b: {  	s11 =	smov.u32 s9;
	[sflag:s12] =	ssyncset.done $0x0  }
0x6c: {  	s6 =	sadd.s32 s1, s10;
	[sflag:s12] =	ssyncadd.s32 $0xFFFFFF80  }
0x6d: {  	[tilespmem:s13], [sflag:$0x1] =	stream.linear.gather [hbm4b:s6+s4], $0x400, $0x38;
	[tilespmem:$0x7980] =	vst v63  }
0x6e: {  	_ =	swait.ge [sflag:s12], $0x400  }
0x6f: {  	[sflag:s12] =	ssyncset.done $0x0  }
0x70: {  	s11 =	sadd.s32 s1, s8;
	[sflag:s12] =	ssyncadd.s32 $0xFFFFFC00  }
0x71: {  	[tilespmem:s14], [sflag:$0x1] =	stream.linear.gather [hbm4b:s11+s4], $0x400, $0x38;
	[tilespmem:$0x7980] =	vst v63  }
0x72: {  	_ =	swait.ge [sflag:s12], $0x400  }
0x73: {  	[sflag:s12] =	ssyncset.done $0x0  }
0x74: {  	[sflag:s12] =	ssyncadd.s32 $0xFFFFFC00  }
0x75: {  	[spmem:s2] =	stream.indirect.scatter.add.f32 [tilespmem:s14], [sflag:$0x1], $0x1, s13, s15, $0xb8;
	[tilespmem:$0x7980] =	vst v63  }
0x76: {  	_ =	swait.ge [sflag:s12], $0x80  }
0x77: {  	[sflag:s12] =	ssyncset.done $0x0  }
0x78: {  	[sflag:s12] =	ssyncadd.s32 $0xFFFFFF80  }
0x79: {  	[spmem:s2] =	stream.indirect.scatter.add.f32 [tilespmem:s17], [sflag:$0x1], $0x1, s16, s15, $0xb8;
	[tilespmem:$0x7980] =	vst v63  }
0x7a: {  	_ =	swait.ge [sflag:s12], $0x80  }
0x7b: {  	[sflag:s12] =	ssyncset.done $0x0  }
0x7c: {  	[sflag:s12] =	ssyncadd.s32 $0xFFFFFF80  }
0x7d: {  	[spmem:s2] =	stream.indirect.scatter.add.f32 [tilespmem:s19], [sflag:$0x1], $0x1, s18, s15, $0xb8;
	[tilespmem:$0x7980] =	vst v63  }
0x7e: {  	_ =	swait.ge [sflag:s12], $0x80  }
0x7f: {  	[sflag:s12] =	ssyncset.done $0x0  }
0x80: {  	[sflag:s12] =	ssyncadd.s32 $0xFFFFFF80  }
0x81: {  	[spmem:s2] =	stream.indirect.scatter.add.f32 [tilespmem:s21], [sflag:$0x1], $0x1, s20, s15, $0xb8;
	[tilespmem:$0x7980] =	vst v63  }
0x82: {  	_ =	swait.ge [sflag:s12], $0x80  }
0x83: {  	[sflag:s12] =	ssyncset.done $0x0  }
0x84: {  	[sflag:s12] =	ssyncadd.s32 $0xFFFFFF80  }
0x85: {  	[spmem:s2] =	stream.indirect.scatter.add.f32 [tilespmem:s23], [sflag:$0x1], $0x1, s22, s15, $0xb8;
	[tilespmem:$0x7980] =	vst v63  }
0x86: {  	_ =	swait.ge [sflag:s12], $0x80  }
0x87: {  	[sflag:s12] =	ssyncset.done $0x0  }
0x88: {  	[sflag:s12] =	ssyncadd.s32 $0xFFFFFF80  }
0x89: {  	[spmem:s2] =	stream.indirect.scatter.add.f32 [tilespmem:s25], [sflag:$0x1], $0x1, s24, s15, $0xb8;
	[tilespmem:$0x7980] =	vst v63  }
0x8a: {  	_ =	swait.ge [sflag:s12], $0x80  }
0x8b: {  	[sflag:s12] =	ssyncset.done $0x0  }
0x8c: {  	[sflag:s12] =	ssyncadd.s32 $0xFFFFFF80  }
0x8d: {  	[spmem:s2] =	stream.indirect.scatter.add.f32 [tilespmem:s28], [sflag:$0x1], $0x1, s26, s15, $0xb8;
	[tilespmem:$0x7980] =	vst v63  }
0x8e: {  	_ =	swait.ge [sflag:s12], $0x80  }
0x8f: {  	[sflag:s12] =	ssyncset.done $0x0  }
0x90: {  	[sflag:s12] =	ssyncadd.s32 $0xFFFFFF80  }
0x91: {  	[spmem:s2] =	stream.indirect.scatter.add.f32 [tilespmem:s30], [sflag:$0x1], $0x1, s29, s15, $0xb8;
	[tilespmem:$0x7980] =	vst v63  }
0x92: {  	_ =	swait.ge [sflag:s12], $0x80  }
0x93: {  	[sflag:s12] =	ssyncset.done $0x0  }
0x94: {  	[sflag:s12] =	ssyncadd.s32 $0xFFFFFF80  }
0x95: {  	[bflag:$0x0] =	sbarrier.arrive $0xFFFF  }
0x96: {  	s31 =	simm.s32 $0x0;
	s9 =	simm.s32 $0x7900;
	s6 =	rddreg [dreg:$0x1]  }
0x97: {  	[tilespmem:s9], [sflag:$0x1] =	stream.linear.gather [hbm4b:s6+s31], $0x10, $0x38;
	[tilespmem:$0x7980] =	vst v63  }
0x98: {  	_ =	swait.ge [sflag:s12], $0x10  }
0x99: {  	[sflag:s12] =	ssyncset.done $0x0  }
0x9a: {  	s1 =	simm.s32 $0x2080;
	s11 =	rddreg [dreg:$0x4];
	[sflag:s12] =	ssyncadd.s32 $0xFFFFFFF0  }
0x9b: {  	[tilespmem:s1], [sflag:$0x1] =	stream.linear.gather [spmem:s11], $0x1880, $0x38;
	[tilespmem:$0x7980] =	vst v63  }
0x9c: {  	_ =	swait.ge [sflag:s12], $0x1880  }
0x9d: {  	[sflag:s12] =	ssyncset.done $0x0  }
0x9e: {  	[sflag:s12] =	ssyncadd.s32 $0xFFFFE780  }
.LBB2_4:
0x9f: {  	v17 =	vmov s1;
	_ =	sdelay $0x3  }
0xa0: {  	s6 =	simm.s32 $0x0  }
0xa1: {  	v18 =	vld.idx.msk [tilespmem:v17+s6+$0x0 ss:$0x1], $0xffff;
	_ =	sdelay $0x1  }
0xa2: {  	v16 =	vld [tilespmem:$0x7900];
	_ =	sdelay $0x2  }
0xa3: {  	v19 =	vperm.xlane v18, v0  }
0xa4: {  	v20 =	vperm.xlane v18, v1  }
0xa5: {  	v21 =	vperm.xlane v18, v2;
	v19 =	vadd.f32 v19, v16  }
0xa6: {  	s11 =	simm.s32 $0x3D00;
	v23 =	vperm.xlane v18, v4;
	v20 =	vadd.f32 v20, v16  }
0xa7: {  	v56 =	vperm.xlane v18, v6;
	v21 =	vadd.f32 v21, v16;
	[tilespmem:s11+$0xFFFFFC00] =	vst v19  }
0xa8: {  	v59 =	vperm.xlane v18, v10;
	v55 =	vadd.f32 v23, v16;
	[tilespmem:s11+$0xFFFFFC80] =	vst v20  }
0xa9: {  	v22 =	vperm.xlane v18, v3;
	v23 =	vadd.f32 v56, v16;
	[tilespmem:s11+$0xFFFFFD00] =	vst v21  }
0xaa: {  	v54 =	vperm.xlane v18, v5;
	v61 =	vadd.f32 v59, v16;
	[tilespmem:s11+$0xFFFFFE00] =	vst v55  }
0xab: {  	v57 =	vperm.xlane v18, v7;
	v19 =	vadd.f32 v22, v16;
	[tilespmem:s11+$0xFFFFFF00] =	vst v23  }
0xac: {  	v58 =	vperm.xlane v18, v9;
	v22 =	vadd.f32 v54, v16;
	[tilespmem:s11+$0x100] =	vst v61  }
0xad: {  	v21 =	vadd.f32 v57, v16;
	[tilespmem:s11+$0xFFFFFD80] =	vst v19;
	v19 =	vperm.xlane v18, v8  }
0xae: {  	v60 =	vperm.xlane v18, v11;
	v20 =	vadd.f32 v58, v16;
	[tilespmem:s11+$0xFFFFFE80] =	vst v22  }
0xaf: {  	v62 =	vperm.xlane v18, v12;
	[tilespmem:s11+$0xFFFFFF80] =	vst v21;
	v19 =	vadd.f32 v19, v16  }
0xb0: {  	v63 =	vperm.xlane v18, v14;
	v23 =	vadd.f32 v60, v16;
	[tilespmem:s11+$0x80] =	vst v20  }
0xb1: {  	v22 =	vadd.f32 v62, v16;
	[tilespmem:s11+$0x0] =	vst v19;
	v19 =	vperm.xlane v18, v13  }
0xb2: {  	[tilespmem:s11+$0x180] =	vst v23;
	v20 =	vadd.f32 v63, v16;
	v18 =	vperm.xlane v18, v15  }
0xb3: {  	[tilespmem:s11+$0x200] =	vst v22;
	v19 =	vadd.f32 v19, v16  }
0xb4: {  	[tilespmem:s11+$0x300] =	vst v20;
	v18 =	vadd.f32 v18, v16  }
0xb5: {  	[tilespmem:s11+$0x280] =	vst v19  }
0xb6: {  	s9 =	simm.s32 $0x80;
	s6 =	simm.s32 $0x10;
	[tilespmem:s11+$0x380] =	vst v18  }
.LBB2_5:
0xb7: {  	p0 =	sne.s32 s9, $0x1C0;
	v18 =	vld.idx.msk [tilespmem:v17+s6+$0x0 ss:$0x1], $0xffff;
	_ =	sdelay $0x5  }
0xb8: {  	v19 =	vperm.xlane v18, v0;
	v20 =	vperm.xlane v18, v1  }
0xb9: {  	v21 =	vperm.xlane v18, v2;
	v22 =	vperm.xlane v18, v3  }
0xba: {  	v23 =	vperm.xlane v18, v4;
	v19 =	vadd.f32 v19, v16;
	v20 =	vadd.f32 v20, v16  }
0xbb: {  	s11 =	sadd.s32 $0x800, s11;
	v24 =	vperm.xlane v18, v5;
	v21 =	vadd.f32 v21, v16;
	v22 =	vadd.f32 v22, v16  }
0xbc: {  	v25 =	vperm.xlane v18, v7;
	[tilespmem:s11+$0xFFFFFC00] =	vst v19;
	v19 =	vadd.f32 v23, v16;
	v23 =	vperm.xlane v18, v6  }
0xbd: {  	v26 =	vperm.xlane v18, v9;
	[tilespmem:s11+$0xFFFFFC80] =	vst v20;
	v20 =	vadd.f32 v24, v16;
	v24 =	vperm.xlane v18, v8  }
0xbe: {  	[tilespmem:s11+$0xFFFFFD00] =	vst v21;
	v21 =	vadd.f32 v23, v16;
	v23 =	vadd.f32 v25, v16;
	v25 =	vperm.xlane v18, v10  }
0xbf: {  	[tilespmem:s11+$0xFFFFFD80] =	vst v22;
	v22 =	vadd.f32 v24, v16;
	v24 =	vadd.f32 v26, v16;
	v26 =	vperm.xlane v18, v11  }
0xc0: {  	v27 =	vperm.xlane v18, v13;
	[tilespmem:s11+$0xFFFFFE00] =	vst v19;
	v19 =	vadd.f32 v25, v16;
	v25 =	vperm.xlane v18, v12  }
0xc1: {  	[tilespmem:s11+$0xFFFFFE80] =	vst v20;
	v20 =	vadd.f32 v26, v16;
	v26 =	vperm.xlane v18, v14;
	v18 =	vperm.xlane v18, v15  }
0xc2: {  	[tilespmem:s11+$0xFFFFFF00] =	vst v21;
	v21 =	vadd.f32 v25, v16;
	v25 =	vadd.f32 v27, v16  }
0xc3: {  	[tilespmem:s11+$0xFFFFFF80] =	vst v23;
	v23 =	vadd.f32 v26, v16;
	v18 =	vadd.f32 v18, v16  }
0xc4: {  	[tilespmem:s11+$0x0] =	vst v22  }
0xc5: {  	[tilespmem:s11+$0x80] =	vst v24  }
0xc6: {  	[tilespmem:s11+$0x100] =	vst v19  }
.Ltmp1:
0xc7: {  	[tilespmem:s11+$0x180] =	vst v20;
	(pc) =	sbr.rel @p0 .LBB2_5-.Ltmp1, $4  }
0xc8: {  	[tilespmem:s11+$0x200] =	vst v21  }
0xc9: {  	[tilespmem:s11+$0x280] =	vst v25  }
0xca: {  	[tilespmem:s11+$0x300] =	vst v23  }
0xcb: {  	s6 =	sshra.s32 s9, $0x2;
	s9 =	sadd.s32 $0x40, s9;
	[tilespmem:s11+$0x380] =	vst v18  }
0xcc: {  	_ =	sdelay $0x3  }
0xcd: {  	v17 =	vld.idx.msk [tilespmem:v17+s6+$0x0 ss:$0x1], $0xffff;
	_ =	sdelay $0x4  }
0xce: {  	v18 =	vperm.xlane v17, v0  }
0xcf: {  	v19 =	vperm.xlane v17, v1  }
0xd0: {  	v20 =	vperm.xlane v17, v2;
	v18 =	vadd.f32 v18, v16  }
0xd1: {  	s11 =	sadd.s32 $0x800, s11;
	v21 =	vperm.xlane v17, v3;
	v19 =	vadd.f32 v19, v16  }
0xd2: {  	v22 =	vperm.xlane v17, v4;
	v20 =	vadd.f32 v20, v16;
	[tilespmem:s11+$0xFFFFFC00] =	vst v18  }
0xd3: {  	v52 =	vperm.xlane v17, v5;
	v51 =	vadd.f32 v21, v16;
	[tilespmem:s11+$0xFFFFFC80] =	vst v19  }
0xd4: {  	v54 =	vperm.xlane v17, v6;
	v53 =	vadd.f32 v22, v16;
	[tilespmem:s11+$0xFFFFFD00] =	vst v20  }
0xd5: {  	v58 =	vperm.xlane v17, v10;
	v21 =	vadd.f32 v52, v16;
	[tilespmem:s11+$0xFFFFFD80] =	vst v51  }
0xd6: {  	v55 =	vperm.xlane v17, v7;
	v22 =	vadd.f32 v54, v16;
	[tilespmem:s11+$0xFFFFFE00] =	vst v53  }
0xd7: {  	v56 =	vperm.xlane v17, v8;
	v60 =	vadd.f32 v58, v16;
	[tilespmem:s11+$0xFFFFFE80] =	vst v21  }
0xd8: {  	v57 =	vperm.xlane v17, v9;
	v20 =	vadd.f32 v55, v16;
	[tilespmem:s11+$0xFFFFFF00] =	vst v22  }
0xd9: {  	v59 =	vperm.xlane v17, v11;
	v18 =	vadd.f32 v56, v16;
	[tilespmem:s11+$0x100] =	vst v60  }
0xda: {  	v61 =	vperm.xlane v17, v12;
	v19 =	vadd.f32 v57, v16;
	[tilespmem:s11+$0xFFFFFF80] =	vst v20  }
0xdb: {  	v62 =	vperm.xlane v17, v13;
	v22 =	vadd.f32 v59, v16;
	[tilespmem:s11+$0x0] =	vst v18  }
0xdc: {  	v63 =	vperm.xlane v17, v14;
	v21 =	vadd.f32 v61, v16;
	[tilespmem:s11+$0x80] =	vst v19  }
0xdd: {  	v17 =	vperm.xlane v17, v15;
	v18 =	vadd.f32 v62, v16;
	[tilespmem:s11+$0x180] =	vst v22  }
0xde: {  	s9 =	sshll.u32 s31, $0xE;
	v19 =	vadd.f32 v63, v16;
	[tilespmem:s11+$0x200] =	vst v21  }
0xdf: {  	s31 =	sadd.s32 $0x1, s31;
	s9 =	sadd.s32 s9, s7;
	v16 =	vadd.f32 v17, v16;
	[tilespmem:s11+$0x280] =	vst v18  }
0xe0: {  	p0 =	sne.s32 s31, $0x31;
	s9 =	sshrl.u32 s9, $0x3;
	[tilespmem:s11+$0x300] =	vst v19  }
.Ltmp2:
0xe1: {  	[tilespmem:s11+$0x380] =	vst v16;
	s11 =	sadd.s32 s5, s9;
	(pc) =	sbr.rel @p0 .LBB2_4-.Ltmp2, $4  }
0xe2: {  	[hbm4b:s11+s4] =	stream.linear.scatter [tilespmem:s0], [sflag:$0x1], $0x4000, $0x38;
	[tilespmem:$0x7980] =	vst v63  }
0xe3: {  	_ =	swait.ge [sflag:s12], $0x4000  }
0xe4: {  	[sflag:s12] =	ssyncset.done $0x0  }
0xe5: {  	s1 =	sadd.s32 $0x80, s1;
	[sflag:s12] =	ssyncadd.s32 $0xFFFFC000  }
0xe6: {  	s3 =	sadd.s32 $0x1, s3;
	s1 =	rddreg [dreg:$0x5]  }
0xe7: {  	p0 =	sne.s32 s3, s1  }
.Ltmp3:
0xe8: {  	_ = 	snop;
	(pc) =	sbr.rel @p0 .LBB2_1-.Ltmp3, $1  }
0xe9: {  	_ =	sdelay $0x3  }
0xea: {  	_ =	sfence.sel $0x180000  }
0xeb: {  	[bflag:$0x0] =	sbarrier.arrive $0xFFFF  }
0xec: {  	_ =	strace $0x90000047  }
0xed: {  	s0 =	stileid.u32;
	[bflag:$0x2] =	sbarrier.arrive $0xFFFF  }
0xee: {  	p0 =	sne.s32 s0, $0x0;
	s0 =	rddreg [dreg:$0x3]  }
0xef: {  	s0 =	sadd.s32 @!p0 $0x100000, s0  }
0xf0: {  	[sflag:s0] =	ssyncadd.tile.s32 @!p0 $0x1;
	_ =	shalt  }
.Lfunc_end2:
_tile_overlayer_lowered:
.L_overlay_start_2:
0xf1: {  	(tag) =	ssettag $0x2  }
0xf2: {  	s0 =	rddreg [dreg:$0x0];
	s2 =	stileid.u32  }
0xf3: {  	s1 =	rddreg [dreg:$0x1];
	p0 =	sne.s32 s2, $0x0  }
0xf4: {  	s3 =	rddreg [dreg:$0x2];
	[bflag:$0x3] =	sbarrier.arrive $0xFFFF;
	s2 =	simm.s32 @!p0 $0x1C01  }
0xf5: {  	[timem:s3], [sflag:s2] =	dma.local @!p0 [hbm:s0], s1  }
0xf6: {  	s0 =	simm.s32 @!p0 $0x1  }
0xf7: {  	_ =	swait.ge @!p0 [sflag:s0], s1  }
0xf8: {  	s1 =	ssub.s32 @!p0 $0x0, s1;
	[sflag:s0] =	ssyncset.done @!p0 $0x0  }
0xf9: {  	[sflag:s0] =	ssyncadd.s32 @!p0 s1  }
0xfa: {  	[bflag:$0x3] =	sbarrier.arrive $0xFFFF  }
0xfb: {  	_ =	shalt  }

// kernel: scatter_offload_async_start.1
scs
__scs_entry_jumppad:
0x0: {  	(pc) =	sbr.rel $0x88, $3  }
0x1: {  	(tag) =	ssettag $0x0;
	lr =	simm.s32 $0x1  }
0x2: {  	[smem:$0x3F9A] =	sst lr;
	_ =	strace $0xD0000000  }
0x3: {  	_ = 	snop  }
0x4: {  	_ = 	snop  }
0x5: {  	_ = 	snop  }
0x6: {  	_ = 	snop  }
0x7: {  	_ = 	snop  }
__scs_overlays_trampoline_lowered:
0x8: {  	[smem:$0x3FA9] =	sst s0  }
0x9: {  	[smem:$0x3FAA] =	sst s1  }
0xa: {  	[smem:$0x3FAB] =	sst s2  }
0xb: {  	[smem:$0x3FAC] =	sst s3  }
0xc: {  	[smem:$0x3FAD] =	sst s4  }
0xd: {  	[smem:$0x3FAE] =	sst s5  }
0xe: {  	[smem:$0x3FAF] =	sst s6  }
0xf: {  	[smem:$0x3FB0] =	sst s7  }
0x10: {  	[smem:$0x3FB1] =	sst s8  }
0x11: {  	[smem:$0x3FB2] =	sst s9;
	s0 =	simm.s32 @!p0 $0x0  }
0x12: {  	s1 =	sld [smem:$0x3F98];
	s0 =	simm.s32 @p0 $0x1  }
0x13: {  	[smem:$0x3FB3] =	sst s0;
	s0 =	simm.s32 @!p1 $0x0  }
0x14: {  	s2 =	sld [smem:$0x3F97];
	s0 =	simm.s32 @p1 $0x1  }
0x15: {  	[smem:$0x3FB4] =	sst s0;
	s0 =	simm.s32 @!p2 $0x0  }
0x16: {  	s3 =	sld [smem:$0x3FDB];
	s0 =	simm.s32 @p2 $0x1  }
0x17: {  	s4 =	simm.s32 $0x1BF5;
	[smem:$0x3FB6] =	sst s0  }
0x18: {  	s0 =	sld [smem:$0x3F99];
	_ =	swait.ge [sflag:s4], $0x0  }
0x19: {  	s7 =	sld [smem:$0x3F9A]  }
0x1a: {  	s8 =	sadd.s32 $0xFFFFE003, lr  }
0x1b: {  	s9 =	sadd.s32 $0xFFFFFEF7, lr;
	s5 =	simm.s32 $0xFFFFFFFF;
	p2 =	slt.u32 s8, $0xFFFFF086  }
0x1c: {  	p1 =	slt.u32 s9, $0xF7A;
	s5 =	simm.s32 @!p2 $0x0  }
0x1d: {  	s5 =	simm.s32 @p1 $0x1;
	p0 =	seq.s32 s7, s2  }
0x1e: {  	s7 =	smul.u32 @!p0 $0xF7A, s2;
	p2 =	seq.s32 @!p0 s5, $0x0  }
0x1f: {  	s9 =	smul.u32 $0xF7A, s1;
	s8 =	simm.s32 @!p0 $0x1BF5;
	p2 =	por !p2, p0  }
0x20: {  	[sflag:s8] =	ssyncset.s32 @!p0 $0xFFFFF086;
	s6 =	sadd.s32 @!p0 s3, s7;
	s7 =	simm.s32 @!p0 $0x108  }
0x21: {  	s3 =	sadd.s32 s3, s9;
	s6 =	sadd.s32 @!p0 $0x88, s6;
	s7 =	simm.s32 @p2 $0x1082  }
0x22: {  	[simem:s7], [sflag:s8] =	dma.local @!p0 [hbm:s6], $0xF7A  }
0x23: {  	s9 =	sor.u32 $0xD0000000, s2;
	s6 =	simm.s32 $0x108;
	_ =	swait.ge @!p0 [sflag:s8], $0x0  }
0x24: {  	s3 =	sadd.s32 $0x88, s3;
	s6 =	simm.s32 @!p1 $0x1082;
	[sflag:s4] =	ssyncset.s32 $0xFFFFF086  }
0x25: {  	[simem:s6], [sflag:s4] =	dma.local [hbm:s3], $0xF7A  }
0x26: {  	[smem:$0x3F9A] =	sst s1;
	(tag) =	ssettag s2;
	_ =	strace s9  }
0x27: {  	s1 =	sld [smem:$0x3FAA]  }
0x28: {  	s2 =	sld [smem:$0x3FAB]  }
0x29: {  	s4 =	sld [smem:$0x3FAD]  }
0x2a: {  	p0 =	seq.s32 s5, $0x0;
	s5 =	sld [smem:$0x3FAE]  }
0x2b: {  	s6 =	sld [smem:$0x3FAF]  }
0x2c: {  	s7 =	sld [smem:$0x3FB0]  }
0x2d: {  	s3 =	simm.s32 $0x108;
	s8 =	sld [smem:$0x3FB1]  }
0x2e: {  	s3 =	simm.s32 @!p0 $0x1082;
	s9 =	sld [smem:$0x3FB2]  }
0x2f: {  	lr =	sadd.s32 s0, s3;
	s0 =	sld [smem:$0x3FA9]  }
0x30: {  	s3 =	sld [smem:$0x3FAC]  }
0x31: {  	[smem:$0x3FB5] =	sst s10  }
0x32: {  	s10 =	sld [smem:$0x3FB3];
	_ =	sdelay $0x3  }
0x33: {  	p0 =	seq.s32 s10, $0x1;
	s10 =	sld [smem:$0x3FB5];
	_ =	sdelay $0x3  }
0x34: {  	[smem:$0x3FB5] =	sst s10  }
0x35: {  	s10 =	sld [smem:$0x3FB4];
	_ =	sdelay $0x3  }
0x36: {  	p1 =	seq.s32 s10, $0x1;
	s10 =	sld [smem:$0x3FB5];
	_ =	sdelay $0x3  }
0x37: {  	[smem:$0x3FB5] =	sst s10  }
0x38: {  	s10 =	sld [smem:$0x3FB6]  }
0x39: {  	_ = 	snop;
	(pc) =	sbr.ind lr, $3  }
0x3a: {  	_ = 	snop  }
0x3b: {  	_ = 	snop  }
0x3c: {  	p2 =	seq.s32 s10, $0x1;
	s10 =	sld [smem:$0x3FB5]  }
0x3d: {  	_ =	shalt  }
0x3e: {  	_ =	shalt  }
0x3f: {  	_ =	shalt  }
0x40: {  	_ =	shalt  }
0x41: {  	_ =	shalt  }
0x42: {  	_ =	shalt  }
0x43: {  	_ =	shalt  }
0x44: {  	_ =	shalt  }
0x45: {  	_ =	shalt  }
0x46: {  	_ =	shalt  }
0x47: {  	_ =	shalt  }
0x48: {  	_ =	shalt  }
0x49: {  	_ =	shalt  }
0x4a: {  	_ =	shalt  }
0x4b: {  	_ =	shalt  }
0x4c: {  	_ =	shalt  }
0x4d: {  	_ =	shalt  }
0x4e: {  	_ =	shalt  }
0x4f: {  	_ =	shalt  }
0x50: {  	_ =	shalt  }
0x51: {  	_ =	shalt  }
0x52: {  	_ =	shalt  }
0x53: {  	_ =	shalt  }
0x54: {  	_ =	shalt  }
0x55: {  	_ =	shalt  }
0x56: {  	_ =	shalt  }
0x57: {  	_ =	shalt  }
0x58: {  	_ =	shalt  }
0x59: {  	_ =	shalt  }
0x5a: {  	_ =	shalt  }
0x5b: {  	_ =	shalt  }
0x5c: {  	_ =	shalt  }
0x5d: {  	_ =	shalt  }
0x5e: {  	_ =	shalt  }
0x5f: {  	_ =	shalt  }
0x60: {  	_ =	shalt  }
0x61: {  	_ =	shalt  }
0x62: {  	_ =	shalt  }
0x63: {  	_ =	shalt  }
0x64: {  	_ =	shalt  }
0x65: {  	_ =	shalt  }
0x66: {  	_ =	shalt  }
0x67: {  	_ =	shalt  }
0x68: {  	_ =	shalt  }
0x69: {  	_ =	shalt  }
0x6a: {  	_ =	shalt  }
0x6b: {  	_ =	shalt  }
0x6c: {  	_ =	shalt  }
0x6d: {  	_ =	shalt  }
0x6e: {  	_ =	shalt  }
0x6f: {  	_ =	shalt  }
0x70: {  	_ =	shalt  }
0x71: {  	_ =	shalt  }
0x72: {  	_ =	shalt  }
0x73: {  	_ =	shalt  }
0x74: {  	_ =	shalt  }
0x75: {  	_ =	shalt  }
0x76: {  	_ =	shalt  }
0x77: {  	_ =	shalt  }
0x78: {  	_ =	shalt  }
0x79: {  	_ =	shalt  }
0x7a: {  	_ =	shalt  }
0x7b: {  	_ =	shalt  }
0x7c: {  	_ =	shalt  }
0x7d: {  	_ =	shalt  }
0x7e: {  	_ =	shalt  }
0x7f: {  	_ =	shalt  }
0x80: {  	_ =	shalt  }
0x81: {  	_ =	shalt  }
0x82: {  	_ =	shalt  }
0x83: {  	_ =	shalt  }
0x84: {  	_ =	shalt  }
0x85: {  	_ =	shalt  }
0x86: {  	_ =	shalt  }
0x87: {  	_ =	shalt  }
.Lfunc_end0:
.L_simem_size_0:
called_computation.1_lowered:
.L_overlay_start_0:
0x88: {  	s2 =	sld [smem:$0x3FD9]  }
0x89: {  	s3 =	sld [smem:$0x3FFE];
	_ =	sdelay $0x1  }
0x8a: {  	s1 =	srdreg.scid  }
0x8b: {  	s0 =	sand.u32 $0x1, s1  }
0x8c: {  	s15 =	sshll.u32 s0, $0xA;
	s2 =	sadd.s32 s3, s2  }
0x8d: {  	s2 =	sadd.s32 s2, s15  }
0x8e: {  	[smem:$0x3FC1] =	sst s2  }
0x8f: {  	_ = 	snop  }
0x90: {  	(tm) =	ssettm $0x1  }
0x91: {  	s16 =	sld [smem:$0x3FFB];
	_ =	sdelay $0x3  }
0x92: {  	_ =	strace s16  }
0x93: {  	s2 =	sld [smem:$0x3FFC];
	_ =	sdelay $0x3  }
0x94: {  	_ =	strace s2  }
0x95: {  	s2 =	sld [smem:$0x3FFD];
	_ =	sdelay $0x3  }
0x96: {  	_ =	strace s2  }
0x97: {  	_ =	strace $0x8FFFFFFF  }
0x98: {  	s17 =	sld [smem:$0x3FDB];
	_ =	sdelay $0x1  }
0x99: {  	s18 =	simm.s32 $_scs_section_size  }
0x9a: {  	s4 =	simm.s32 $_size__tile_overlayer_lowered;
	s5 =	simm.s32 $_tile_overlayer_lowered  }
0x9b: {  	s21 =	simm.s32 $0x1BFF;
	s20 =	sshll.u32 s5, $0x1;
	s2 =	sadd.s32 s18, s17  }
0x9c: {  	s6 =	simm.s32 $0x0;
	s19 =	sshll.u32 s4, $0x1;
	s4 =	sadd.s32 s20, s2  }
0x9d: {  	[timem:s6], [sflag:s21] =	dma.local [hbm:s4], s19  }
0x9e: {  	_ =	swait.ge [sflag:s21], s19  }
0x9f: {  	s3 =	ssub.s32 $0x0, s19;
	[sflag:s21] =	ssyncset.done $0x0  }
0xa0: {  	[sflag:s21] =	ssyncadd.s32 s3;
	_ =	sdelay $0x1  }
0xa1: {  	s22 =	simm.s32 $0x1B8B  }
0xa2: {  	_ =	swait.ge [sflag:s22], $0x1  }
0xa3: {  	[sflag:s22] =	ssyncset.done $0x0  }
0xa4: {  	s23 =	sld [smem:$0x3FFE];
	[sflag:s22] =	ssyncadd.s32 $0xFFFFFFFF  }
0xa5: {  	s25 =	simm.s32 $0x1B8E;
	s24 =	sld [smem:$0x0]  }
0xa6: {  	s26 =	simm.s32 $execute0_lowered;
	[smem:$0x3FD2] =	sst s25  }
0xa7: {  	s5 =	sshll.u32 s26, $0x1;
	_ =	strace $0x8000004C;
	[dreg:$0x1] =	wrdreg $0xFFFFFFFF  }
0xa8: {  	s28 =	simm.s32 $_size_execute0_lowered;
	s2 =	sadd.s32 s2, s5;
	[dreg:$0x0] =	wrdreg $0x0  }
0xa9: {  	s5 =	sshll.u32 s28, $0x1;
	[dreg:$0x2] =	wrdreg s2  }
0xaa: {  	[dreg:$0x3] =	wrdreg s5  }
0xab: {  	[dreg:$0x4] =	wrdreg $0xC0  }
0xac: {  	_ =	task [dreg:s6], $0x5FFFF  }
0xad: {  	[dreg:$0x1] =	wrdreg $0xFFFFFFFF  }
0xae: {  	[dreg:$0x0] =	wrdreg $0x60  }
0xaf: {  	[dreg:$0x2] =	wrdreg s23  }
0xb0: {  	[dreg:$0x3] =	wrdreg s1  }
0xb1: {  	[dreg:$0x4] =	wrdreg s24  }
0xb2: {  	[dreg:$0x5] =	wrdreg $0x9  }
0xb3: {  	_ =	task.clear_ibuf [dreg:s6], $0x6FFFF;
	_ =	strace $0x9000004C  }
0xb4: {  	s29 =	simm.s32 $0x9;
	_ =	strace $0x8000004E  }
0xb5: {  	_ =	swait.ge [sflag:s29], $0x1  }
0xb6: {  	[sflag:s29] =	ssyncadd.s32 $0xFFFFFFFF  }
0xb7: {  	_ =	strace $0x9000004E  }
0xb8: {  	_ =	sfence  }
0xb9: {  	s30 =	sld [smem:$0x0];
	_ =	sdelay $0x2  }
0xba: {  	s31 =	sshll.u32 s1, $0xD;
	s1 =	sshrl.u32 s1, $0x2  }
0xbb: {  	s3 =	sand.u32 $0x4000, s31;
	s1 =	sadd.s32 s1, s30  }
0xbc: {  	s0 =	sor.u32 s3, s0;
	s1 =	sshll.u32 s1, $0x11  }
0xbd: {  	s0 =	sor.u32 s1, s0  }
0xbe: {  	s0 =	sadd.s32 $0x8F2B, s0  }
0xbf: {  	[sflag:s0] =	ssyncadd.remote.s32 $0x1  }
0xc0: {  	_ =	sfence.sel $0xFFFF  }
0xc1: {  	[dreg:$0x0] =	wrdreg $0xFFFFFFFF;
	(pc) =	sbr.abs _section_cstart, $3  }
0xc2: {  	[dreg:$0x1] =	wrdreg $0xFFFFFFFF  }
0xc3: {  	_ =	task.clear_ibuf [dreg:s6], $0x2FFFF;
	_ =	strace $0x9FFFFFFF  }
0xc4: {  	(tm) =	ssettm $0x7FFFFFFF  }
0xc5: {  	_ =	shalt  }
tec
execute0_lowered:
.L_overlay_start_1:
0x0: {  	(tag) =	ssettag $0x1  }
0x1: {  	s11 =	rddreg [dreg:$0x0]  }
0x2: {  	s2 =	rddreg [dreg:$0x1];
	_ =	strace $0x8000004D;
	s12 =	simm.s32 $0x1  }
0x3: {  	v0 =	vimm.s32 $0x0;
	[sflag:s12] =	ssyncpa.u1 $0x0  }
0x4: {  	[tilespmem:$0x28] =	vst v0  }
0x5: {  	[tilespmem:$0x38] =	vst v0  }
0x6: {  	[tilespmem:$0x48] =	vst v0  }
0x7: {  	[tilespmem:$0x58] =	vst v0  }
0x8: {  	[tilespmem:$0x68] =	vst v0  }
0x9: {  	[tilespmem:$0x78] =	vst v0  }
0xa: {  	[tilespmem:$0x88] =	vst v0  }
0xb: {  	[tilespmem:$0x98] =	vst v0  }
0xc: {  	[tilespmem:$0xA8] =	vst v0  }
0xd: {  	[tilespmem:$0xB8] =	vst v0  }
0xe: {  	[tilespmem:$0xC8] =	vst v0  }
0xf: {  	[tilespmem:$0xD8] =	vst v0  }
0x10: {  	[tilespmem:$0xE8] =	vst v0  }
0x11: {  	[tilespmem:$0xF8] =	vst v0  }
0x12: {  	[tilespmem:$0x108] =	vst v0  }
0x13: {  	[tilespmem:$0x118] =	vst v0  }
0x14: {  	[tilespmem:$0x128] =	vst v0  }
0x15: {  	[tilespmem:$0x138] =	vst v0  }
0x16: {  	[tilespmem:$0x148] =	vst v0  }
0x17: {  	[tilespmem:$0x158] =	vst v0  }
0x18: {  	[tilespmem:$0x168] =	vst v0  }
0x19: {  	[tilespmem:$0x178] =	vst v0  }
0x1a: {  	[tilespmem:$0x188] =	vst v0  }
0x1b: {  	[tilespmem:$0x198] =	vst v0  }
0x1c: {  	[tilespmem:$0x1A8] =	vst v0  }
0x1d: {  	[tilespmem:$0x1B8] =	vst v0  }
0x1e: {  	[tilespmem:$0x1C8] =	vst v0  }
0x1f: {  	[tilespmem:$0x1D8] =	vst v0  }
0x20: {  	[tilespmem:$0x1E8] =	vst v0  }
0x21: {  	[tilespmem:$0x1F8] =	vst v0  }
0x22: {  	[tilespmem:$0x208] =	vst v0  }
0x23: {  	[tilespmem:$0x218] =	vst v0  }
0x24: {  	[tilespmem:$0x228] =	vst v0  }
0x25: {  	[tilespmem:$0x238] =	vst v0  }
0x26: {  	[tilespmem:$0x248] =	vst v0  }
0x27: {  	[tilespmem:$0x258] =	vst v0  }
0x28: {  	[tilespmem:$0x268] =	vst v0  }
0x29: {  	[tilespmem:$0x278] =	vst v0  }
0x2a: {  	[tilespmem:$0x288] =	vst v0  }
0x2b: {  	[tilespmem:$0x298] =	vst v0  }
0x2c: {  	[tilespmem:$0x2A8] =	vst v0  }
0x2d: {  	[tilespmem:$0x2B8] =	vst v0  }
0x2e: {  	[tilespmem:$0x2C8] =	vst v0  }
0x2f: {  	[tilespmem:$0x2D8] =	vst v0  }
0x30: {  	[tilespmem:$0x2E8] =	vst v0  }
0x31: {  	[tilespmem:$0x2F8] =	vst v0  }
0x32: {  	[tilespmem:$0x308] =	vst v0  }
0x33: {  	[tilespmem:$0x318] =	vst v0  }
0x34: {  	[tilespmem:$0x328] =	vst v0  }
0x35: {  	[tilespmem:$0x338] =	vst v0  }
0x36: {  	[tilespmem:$0x348] =	vst v0  }
0x37: {  	[tilespmem:$0x358] =	vst v0  }
0x38: {  	[tilespmem:$0x368] =	vst v0  }
0x39: {  	[tilespmem:$0x378] =	vst v0  }
0x3a: {  	[tilespmem:$0x388] =	vst v0  }
0x3b: {  	[tilespmem:$0x398] =	vst v0  }
0x3c: {  	[tilespmem:$0x3A8] =	vst v0  }
0x3d: {  	[tilespmem:$0x3B8] =	vst v0  }
0x3e: {  	[tilespmem:$0x3C8] =	vst v0  }
0x3f: {  	[tilespmem:$0x3D8] =	vst v0  }
0x40: {  	[tilespmem:$0x3E8] =	vst v0  }
0x41: {  	[tilespmem:$0x3F8] =	vst v0  }
0x42: {  	[tilespmem:$0x408] =	vst v0  }
0x43: {  	[tilespmem:$0x418] =	vst v0  }
0x44: {  	[tilespmem:$0x428] =	vst v0  }
0x45: {  	[tilespmem:$0x438] =	vst v0  }
0x46: {  	[tilespmem:$0x448] =	vst v0  }
0x47: {  	[tilespmem:$0x458] =	vst v0  }
0x48: {  	[tilespmem:$0x468] =	vst v0  }
0x49: {  	[tilespmem:$0x478] =	vst v0  }
0x4a: {  	[tilespmem:$0x488] =	vst v0  }
0x4b: {  	[tilespmem:$0x498] =	vst v0  }
0x4c: {  	[tilespmem:$0x4A8] =	vst v0  }
0x4d: {  	[tilespmem:$0x4B8] =	vst v0  }
0x4e: {  	[tilespmem:$0x4C8] =	vst v0  }
0x4f: {  	[tilespmem:$0x4D8] =	vst v0  }
0x50: {  	[tilespmem:$0x4E8] =	vst v0  }
0x51: {  	[tilespmem:$0x4F8] =	vst v0  }
0x52: {  	[tilespmem:$0x508] =	vst v0  }
0x53: {  	[tilespmem:$0x518] =	vst v0  }
0x54: {  	[tilespmem:$0x528] =	vst v0  }
0x55: {  	[tilespmem:$0x538] =	vst v0  }
0x56: {  	[tilespmem:$0x548] =	vst v0  }
0x57: {  	[tilespmem:$0x558] =	vst v0  }
0x58: {  	[tilespmem:$0x568] =	vst v0  }
0x59: {  	[tilespmem:$0x578] =	vst v0  }
0x5a: {  	[tilespmem:$0x588] =	vst v0  }
0x5b: {  	[tilespmem:$0x598] =	vst v0  }
0x5c: {  	[tilespmem:$0x5A8] =	vst v0  }
0x5d: {  	[tilespmem:$0x5B8] =	vst v0  }
0x5e: {  	[tilespmem:$0x5C8] =	vst v0  }
0x5f: {  	[tilespmem:$0x5D8] =	vst v0  }
0x60: {  	[tilespmem:$0x5E8] =	vst v0  }
0x61: {  	[tilespmem:$0x5F8] =	vst v0  }
0x62: {  	[tilespmem:$0x608] =	vst v0  }
0x63: {  	[tilespmem:$0x618] =	vst v0  }
0x64: {  	[tilespmem:$0x628] =	vst v0  }
0x65: {  	[tilespmem:$0x638] =	vst v0  }
0x66: {  	[tilespmem:$0x648] =	vst v0  }
0x67: {  	[tilespmem:$0x658] =	vst v0  }
0x68: {  	[tilespmem:$0x668] =	vst v0  }
0x69: {  	[tilespmem:$0x678] =	vst v0  }
0x6a: {  	[tilespmem:$0x688] =	vst v0  }
0x6b: {  	[tilespmem:$0x698] =	vst v0  }
0x6c: {  	[tilespmem:$0x6A8] =	vst v0  }
0x6d: {  	[tilespmem:$0x6B8] =	vst v0  }
0x6e: {  	[tilespmem:$0x6C8] =	vst v0  }
0x6f: {  	[tilespmem:$0x6D8] =	vst v0  }
0x70: {  	[tilespmem:$0x6E8] =	vst v0  }
0x71: {  	[tilespmem:$0x6F8] =	vst v0  }
0x72: {  	[tilespmem:$0x708] =	vst v0  }
0x73: {  	[tilespmem:$0x718] =	vst v0  }
0x74: {  	[tilespmem:$0x728] =	vst v0  }
0x75: {  	[tilespmem:$0x738] =	vst v0  }
0x76: {  	[tilespmem:$0x748] =	vst v0  }
0x77: {  	[tilespmem:$0x758] =	vst v0  }
0x78: {  	[tilespmem:$0x768] =	vst v0  }
0x79: {  	[tilespmem:$0x778] =	vst v0  }
0x7a: {  	[tilespmem:$0x788] =	vst v0  }
0x7b: {  	[tilespmem:$0x798] =	vst v0  }
0x7c: {  	[tilespmem:$0x7A8] =	vst v0  }
0x7d: {  	[tilespmem:$0x7B8] =	vst v0  }
0x7e: {  	[tilespmem:$0x7C8] =	vst v0  }
0x7f: {  	[tilespmem:$0x7D8] =	vst v0  }
0x80: {  	[tilespmem:$0x7E8] =	vst v0  }
0x81: {  	[tilespmem:$0x7F8] =	vst v0  }
0x82: {  	[tilespmem:$0x808] =	vst v0  }
0x83: {  	[tilespmem:$0x818] =	vst v0  }
0x84: {  	[tilespmem:$0x828] =	vst v0  }
0x85: {  	[tilespmem:$0x838] =	vst v0  }
0x86: {  	[tilespmem:$0x848] =	vst v0  }
0x87: {  	[tilespmem:$0x858] =	vst v0  }
0x88: {  	[tilespmem:$0x868] =	vst v0  }
0x89: {  	[tilespmem:$0x878] =	vst v0  }
0x8a: {  	[tilespmem:$0x888] =	vst v0  }
0x8b: {  	[tilespmem:$0x898] =	vst v0  }
0x8c: {  	[tilespmem:$0x8A8] =	vst v0  }
0x8d: {  	[tilespmem:$0x8B8] =	vst v0  }
0x8e: {  	[tilespmem:$0x8C8] =	vst v0  }
0x8f: {  	[tilespmem:$0x8D8] =	vst v0  }
0x90: {  	[tilespmem:$0x8E8] =	vst v0  }
0x91: {  	[tilespmem:$0x8F8] =	vst v0  }
0x92: {  	[tilespmem:$0x908] =	vst v0  }
0x93: {  	[tilespmem:$0x918] =	vst v0  }
0x94: {  	[tilespmem:$0x928] =	vst v0  }
0x95: {  	[tilespmem:$0x938] =	vst v0  }
0x96: {  	[tilespmem:$0x948] =	vst v0  }
0x97: {  	[tilespmem:$0x958] =	vst v0  }
0x98: {  	[tilespmem:$0x968] =	vst v0  }
0x99: {  	[tilespmem:$0x978] =	vst v0  }
0x9a: {  	[tilespmem:$0x988] =	vst v0  }
0x9b: {  	[tilespmem:$0x998] =	vst v0  }
0x9c: {  	[tilespmem:$0x9A8] =	vst v0  }
0x9d: {  	[tilespmem:$0x9B8] =	vst v0  }
0x9e: {  	[tilespmem:$0x9C8] =	vst v0  }
0x9f: {  	[tilespmem:$0x9D8] =	vst v0  }
0xa0: {  	[tilespmem:$0x9E8] =	vst v0  }
0xa1: {  	[tilespmem:$0x9F8] =	vst v0  }
0xa2: {  	[tilespmem:$0xA08] =	vst v0  }
0xa3: {  	[tilespmem:$0xA18] =	vst v0  }
0xa4: {  	[tilespmem:$0xA28] =	vst v0  }
0xa5: {  	[tilespmem:$0xA38] =	vst v0  }
0xa6: {  	[tilespmem:$0xA48] =	vst v0  }
0xa7: {  	[tilespmem:$0xA58] =	vst v0  }
0xa8: {  	[tilespmem:$0xA68] =	vst v0  }
0xa9: {  	[tilespmem:$0xA78] =	vst v0  }
0xaa: {  	[tilespmem:$0xA88] =	vst v0  }
0xab: {  	[tilespmem:$0xA98] =	vst v0  }
0xac: {  	[tilespmem:$0xAA8] =	vst v0  }
0xad: {  	[tilespmem:$0xAB8] =	vst v0  }
0xae: {  	[tilespmem:$0xAC8] =	vst v0  }
0xaf: {  	[tilespmem:$0xAD8] =	vst v0  }
0xb0: {  	[tilespmem:$0xAE8] =	vst v0  }
0xb1: {  	[tilespmem:$0xAF8] =	vst v0  }
0xb2: {  	[tilespmem:$0xB08] =	vst v0  }
0xb3: {  	[tilespmem:$0xB18] =	vst v0  }
0xb4: {  	[tilespmem:$0xB28] =	vst v0  }
0xb5: {  	[tilespmem:$0xB38] =	vst v0  }
0xb6: {  	[tilespmem:$0xB48] =	vst v0  }
0xb7: {  	[tilespmem:$0xB58] =	vst v0  }
0xb8: {  	[tilespmem:$0xB68] =	vst v0  }
0xb9: {  	[tilespmem:$0xB78] =	vst v0  }
0xba: {  	[tilespmem:$0xB88] =	vst v0  }
0xbb: {  	[tilespmem:$0xB98] =	vst v0  }
0xbc: {  	[tilespmem:$0xBA8] =	vst v0  }
0xbd: {  	[tilespmem:$0xBB8] =	vst v0  }
0xbe: {  	[tilespmem:$0xBC8] =	vst v0  }
0xbf: {  	[tilespmem:$0xBD8] =	vst v0  }
0xc0: {  	[tilespmem:$0xBE8] =	vst v0  }
0xc1: {  	[tilespmem:$0xBF8] =	vst v0  }
0xc2: {  	[tilespmem:$0xC08] =	vst v0  }
0xc3: {  	[tilespmem:$0xC18] =	vst v0  }
0xc4: {  	[tilespmem:$0xC28] =	vst v0  }
0xc5: {  	[tilespmem:$0xC38] =	vst v0  }
0xc6: {  	[tilespmem:$0xC48] =	vst v0  }
0xc7: {  	[tilespmem:$0xC58] =	vst v0  }
0xc8: {  	[tilespmem:$0xC68] =	vst v0  }
0xc9: {  	[tilespmem:$0xC78] =	vst v0  }
0xca: {  	[tilespmem:$0xC88] =	vst v0  }
0xcb: {  	[tilespmem:$0xC98] =	vst v0  }
0xcc: {  	[tilespmem:$0xCA8] =	vst v0  }
0xcd: {  	[tilespmem:$0xCB8] =	vst v0  }
0xce: {  	[tilespmem:$0xCC8] =	vst v0  }
0xcf: {  	[tilespmem:$0xCD8] =	vst v0  }
0xd0: {  	[tilespmem:$0xCE8] =	vst v0  }
0xd1: {  	[tilespmem:$0xCF8] =	vst v0  }
0xd2: {  	[tilespmem:$0xD08] =	vst v0  }
0xd3: {  	[tilespmem:$0xD18] =	vst v0  }
0xd4: {  	[tilespmem:$0xD28] =	vst v0  }
0xd5: {  	[tilespmem:$0xD38] =	vst v0  }
0xd6: {  	[tilespmem:$0xD48] =	vst v0  }
0xd7: {  	[tilespmem:$0xD58] =	vst v0  }
0xd8: {  	[tilespmem:$0xD68] =	vst v0  }
0xd9: {  	[tilespmem:$0xD78] =	vst v0  }
0xda: {  	[tilespmem:$0xD88] =	vst v0  }
0xdb: {  	[tilespmem:$0xD98] =	vst v0  }
0xdc: {  	[tilespmem:$0xDA8] =	vst v0  }
0xdd: {  	[tilespmem:$0xDB8] =	vst v0  }
0xde: {  	[tilespmem:$0xDC8] =	vst v0  }
0xdf: {  	[tilespmem:$0xDD8] =	vst v0  }
0xe0: {  	[tilespmem:$0xDE8] =	vst v0  }
0xe1: {  	[tilespmem:$0xDF8] =	vst v0  }
0xe2: {  	[tilespmem:$0xE08] =	vst v0  }
0xe3: {  	[tilespmem:$0xE18] =	vst v0  }
0xe4: {  	[tilespmem:$0xE28] =	vst v0  }
0xe5: {  	[tilespmem:$0xE38] =	vst v0  }
0xe6: {  	[tilespmem:$0xE48] =	vst v0  }
0xe7: {  	[tilespmem:$0xE58] =	vst v0  }
0xe8: {  	[tilespmem:$0xE68] =	vst v0  }
0xe9: {  	[tilespmem:$0xE78] =	vst v0  }
0xea: {  	[tilespmem:$0xE88] =	vst v0  }
0xeb: {  	[tilespmem:$0xE98] =	vst v0  }
0xec: {  	[tilespmem:$0xEA8] =	vst v0  }
0xed: {  	[tilespmem:$0xEB8] =	vst v0  }
0xee: {  	[tilespmem:$0xEC8] =	vst v0  }
0xef: {  	[tilespmem:$0xED8] =	vst v0  }
0xf0: {  	[tilespmem:$0xEE8] =	vst v0  }
0xf1: {  	[tilespmem:$0xEF8] =	vst v0  }
0xf2: {  	[tilespmem:$0xF08] =	vst v0  }
0xf3: {  	[tilespmem:$0xF18] =	vst v0  }
0xf4: {  	[tilespmem:$0xF28] =	vst v0  }
0xf5: {  	[tilespmem:$0xF38] =	vst v0  }
0xf6: {  	[tilespmem:$0xF48] =	vst v0  }
0xf7: {  	[tilespmem:$0xF58] =	vst v0  }
0xf8: {  	[tilespmem:$0xF68] =	vst v0  }
0xf9: {  	[tilespmem:$0xF78] =	vst v0  }
0xfa: {  	[tilespmem:$0xF88] =	vst v0  }
0xfb: {  	[tilespmem:$0xF98] =	vst v0  }
0xfc: {  	[tilespmem:$0xFA8] =	vst v0  }
0xfd: {  	[tilespmem:$0xFB8] =	vst v0  }
0xfe: {  	[tilespmem:$0xFC8] =	vst v0  }
0xff: {  	[tilespmem:$0xFD8] =	vst v0  }
0x100: {  	[tilespmem:$0xFE8] =	vst v0  }
0x101: {  	[tilespmem:$0xFF8] =	vst v0  }
0x102: {  	[tilespmem:$0x1028] =	vst v0  }
0x103: {  	[tilespmem:$0x10E8] =	vst v0  }
0x104: {  	[tilespmem:$0x1068] =	vst v0  }
0x105: {  	[tilespmem:$0x1B28] =	vst v0  }
0x106: {  	[tilespmem:$0x1B18] =	vst v0  }
0x107: {  	[tilespmem:$0x1B08] =	vst v0  }
0x108: {  	[tilespmem:$0x1AF8] =	vst v0  }
0x109: {  	[tilespmem:$0x1AE8] =	vst v0  }
0x10a: {  	[tilespmem:$0x1AD8] =	vst v0  }
0x10b: {  	[tilespmem:$0x1AC8] =	vst v0  }
0x10c: {  	[tilespmem:$0x1AB8] =	vst v0  }
0x10d: {  	[tilespmem:$0x1AA8] =	vst v0  }
0x10e: {  	[tilespmem:$0x1A98] =	vst v0  }
0x10f: {  	[tilespmem:$0x1A88] =	vst v0  }
0x110: {  	[tilespmem:$0x1A78] =	vst v0  }
0x111: {  	[tilespmem:$0x1A68] =	vst v0  }
0x112: {  	[tilespmem:$0x1A58] =	vst v0  }
0x113: {  	[tilespmem:$0x1A48] =	vst v0  }
0x114: {  	[tilespmem:$0x1A38] =	vst v0  }
0x115: {  	[tilespmem:$0x1A28] =	vst v0  }
0x116: {  	[tilespmem:$0x1A18] =	vst v0  }
0x117: {  	[tilespmem:$0x1A08] =	vst v0  }
0x118: {  	[tilespmem:$0x19F8] =	vst v0  }
0x119: {  	[tilespmem:$0x19E8] =	vst v0  }
0x11a: {  	[tilespmem:$0x19D8] =	vst v0  }
0x11b: {  	[tilespmem:$0x19C8] =	vst v0  }
0x11c: {  	[tilespmem:$0x19B8] =	vst v0  }
0x11d: {  	[tilespmem:$0x19A8] =	vst v0  }
0x11e: {  	[tilespmem:$0x1998] =	vst v0  }
0x11f: {  	[tilespmem:$0x1988] =	vst v0  }
0x120: {  	[tilespmem:$0x1978] =	vst v0  }
0x121: {  	[tilespmem:$0x1968] =	vst v0  }
0x122: {  	[tilespmem:$0x1958] =	vst v0  }
0x123: {  	[tilespmem:$0x1948] =	vst v0  }
0x124: {  	[tilespmem:$0x1938] =	vst v0  }
0x125: {  	[tilespmem:$0x1928] =	vst v0  }
0x126: {  	[tilespmem:$0x1918] =	vst v0  }
0x127: {  	[tilespmem:$0x1908] =	vst v0  }
0x128: {  	[tilespmem:$0x18F8] =	vst v0  }
0x129: {  	[tilespmem:$0x18E8] =	vst v0  }
0x12a: {  	[tilespmem:$0x18D8] =	vst v0  }
0x12b: {  	[tilespmem:$0x18C8] =	vst v0  }
0x12c: {  	[tilespmem:$0x18B8] =	vst v0  }
0x12d: {  	[tilespmem:$0x18A8] =	vst v0  }
0x12e: {  	[tilespmem:$0x1898] =	vst v0  }
0x12f: {  	[tilespmem:$0x1888] =	vst v0  }
0x130: {  	[tilespmem:$0x1878] =	vst v0  }
0x131: {  	[tilespmem:$0x1868] =	vst v0  }
0x132: {  	[tilespmem:$0x1858] =	vst v0  }
0x133: {  	[tilespmem:$0x1848] =	vst v0  }
0x134: {  	[tilespmem:$0x1838] =	vst v0  }
0x135: {  	[tilespmem:$0x1828] =	vst v0  }
0x136: {  	[tilespmem:$0x1818] =	vst v0  }
0x137: {  	[tilespmem:$0x1808] =	vst v0  }
0x138: {  	[tilespmem:$0x17F8] =	vst v0  }
0x139: {  	[tilespmem:$0x17E8] =	vst v0  }
0x13a: {  	[tilespmem:$0x17D8] =	vst v0  }
0x13b: {  	[tilespmem:$0x17C8] =	vst v0  }
0x13c: {  	[tilespmem:$0x17B8] =	vst v0  }
0x13d: {  	[tilespmem:$0x17A8] =	vst v0  }
0x13e: {  	[tilespmem:$0x1798] =	vst v0  }
0x13f: {  	[tilespmem:$0x1788] =	vst v0  }
0x140: {  	[tilespmem:$0x1778] =	vst v0  }
0x141: {  	[tilespmem:$0x1768] =	vst v0  }
0x142: {  	[tilespmem:$0x1758] =	vst v0  }
0x143: {  	[tilespmem:$0x1748] =	vst v0  }
0x144: {  	[tilespmem:$0x1738] =	vst v0  }
0x145: {  	[tilespmem:$0x1728] =	vst v0  }
0x146: {  	[tilespmem:$0x1718] =	vst v0  }
0x147: {  	[tilespmem:$0x1708] =	vst v0  }
0x148: {  	[tilespmem:$0x16F8] =	vst v0  }
0x149: {  	[tilespmem:$0x16E8] =	vst v0  }
0x14a: {  	[tilespmem:$0x16D8] =	vst v0  }
0x14b: {  	[tilespmem:$0x16C8] =	vst v0  }
0x14c: {  	[tilespmem:$0x16B8] =	vst v0  }
0x14d: {  	[tilespmem:$0x16A8] =	vst v0  }
0x14e: {  	[tilespmem:$0x1698] =	vst v0  }
0x14f: {  	[tilespmem:$0x1688] =	vst v0  }
0x150: {  	[tilespmem:$0x1678] =	vst v0  }
0x151: {  	[tilespmem:$0x1668] =	vst v0  }
0x152: {  	[tilespmem:$0x1658] =	vst v0  }
0x153: {  	[tilespmem:$0x1648] =	vst v0  }
0x154: {  	[tilespmem:$0x1638] =	vst v0  }
0x155: {  	[tilespmem:$0x1628] =	vst v0  }
0x156: {  	[tilespmem:$0x1618] =	vst v0  }
0x157: {  	[tilespmem:$0x1608] =	vst v0  }
0x158: {  	[tilespmem:$0x15F8] =	vst v0  }
0x159: {  	[tilespmem:$0x15E8] =	vst v0  }
0x15a: {  	[tilespmem:$0x15D8] =	vst v0  }
0x15b: {  	[tilespmem:$0x15C8] =	vst v0  }
0x15c: {  	[tilespmem:$0x15B8] =	vst v0  }
0x15d: {  	[tilespmem:$0x15A8] =	vst v0  }
0x15e: {  	[tilespmem:$0x1598] =	vst v0  }
0x15f: {  	[tilespmem:$0x1588] =	vst v0  }
0x160: {  	[tilespmem:$0x1578] =	vst v0  }
0x161: {  	[tilespmem:$0x1568] =	vst v0  }
0x162: {  	[tilespmem:$0x1558] =	vst v0  }
0x163: {  	[tilespmem:$0x1548] =	vst v0  }
0x164: {  	[tilespmem:$0x1538] =	vst v0  }
0x165: {  	[tilespmem:$0x1528] =	vst v0  }
0x166: {  	[tilespmem:$0x1518] =	vst v0  }
0x167: {  	[tilespmem:$0x1508] =	vst v0  }
0x168: {  	[tilespmem:$0x14F8] =	vst v0  }
0x169: {  	[tilespmem:$0x14E8] =	vst v0  }
0x16a: {  	[tilespmem:$0x14D8] =	vst v0  }
0x16b: {  	[tilespmem:$0x14C8] =	vst v0  }
0x16c: {  	[tilespmem:$0x14B8] =	vst v0  }
0x16d: {  	[tilespmem:$0x14A8] =	vst v0  }
0x16e: {  	[tilespmem:$0x1498] =	vst v0  }
0x16f: {  	[tilespmem:$0x1488] =	vst v0  }
0x170: {  	[tilespmem:$0x1478] =	vst v0  }
0x171: {  	[tilespmem:$0x1468] =	vst v0  }
0x172: {  	[tilespmem:$0x1458] =	vst v0  }
0x173: {  	[tilespmem:$0x1448] =	vst v0  }
0x174: {  	[tilespmem:$0x1438] =	vst v0  }
0x175: {  	[tilespmem:$0x1428] =	vst v0  }
0x176: {  	[tilespmem:$0x1418] =	vst v0  }
0x177: {  	[tilespmem:$0x1408] =	vst v0  }
0x178: {  	[tilespmem:$0x13F8] =	vst v0  }
0x179: {  	[tilespmem:$0x13E8] =	vst v0  }
0x17a: {  	[tilespmem:$0x13D8] =	vst v0  }
0x17b: {  	[tilespmem:$0x13C8] =	vst v0  }
0x17c: {  	[tilespmem:$0x13B8] =	vst v0  }
0x17d: {  	[tilespmem:$0x13A8] =	vst v0  }
0x17e: {  	[tilespmem:$0x1398] =	vst v0  }
0x17f: {  	[tilespmem:$0x1388] =	vst v0  }
0x180: {  	[tilespmem:$0x1378] =	vst v0  }
0x181: {  	[tilespmem:$0x1368] =	vst v0  }
0x182: {  	[tilespmem:$0x1358] =	vst v0  }
0x183: {  	[tilespmem:$0x1348] =	vst v0  }
0x184: {  	[tilespmem:$0x1338] =	vst v0  }
0x185: {  	[tilespmem:$0x1328] =	vst v0  }
0x186: {  	[tilespmem:$0x1318] =	vst v0  }
0x187: {  	[tilespmem:$0x1308] =	vst v0  }
0x188: {  	[tilespmem:$0x12F8] =	vst v0  }
0x189: {  	[tilespmem:$0x12E8] =	vst v0  }
0x18a: {  	[tilespmem:$0x12D8] =	vst v0  }
0x18b: {  	[tilespmem:$0x12C8] =	vst v0  }
0x18c: {  	[tilespmem:$0x12B8] =	vst v0  }
0x18d: {  	[tilespmem:$0x12A8] =	vst v0  }
0x18e: {  	[tilespmem:$0x1298] =	vst v0  }
0x18f: {  	[tilespmem:$0x1288] =	vst v0  }
0x190: {  	[tilespmem:$0x1278] =	vst v0  }
0x191: {  	[tilespmem:$0x1268] =	vst v0  }
0x192: {  	[tilespmem:$0x1258] =	vst v0  }
0x193: {  	[tilespmem:$0x1248] =	vst v0  }
0x194: {  	[tilespmem:$0x1238] =	vst v0  }
0x195: {  	[tilespmem:$0x1228] =	vst v0  }
0x196: {  	[tilespmem:$0x1218] =	vst v0  }
0x197: {  	[tilespmem:$0x1208] =	vst v0  }
0x198: {  	[tilespmem:$0x11F8] =	vst v0  }
0x199: {  	[tilespmem:$0x11E8] =	vst v0  }
0x19a: {  	[tilespmem:$0x11D8] =	vst v0  }
0x19b: {  	[tilespmem:$0x11C8] =	vst v0  }
0x19c: {  	[tilespmem:$0x11B8] =	vst v0  }
0x19d: {  	[tilespmem:$0x11A8] =	vst v0  }
0x19e: {  	[tilespmem:$0x1198] =	vst v0  }
0x19f: {  	[tilespmem:$0x1188] =	vst v0  }
0x1a0: {  	[tilespmem:$0x1178] =	vst v0  }
0x1a1: {  	[tilespmem:$0x1168] =	vst v0  }
0x1a2: {  	[tilespmem:$0x1158] =	vst v0  }
0x1a3: {  	[tilespmem:$0x1148] =	vst v0  }
0x1a4: {  	[tilespmem:$0x1138] =	vst v0  }
0x1a5: {  	[tilespmem:$0x1128] =	vst v0  }
0x1a6: {  	[tilespmem:$0x1118] =	vst v0  }
0x1a7: {  	s4 =	stileid.u32;
	[tilespmem:$0x1108] =	vst v0  }
0x1a8: {  	s0 =	smul.u32 $0xE7, s4;
	[tilespmem:$0x10F8] =	vst v0  }
0x1a9: {  	s1 =	smin.u32 s4, $0x8;
	[tilespmem:$0x10C8] =	vst v0  }
0x1aa: {  	[tilespmem:$0x10D8] =	vst v0;
	s0 =	sadd.s32 s1, s0  }
0x1ab: {  	p0 =	slt.u32 s4, $0x8;
	[tilespmem:$0x10B8] =	vst v0;
	s1 =	simm.s32 $0x18780;
	s6 =	smul.u32 $0x1B0, s0  }
0x1ac: {  	s1 =	simm.s32 @!p0 $0x185D0;
	[tilespmem:$0x1038] =	vst v0  }
0x1ad: {  	[tilespmem:$0x10A8] =	vst v0;
	s0 =	sadd.s32 s1, s6  }
0x1ae: {  	s3 =	simm.s32 $0x2;
	s8 =	simm.s32 $0x9;
	[tilespmem:$0x1098] =	vst v0;
	s7 =	smin.u32 s0, $0x186A00  }
0x1af: {  	s10 =	simm.s32 $0xA;
	s30 =	simm.s32 $0xB;
	[tilespmem:$0x1088] =	vst v0;
	s0 =	ssub.s32 s7, s6  }
0x1b0: {  	s16 =	simm.s32 $0x0;
	p4 =	por $0x0, $0x0;
	[tilespmem:$0x1078] =	vst v0;
	p0 =	sgt.s32 s0, $0x0  }
0x1b1: {  	s17 =	simm.s32 $0xC;
	s21 =	simm.s32 $0x0;
	[tilespmem:$0x1058] =	vst v0;
	s0 =	simm.s32 @!p0 $0x0  }
0x1b2: {  	s18 =	simm.s32 $0x0;
	s2 =	sand.u32 $0x1, s2;
	[tilespmem:$0x1048] =	vst v0;
	s29 =	smulhi.u32 $0x4BDA12F7, s0  }
0x1b3: {  	s20 =	simm.s32 $0x0;
	s31 =	sshll.u32 s4, $0x5;
	[tilespmem:$0x1018] =	vst v0;
	[dreg:$0x5] =	wrdreg s2  }
0x1b4: {  	s2 =	smul.u32 $0x30D40, s2;
	[tilespmem:$0x1008] =	vst v0;
	[sflag:s3] =	ssyncpa.u1 $0x0;
	s1 =	sshrl.u32 s29, $0x7  }
0x1b5: {  	v0 =	vimm.s32 $0xFFFFFFFF;
	s3 =	sadd.s32 $0x746800, s11;
	[dreg:$0x4] =	wrdreg s31;
	s5 =	smul.u32 $0x1B0, s1  }
.Ltmp0:
0x1b6: {  	[tilespmem:$0x3648] =	vst v0;
	[sflag:s8] =	ssyncpa.u1 $0x0;
	s2 =	sadd.s32 s2, s11;
	(pc) =	sbr.rel .LBB2_1-.Ltmp0, $4  }
0x1b7: {  	[sflag:s10] =	ssyncpa.u1 $0x0;
	s11 =	sadd.s32 $0xB1B000, s11;
	p0 =	sne.s32 s0, s5  }
0x1b8: {  	[sflag:s30] =	ssyncpa.u1 $0x0;
	s14 =	sadd.s32 $0x4FC600, s2;
	s12 =	simm.s32 @!p0 $0x0  }
0x1b9: {  	s15 =	sadd.s32 $0x64E00, s2;
	s19 =	smov.u32 s6;
	s12 =	sadd.s32 s12, s1  }
0x1ba: {  	v0 =	vlaneseq.u32;
	[dreg:$0x6] =	wrdreg s6;
	p0 =	por $0x1, $0x1;
	s4 =	sadd.s32 $0x1, s12  }
.LBB2_18:
0x1bb: {  	s0 =	simm.s32 $0x2  }
0x1bc: {  	_ =	swait.ge [sflag:s0], $0x0  }
0x1bd: {  	[sflag:s0] =	ssyncset.done $0x0;
	s0 =	simm.s32 $0x0  }
.LBB2_19:
0x1be: {  	_ =	swait.ge [sflag:s17], s0  }
0x1bf: {  	s31 =	ssub.s32 $0x0, s0;
	v1 =	vmov s23;
	vm0 =	veq.s32 v0, $0x0;
	[sflag:s17] =	ssyncset.done $0x0  }
0x1c0: {  	vm15 =	veq.s32 v0, $0x2;
	v1 =	vsel vm0, s28, v1;
	[sflag:s17] =	ssyncadd.s32 s31  }
0x1c1: {  	v1 =	vsel vm15, s21, v1;
	[sflag:s17] =	ssyncpa.u1 $0x1  }
0x1c2: {  	[tilespmem:$0x3648] =	vst v1  }
.LBB2_20:
0x1c3: {  	s0 =	sadd.s32 $0x1B0, s19  }
0x1c4: {  	s1 =	smov.u32 s6;
	p1 =	slt.s32 s0, s7  }
0x1c5: {  	s1 =	smov.u32 @p1 s0;
	p1 =	sne.s32 s20, s4  }
.Ltmp1:
0x1c6: {  	_ = 	snop;
	(pc) =	sbr.rel @!p1 .LBB2_21-.Ltmp1, $4  }
0x1c7: {  	_ = 	snop  }
0x1c8: {  	s21 =	smov.u32 s18  }
0x1c9: {  	s31 =	sadd.s32 $0x1, s20;
	s18 =	smov.u32 s19;
	p0 =	por !p0, !p0  }
0x1ca: {  	p4 =	por !p4, !p4;
	s20 =	smov.u32 s31;
	s19 =	smov.u32 s1  }
.LBB2_1:
0x1cb: {  	p2 =	sge.u32 s20, s12  }
0x1cc: {  	s0 =	smulhi.u32 @!p2 $0xAAAAAAAB, s20  }
0x1cd: {  	s1 =	smov.u32 s19;
	p3 =	sgt.s32 @!p2 s19, $0x186850  }
0x1ce: {  	s2 =	sshra.s32 @!p2 s19, $0x1F;
	p3 =	por !p3, p2;
	s0 =	sshrl.u32 @!p2 s0, $0x1  }
0x1cf: {  	s2 =	sand.u32 @!p2 s2, s19;
	s1 =	simm.s32 @p3 $0x186850;
	s0 =	smul.u32 @!p2 $0x3, s0  }
0x1d0: {  	s1 =	ssub.s32 @!p2 s1, s2  }
0x1d1: {  	s23 =	sadd.s32 $0xFFFFFFFF, s20;
	s1 =	sadd.s32 @!p2 $0xFFE797B0, s1;
	s0 =	ssub.s32 @!p2 s20, s0  }
0x1d2: {  	s2 =	sshll.u32 @!p2 s1, $0x2;
	p3 =	sgt.s32 @!p2 s1, $0x1AF;
	s0 =	smul.u32 @!p2 $0x6C0, s0  }
0x1d3: {  	s5 =	sand.u32 @!p2 $0x7, s19;
	s1 =	ssub.s32 @!p2 $0x6C0, s2;
	p3 =	por !p3, p2  }
0x1d4: {  	s2 =	sshrl.u32 @!p2 s19, $0x3;
	s1 =	sshrl.u32 @!p2 s1, $0x2;
	s0 =	sshrl.u32 @!p2 s0, $0x2  }
0x1d5: {  	s2 =	sadd.s32 @!p2 s2, s14;
	s1 =	simm.s32 @!p3 $0x0;
	s0 =	sadd.s32 @!p2 $0x3888, s0  }
0x1d6: {  	[tilespmem:s0], [sflag:$0xA] =	stream.linear.gather @!p2 [hbm4b:s2+s5], s1, $0x38;
	[tilespmem:$0x1F0F8] =	vst v63  }
0x1d7: {  	p2 =	sge.u32 s23, s12  }
0x1d8: {  	p3 =	sgt.s32 @!p2 s18, $0x186850  }
0x1d9: {  	s0 =	smov.u32 s18;
	s1 =	sshra.s32 @!p2 s18, $0x1F;
	p3 =	por !p3, p2  }
0x1da: {  	s1 =	sand.u32 @!p2 s1, s18;
	s0 =	simm.s32 @p3 $0x186850  }
0x1db: {  	s0 =	ssub.s32 @!p2 s0, s1  }
0x1dc: {  	s0 =	sadd.s32 @!p2 $0xFFE797B0, s0  }
0x1dd: {  	s1 =	sshll.u32 @!p2 s0, $0x2  }
0x1de: {  	p3 =	sgt.s32 @!p2 s0, $0x1AF;
	s0 =	ssub.s32 @!p2 $0x6C0, s1  }
0x1df: {  	s22 =	ssub.s32 @!p2 $0x186A00, s18;
	p3 =	por !p3, p2;
	s0 =	sshrl.u32 @!p2 s0, $0x2  }
0x1e0: {  	s1 =	sand.u32 @!p2 $0x1, s23;
	s0 =	simm.s32 @!p3 $0x0;
	p3 =	slt.s32 @!p2 s22, $0x1  }
0x1e1: {  	s2 =	simm.s32 @!p2 $0xA;
	s1 =	smul.u32 @!p2 $0x6C0, s1;
	p3 =	por p2, p3  }
.Ltmp2:
0x1e2: {  	_ =	swait.ge @!p2 [sflag:s2], s0;
	(pc) =	sbr.rel @p3 .LBB2_7-.Ltmp2, $4  }
0x1e3: {  	s5 =	ssub.s32 @!p2 $0x0, s0;
	[sflag:s2] =	ssyncset.done @!p2 $0x0  }
0x1e4: {  	s1 =	sshrl.u32 @!p2 s1, $0x2;
	[sflag:s2] =	ssyncadd.s32 @!p2 s5;
	s2 =	sshrl.u32 @!p2 s18, $0x3  }
0x1e5: {  	s1 =	sadd.s32 @!p2 $0x3D98, s1;
	s5 =	sand.u32 @!p2 $0x7, s18;
	s2 =	sadd.s32 @!p2 s2, s15  }
0x1e6: {  	[tilespmem:s1], [sflag:$0xB] =	stream.linear.gather @!p2 [hbm4b:s2+s5], s0, $0x38;
	[tilespmem:$0x1F0F8] =	vst v63  }
0x1e7: {  	s0 =	smulhi.u32 $0xAAAAAAAB, s23;
	_ =	sdelay $0x1  }
0x1e8: {  	s0 =	sshrl.u32 s0, $0x1  }
0x1e9: {  	s0 =	smul.u32 $0x3, s0;
	_ =	sdelay $0x1  }
0x1ea: {  	s0 =	ssub.s32 s23, s0  }
0x1eb: {  	s1 =	simm.s32 $0x1;
	s0 =	smul.u32 $0x6C0, s0  }
.Ltmp3:
0x1ec: {  	s1 =	simm.s32 @!p0 $0x0;
	(pc) =	sbr.rel .LBB2_4-.Ltmp3, $4  }
0x1ed: {  	s1 =	smul.u32 $0x36000, s1  }
0x1ee: {  	p3 =	slt.s32 @!p2 s22, $0x1B0;
	s0 =	sshrl.u32 s0, $0x2  }
0x1ef: {  	p2 =	por !p3, p2;
	s1 =	sshrl.u32 s1, $0x2;
	s0 =	sadd.s32 $0x3888, s0  }
0x1f0: {  	s24 =	simm.s32 $0x0;
	s22 =	simm.s32 @p2 $0x1B0;
	s23 =	sadd.s32 $0x40F8, s1;
	v1 =	vmov s0  }
.LBB2_3:
0x1f1: {  	p2 =	sge.s32 s24, s22  }
.Ltmp4:
0x1f2: {  	_ = 	snop;
	(pc) =	sbr.rel @p2 .LBB2_7-.Ltmp4, $2  }
0x1f3: {  	_ =	sdelay $0x2  }
0x1f4: {  	s23 =	sadd.s32 $0x800, s23  }
.LBB2_4:
0x1f5: {  	p2 =	sle.s32 s22, s24  }
.Ltmp5:
0x1f6: {  	_ = 	snop;
	(pc) =	sbr.rel @p2 .LBB2_3-.Ltmp5, $2  }
0x1f7: {  	_ =	sdelay $0x2  }
0x1f8: {  	s0 =	smov.u32 s24;
	s24 =	sadd.s32 $0x10, s24  }
0x1f9: {  	s1 =	ssub.s32 s22, s0  }
0x1fa: {  	p2 =	slt.s32 s1, $0x10  }
0x1fb: {  	s1 =	simm.s32 @!p2 $0x10  }
0x1fc: {  	v2 =	vmov s1  }
0x1fd: {  	vm0 =	vgt.s32 v2, v0;
	_ =	sdelay $0x5  }
0x1fe: {  	v2 =	vld.idx.msk [tilespmem:v1+s0+$0x0 ss:$0x1], vm0;
	_ =	sdelay $0x2  }
0x1ff: {  	p2 =	slt.s32 s24, s22;
	s1 =	smov.u32 s22  }
0x200: {  	s2 =	smov.u32 s23;
	s25 =	simm.s32 $0x0;
	s1 =	smov.u32 @p2 s24  }
.LBB2_6:
0x201: {  	(v2sf) =	vpush v2, s25;
	_ =	sdelay $0xc  }
0x202: {  	s25 =	sadd.s32 $0x1, s25  }
0x203: {  	s31 =	sadd.s32 s25, s0  }
0x204: {  	p2 =	slt.s32 s31, s1;
	s5 =	spop (v2sf)  }
.Ltmp6:
0x205: {  	s5 =	sshll.u32 s5, $0x4;
	(pc) =	sbr.rel @p2 .LBB2_6-.Ltmp6, $4  }
0x206: {  	s5 =	sand.u32 $0x1FFFFFF0, s5  }
0x207: {  	s5 =	sadd.s32 s11, s5  }
0x208: {  	[tilespmem:s2], [sflag:$0x9] =	stream.linear.gather [hbm4b:s5+s16], $0x10, $0x38;
	[tilespmem:$0x1F0F8] =	vst v63  }
0x209: {  	s2 =	sadd.s32 $0x80, s2  }
.Ltmp7:
0x20a: {  	_ = 	snop;
	(pc) =	sbr.rel .LBB2_3-.Ltmp7, $1  }
0x20b: {  	_ =	sdelay $0x3  }
.LBB2_7:
0x20c: {  	p2 =	slt.u32 s20, $0x2  }
.Ltmp8:
0x20d: {  	_ = 	snop;
	(pc) =	sbr.rel @p2 .LBB2_20-.Ltmp8, $1  }
0x20e: {  	_ =	sdelay $0x3  }
0x20f: {  	p2 =	sgt.s32 s21, $0x186850  }
0x210: {  	s0 =	smov.u32 s21;
	s1 =	sshra.s32 s21, $0x1F;
	s2 =	ssub.s32 $0x186A00, s21  }
0x211: {  	s0 =	simm.s32 @!p2 $0x186850;
	s1 =	sand.u32 s1, s21;
	p2 =	slt.s32 s2, $0x1B0  }
0x212: {  	s0 =	ssub.s32 s0, s1;
	s2 =	simm.s32 @!p2 $0x1B0  }
0x213: {  	s0 =	sadd.s32 $0xFFE797B0, s0;
	s24 =	sshll.u32 s2, $0x4  }
0x214: {  	s28 =	simm.s32 $0x9;
	s25 =	sshll.u32 s0, $0x2;
	s1 =	sand.u32 $0x3FFFFFF0, s24  }
0x215: {  	p2 =	sgt.s32 s0, $0x1AF;
	s26 =	ssub.s32 $0x6C0, s25;
	_ =	swait.ge [sflag:s28], s1  }
0x216: {  	s1 =	ssub.s32 $0x0, s1;
	[sflag:s28] =	ssyncset.done $0x0;
	s0 =	sshrl.u32 s26, $0x2  }
0x217: {  	s30 =	simm.s32 $0xB;
	[sflag:s28] =	ssyncadd.s32 s1;
	s0 =	simm.s32 @p2 $0x0  }
0x218: {  	_ =	swait.ge [sflag:s30], s0  }
0x219: {  	s0 =	ssub.s32 $0x0, s0;
	[sflag:s30] =	ssyncset.done $0x0  }
0x21a: {  	[sflag:s30] =	ssyncadd.s32 s0  }
0x21b: {  	v1 =	vld [tilespmem:$0x3648];
	_ =	sdelay $0x4  }
0x21c: {  	(v2sf) =	vpush v1, $0x0  }
0x21d: {  	(v2sf) =	vpush v1, $0x1  }
0x21e: {  	(v2sf) =	vpush v1, $0x2;
	_ =	sdelay $0x3  }
0x21f: {  	s0 =	sadd.s32 $0x1B0, s21  }
0x220: {  	s1 =	ssub.s32 $0x30D400, s21;
	p2 =	slt.s32 s7, s0  }
0x221: {  	s0 =	smov.u32 @p2 s7;
	p2 =	sgt.s32 s1, $0x0  }
0x222: {  	s25 =	ssub.s32 s0, s21;
	s1 =	simm.s32 @!p2 $0x0  }
0x223: {  	p2 =	slt.s32 s1, s25  }
0x224: {  	s25 =	smov.u32 @p2 s1  }
0x225: {  	s24 =	simm.s32 $0x1;
	p2 =	slt.s32 s25, $0x1  }
.Ltmp9:
0x226: {  	s24 =	simm.s32 @!p4 $0x0;
	(pc) =	sbr.rel @p2 .LBB2_12-.Ltmp9, $4  }
0x227: {  	s31 =	smul.u32 $0x6C0, s24  }
0x228: {  	s26 =	spop (v2sf)  }
0x229: {  	s0 =	sshrl.u32 s31, $0x2;
	s29 =	spop (v2sf)  }
0x22a: {  	s22 =	sadd.s32 $0x3D98, s0;
	s21 =	spop (v2sf)  }
0x22b: {  	s0 =	smin.u32 s25, $0x10  }
0x22c: {  	v1 =	vmov s0  }
0x22d: {  	p3 =	sgt.s32 s25, $0x10;
	vm1 =	vgt.u32 v1, v0  }
.Ltmp10:
0x22e: {  	_ = 	snop;
	(pc) =	sbr.rel @!p3 .LBB2_11-.Ltmp10, $2  }
0x22f: {  	_ =	sdelay $0x2  }
0x230: {  	s23 =	simm.s32 $0x10;
	s28 =	sadd.s32 $0xFFFFFFF0, s25;
	s0 =	smov.u32 s22;
	vm0 =	vmmov vm1  }
.LBB2_10:
0x231: {  	s1 =	smin.u32 s28, $0x10;
	s23 =	sadd.s32 $0x10, s23;
	v1 =	vld.msk [tilespmem:s0+$0x0 ss:$0x1], vm1  }
0x232: {  	v2 =	vmov s1;
	p3 =	slt.s32 s23, s25  }
0x233: {  	vm1 =	vgt.u32 v2, v0  }
.Ltmp11:
0x234: {  	(pc) =	sbr.rel @p3 .LBB2_10-.Ltmp11, $3  }
0x235: {  	_ =	sdelay $0x1  }
0x236: {  	v1 =	vshll.u32 v1, $0x4  }
0x237: {  	s28 =	sadd.s32 $0xFFFFFFF0, s28;
	[tilespmem:s0+$0x0] =	vst.msk vm0, v1;
	s0 =	sadd.s32 $0x10, s0;
	vm0 =	vmmov vm1  }
.LBB2_11:
0x238: {  	_ =	sdelay $0x4  }
0x239: {  	v1 =	vld.msk [tilespmem:s0+$0x0 ss:$0x1], vm1;
	_ =	sdelay $0x4  }
0x23a: {  	v1 =	vshll.u32 v1, $0x4  }
0x23b: {  	[tilespmem:s0+$0x0] =	vst.msk vm0, v1  }
.LBB2_12:
0x23c: {  	s0 =	sand.u32 $0x1, s20  }
0x23d: {  	s0 =	smul.u32 $0x1B0, s0  }
0x23e: {  	p3 =	sne.s32 s29, $0xFFFFFFFF  }
0x23f: {  	v1 =	vld.msk @!p3 [tilespmem:s0+$0x3D98], $0x1;
	_ =	sdelay $0x4  }
0x240: {  	(v2sf) =	vpush @!p3 v1, $0x0;
	_ =	sdelay $0xc  }
.Ltmp12:
0x241: {  	_ = 	snop;
	(pc) =	sbr.rel @p2 .LBB2_18-.Ltmp12, $4  }
0x242: {  	_ = 	snop  }
0x243: {  	s28 =	spop @!p3 (v2sf)  }
0x244: {  	s21 =	simm.s32 @!p3 $0x0;
	s23 =	smov.u32 s28  }
0x245: {  	[sflag:s17] =	ssyncpa.u1 $0x0;
	s28 =	smov.u32 @p3 s26;
	s23 =	smov.u32 @p3 s29  }
0x246: {  	v1 =	vld.msk [tilespmem:s22+$0x0], $0x1;
	_ =	sdelay $0x4  }
0x247: {  	(v2sf) =	vpush v1, $0x0;
	_ =	sdelay $0xe  }
0x248: {  	s0 =	simm.s32 @!p4 $0x0;
	s26 =	smul.u32 $0x36000, s24;
	s31 =	spop (v2sf)  }
0x249: {  	s29 =	ssub.s32 $0x0, s25;
	s0 =	simm.s32 @p4 $0x1;
	p2 =	seq.s32 s28, s31  }
0x24a: {  	s1 =	smov.u32 s28;
	[smem:$0x7FD] =	sst s0;
	p3 =	sgt.s32 @!p2 s28, $0x0  }
0x24b: {  	s0 =	sshrl.u32 s26, $0x2;
	s26 =	sadd.s32 $0x1, s29;
	p3 =	por !p3, p2  }
0x24c: {  	s1 =	simm.s32 @p3 $0x0;
	p3 =	seq.s32 s26, $0x0  }
.Ltmp13:
0x24d: {  	_ = 	snop;
	(pc) =	sbr.rel @p3 .LBB2_15-.Ltmp13, $4  }
0x24e: {  	s6 =	smov.u32 s4;
	s25 =	simm.s32 $0x0  }
0x24f: {  	s24 =	sadd.s32 $0x40F8, s0;
	s0 =	simm.s32 @!p2 $0x1;
	s2 =	smin.u32 @!p2 s1, $0x1869FE  }
0x250: {  	s30 =	sadd.s32 $0x1, s22;
	s0 =	smov.u32 @p2 s25;
	s5 =	sand.u32 @!p2 $0x1FFFF8, s2  }
0x251: {  	s1 =	simm.s32 @!p2 $0x1B38;
	s2 =	sand.u32 @!p2 $0x7, s2;
	s5 =	sadd.s32 @!p2 s3, s5  }
.LBB2_14:
0x252: {  	s4 =	smov.u32 s0  }
0x253: {  	[tilespmem:s1], [sflag:$0x2] =	stream.linear.gather @!p2 [hbm4b:s5+s2], $0x10, $0x38;
	[tilespmem:$0x1F0F8] =	vst v63  }
0x254: {  	s26 =	sadd.s32 $0x1, s26;
	s2 =	smov.u32 s31;
	v1 =	vld.msk [tilespmem:s30+$0x0], $0x1  }
0x255: {  	p3 =	seq.s32 s26, $0x0;
	_ =	sdelay $0x3  }
0x256: {  	(v2sf) =	vpush v1, $0x0;
	_ =	sdelay $0xe  }
0x257: {  	s31 =	spop (v2sf)  }
0x258: {  	p2 =	seq.s32 s2, s31  }
0x259: {  	p4 =	sgt.s32 @!p2 s2, $0x0;
	s1 =	sshll.u32 @!p2 s0, $0x6;
	s0 =	sadd.s32 @!p2 $0x1, s0  }
.Ltmp14:
0x25a: {  	p4 =	por !p4, p2;
	s1 =	sshra.s32 @!p2 s1, $0x2;
	(pc) =	sbr.rel @!p3 .LBB2_14-.Ltmp14, $4  }
0x25b: {  	s0 =	smov.u32 @p2 s4;
	s2 =	simm.s32 @p4 $0x0;
	s1 =	sadd.s32 @!p2 $0x1B38, s1  }
0x25c: {  	s2 =	smin.u32 @!p2 s2, $0x1869FE  }
0x25d: {  	s4 =	sand.u32 @!p2 $0x1FFFF8, s2;
	s2 =	sand.u32 @!p2 $0x7, s2  }
0x25e: {  	s30 =	sadd.s32 $0x1, s30;
	s5 =	sadd.s32 @!p2 s3, s4  }
.LBB2_15:
0x25f: {  	[tilespmem:s1], [sflag:$0x2] =	stream.linear.gather @!p2 [hbm4b:s5+s2], $0x10, $0x38;
	[tilespmem:$0x1F0F8] =	vst v63  }
0x260: {  	s0 =	sshll.u32 s0, $0x4  }
0x261: {  	s31 =	simm.s32 $0x2;
	s0 =	sand.u32 $0x3FFFFFF0, s0  }
0x262: {  	_ =	swait.ge [sflag:s31], s0  }
0x263: {  	s0 =	ssub.s32 $0x0, s0;
	[sflag:s31] =	ssyncset.done $0x0  }
0x264: {  	[sflag:s31] =	ssyncadd.s32 s0  }
0x265: {  	v1 =	vld.msk [tilespmem:s22+$0x0], $0x1;
	_ =	sdelay $0x4  }
0x266: {  	(v2sf) =	vpush v1, $0x0;
	_ =	sdelay $0xe  }
0x267: {  	s26 =	spop (v2sf)  }
0x268: {  	p2 =	sne.s32 s28, s26  }
0x269: {  	p4 =	sne.s32 @p2 s28, s23  }
0x26a: {  	p3 =	por !p4, !p2  }
0x26b: {  	s0 =	simm.s32 @!p3 $0x0  }
0x26c: {  	v1 =	vld @!p3 [tilespmem:s0+$0x1B38]  }
0x26d: {  	p5 =	sgt.u32 @!p3 s28, $0x1869FE  }
0x26e: {  	s1 =	sshll.u32 @!p3 s21, $0x6;
	p6 =	por @p2 p5, !p4  }
0x26f: {  	s1 =	sshra.s32 @!p3 s1, $0x2;
	p1 =	por p6, !p2;
	p6 =	por p4, !p2  }
0x270: {  	s2 =	sadd.s32 @!p3 $0x28, s1;
	s4 =	sand.u32 @!p1 $0x1FFFF8, s28;
	s5 =	sshll.u32 @!p6 s21, $0x6  }
0x271: {  	s28 =	sand.u32 @!p1 $0x7, s28;
	[tilespmem:s1+$0x28] =	vst.add.f32.msk @!p3 $0xffff, v1;
	s1 =	sadd.s32 @!p1 s3, s4;
	s4 =	sshra.s32 @!p6 s5, $0x2  }
0x272: {  	[hbm4b:s1+s28] =	stream.linear.scatter @!p1 [tilespmem:s2], [sflag:$0xC], $0x10, $0x38;
	[tilespmem:$0x1F0F8] =	vst v63  }
0x273: {  	s0 =	rddreg [dreg:$0x4];
	s1 =	sadd.s32 @!p6 $0x28, s4;
	s2 =	simm.s32 @!p6 $0x1  }
0x274: {  	[spmem:s0] =	stream.linear.scatter @!p6 [tilespmem:s1], [sflag:$0x1], $0x10, $0x38;
	[tilespmem:$0x1F0F8] =	vst v63  }
0x275: {  	s0 =	sadd.s32 @p2 $0x1, s21;
	_ =	swait.ge @!p6 [sflag:s2], $0x10  }
0x276: {  	s1 =	sshrl.u32 @p2 s0, $0x4;
	[sflag:s2] =	ssyncset.done @!p6 $0x0  }
0x277: {  	s1 =	smulhi.u32 @p2 $0x97B425F, s1;
	[sflag:s2] =	ssyncadd.s32 @!p6 $0xFFFFFFF0  }
0x278: {  	s28 =	sadd.s32 $0x1, s29;
	v1 =	vld @p2 [tilespmem:s24+$0x0]  }
0x279: {  	p1 =	por @p2 !p5, !p4;
	p4 =	seq.s32 s28, $0x0;
	s1 =	smul.u32 @p2 $0x1B0, s1  }
.Ltmp15:
0x27a: {  	p1 =	por !p1, !p2;
	s2 =	simm.s32 @!p3 $0x0;
	(pc) =	sbr.rel @p4 .LBB2_17-.Ltmp15, $4  }
0x27b: {  	s4 =	sshll.u32 @!p2 s21, $0x6;
	s2 =	simm.s32 @!p1 $0x40;
	s0 =	ssub.s32 @p2 s0, s1  }
0x27c: {  	s29 =	simm.s32 $0x0;
	s2 =	sadd.s32 @!p3 $0x0, s2;
	s5 =	sshll.u32 @p2 s0, $0x4  }
0x27d: {  	s30 =	sshra.s32 @!p2 s4, $0x2;
	s1 =	simm.s32 @p2 $0x1;
	s2 =	smov.u32 @p3 s25;
	[tilespmem:s5+$0x28] =	vst @p2 v1  }
0x27e: {  	s21 =	smov.u32 @p2 s0;
	s29 =	smov.u32 @p2 s2;
	s25 =	smov.u32 @p2 s1;
	v1 =	vld @!p2 [tilespmem:s24+$0x0]  }
.LBB2_16:
0x27f: {  	_ =	sdelay $0x3  }
0x280: {  	s22 =	sadd.s32 $0x1, s22;
	[tilespmem:s30+$0x28] =	vst.add.f32.msk @!p2 $0xffff, v1  }
0x281: {  	v1 =	vld.msk [tilespmem:s22+$0x0], $0x1;
	_ =	sdelay $0x4  }
0x282: {  	(v2sf) =	vpush v1, $0x0;
	_ =	sdelay $0xe  }
0x283: {  	s0 =	smov.u32 s26;
	s26 =	spop (v2sf)  }
0x284: {  	p2 =	sne.s32 s0, s26  }
0x285: {  	p5 =	sne.s32 @p2 s0, s23  }
0x286: {  	s4 =	sshll.u32 @!p2 s21, $0x6;
	p4 =	por !p5, !p2  }
0x287: {  	s30 =	sshra.s32 @!p2 s4, $0x2;
	s4 =	sshll.u32 @!p4 s25, $0x6  }
0x288: {  	s4 =	sshra.s32 @!p4 s4, $0x2  }
0x289: {  	p1 =	sgt.u32 @!p4 s0, $0x1869FE;
	v1 =	vld @!p4 [tilespmem:s4+$0x1B38]  }
0x28a: {  	s31 =	sshll.u32 @!p4 s21, $0x6;
	p6 =	por @p2 p1, !p5;
	p1 =	por @p2 !p1, !p5  }
0x28b: {  	s8 =	simm.s32 @!p4 $0x0;
	s31 =	sshra.s32 @!p4 s31, $0x2;
	p1 =	por !p1, !p2  }
0x28c: {  	p5 =	por p5, !p2;
	s8 =	simm.s32 @!p1 $0x40;
	p1 =	por p6, !p2  }
0x28d: {  	s4 =	sadd.s32 @!p4 $0x28, s31;
	s13 =	sshll.u32 @!p5 s21, $0x6;
	s10 =	sand.u32 @!p1 $0x1FFFF8, s0  }
0x28e: {  	s13 =	sshra.s32 @!p5 s13, $0x2;
	s0 =	sand.u32 @!p1 $0x7, s0;
	s10 =	sadd.s32 @!p1 s3, s10;
	[tilespmem:s31+$0x28] =	vst.add.f32.msk @!p4 $0xffff, v1  }
0x28f: {  	[hbm4b:s10+s0] =	stream.linear.scatter @!p1 [tilespmem:s4], [sflag:$0xC], $0x10, $0x38;
	[tilespmem:$0x1F0F8] =	vst v63  }
0x290: {  	s1 =	rddreg [dreg:$0x4];
	s0 =	sadd.s32 @!p5 $0x28, s13;
	s4 =	simm.s32 @!p5 $0x1  }
0x291: {  	[spmem:s1] =	stream.linear.scatter @!p5 [tilespmem:s0], [sflag:$0x1], $0x10, $0x38;
	[tilespmem:$0x1F0F8] =	vst v63  }
0x292: {  	s2 =	sadd.s32 @p2 $0x1, s21;
	_ =	swait.ge @!p5 [sflag:s4], $0x10  }
0x293: {  	s5 =	sshrl.u32 @p2 s2, $0x4;
	[sflag:s4] =	ssyncset.done @!p5 $0x0  }
0x294: {  	s24 =	sadd.s32 $0x80, s24;
	s5 =	smulhi.u32 @p2 $0x97B425F, s5;
	[sflag:s4] =	ssyncadd.s32 @!p5 $0xFFFFFFF0  }
0x295: {  	s28 =	sadd.s32 $0x1, s28;
	v1 =	vld @p2 [tilespmem:s24+$0x0]  }
0x296: {  	p3 =	seq.s32 s28, $0x0;
	s5 =	smul.u32 @p2 $0x1B0, s5  }
.Ltmp16:
0x297: {  	_ = 	snop;
	(pc) =	sbr.rel @!p3 .LBB2_16-.Ltmp16, $4  }
0x298: {  	s2 =	ssub.s32 @p2 s2, s5  }
0x299: {  	s8 =	sadd.s32 @!p4 s8, s29;
	s5 =	sshll.u32 @p2 s2, $0x4  }
0x29a: {  	s9 =	sadd.s32 @p2 $0x1, s25;
	s8 =	smov.u32 @p4 s29;
	[tilespmem:s5+$0x28] =	vst @p2 v1  }
0x29b: {  	s25 =	smov.u32 @p2 s9;
	s21 =	smov.u32 @p2 s2;
	s29 =	smov.u32 @p2 s8;
	v1 =	vld @!p2 [tilespmem:s24+$0x0]  }
.LBB2_17:
.Ltmp17:
0x29c: {  	_ = 	snop;
	(pc) =	sbr.rel .LBB2_19-.Ltmp17, $3  }
0x29d: {  	s1 =	sld [smem:$0x7FD];
	_ =	sdelay $0x1  }
0x29e: {  	s0 =	sshrl.u32 s29, $0x2;
	s28 =	smov.u32 s26  }
0x29f: {  	s4 =	smov.u32 s6;
	s6 =	rddreg [dreg:$0x6];
	p4 =	seq.s32 s1, $0x1;
	[tilespmem:s30+$0x28] =	vst.add.f32.msk @!p2 $0xffff, v1  }
.LBB2_21:
0x2a0: {  	_ =	sfence.sel $0x180000  }
0x2a1: {  	s0 =	simm.s32 $0x9;
	[bflag:$0x0] =	sbarrier.arrive $0xFFFF  }
0x2a2: {  	s24 =	simm.s32 $0xA;
	[sflag:s0] =	ssyncpa.u1 $0x1  }
0x2a3: {  	s25 =	simm.s32 $0xB;
	[sflag:s24] =	ssyncpa.u1 $0x1  }
0x2a4: {  	s26 =	simm.s32 $0x2;
	[sflag:s25] =	ssyncpa.u1 $0x1  }
0x2a5: {  	[sflag:s26] =	ssyncpa.u1 $0x1  }
0x2a6: {  	v0 =	vld [tilespmem:$0x3648];
	_ =	sdelay $0x4  }
0x2a7: {  	(v2sf) =	vpush v0, $0x0  }
0x2a8: {  	(v2sf) =	vpush v0, $0x1;
	_ =	sdelay $0x1  }
0x2a9: {  	(v2sf) =	vpush v0, $0x2;
	_ =	sdelay $0xb  }
0x2aa: {  	s0 =	spop (v2sf)  }
0x2ab: {  	s1 =	spop (v2sf)  }
0x2ac: {  	s2 =	smov.u32 s0;
	p0 =	sne.s32 s0, s1  }
0x2ad: {  	s4 =	spop (v2sf);
	s2 =	simm.s32 @!p0 $0xFFFFFFFF  }
0x2ae: {  	v2 =	vimm.s32 $0x1;
	v3 =	vlaneseq.u32;
	p0 =	seq.s32 s4, $0xFFFFFFFF;
	v1 =	vmov s2  }
0x2af: {  	s16 =	stileid.u32;
	v0 =	vperm.xlane v0, v2;
	p1 =	sne.s32 @!p0 s0, s1;
	v1 =	vperm.xlane v1, v3  }
0x2b0: {  	vm0 =	vcmask $0x3F04;
	s6 =	simm.s32 $0x3648;
	s0 =	simm.s32 @!p0 $0x1;
	p1 =	por !p1, p0  }
0x2b1: {  	s2 =	sshll.u32 s16, $0x1;
	s1 =	sshll.u32 @!p0 s4, $0x6;
	s0 =	simm.s32 @p1 $0x0;
	v0 =	vsel vm0, v1, v0  }
0x2b2: {  	s5 =	sor.u32 $0x200, s2;
	s1 =	sshra.s32 @!p0 s1, $0x2;
	s0 =	sor.u32 @!p0 s0, s2;
	[tilespmem:$0x3648] =	vst v0  }
0x2b3: {  	[spmem:s5] =	stream.linear.scatter [tilespmem:s6], [sflag:$0x1], $0x2, $0x38;
	[tilespmem:$0x1F0F8] =	vst v63  }
0x2b4: {  	s1 =	sadd.s32 @!p0 $0x28, s1;
	s0 =	sshll.u32 @!p0 s0, $0x4  }
0x2b5: {  	[spmem:s0] =	stream.linear.scatter @!p0 [tilespmem:s1], [sflag:$0x1], $0x10, $0x38;
	[tilespmem:$0x1F0F8] =	vst v63  }
0x2b6: {  	s0 =	simm.s32 @!p0 $0x12  }
0x2b7: {  	s28 =	simm.s32 $0x1;
	s0 =	simm.s32 @p0 $0x2  }
0x2b8: {  	_ =	swait.ge [sflag:s28], s0  }
0x2b9: {  	s0 =	ssub.s32 $0x0, s0;
	[sflag:s28] =	ssyncset.done $0x0  }
0x2ba: {  	p0 =	sne.s32 s16, $0x0;
	[sflag:s28] =	ssyncadd.s32 s0  }
.Ltmp18:
0x2bb: {  	_ =	sfence.stream.spmem;
	(pc) =	sbr.rel @p0 .LBB2_38-.Ltmp18, $4  }
0x2bc: {  	s29 =	simm.s32 $0x3;
	[bflag:$0x0] =	sbarrier.arrive $0xFFFF  }
0x2bd: {  	s30 =	simm.s32 $0x4;
	[sflag:s29] =	ssyncpa.u1 $0x1  }
0x2be: {  	s31 =	simm.s32 $0x3C;
	[sflag:s30] =	ssyncpa.u1 $0x1  }
0x2bf: {  	s17 =	rddreg [dreg:$0x5];
	[sflag:s31] =	ssyncpa.u1 $0x1  }
0x2c0: {  	_ =	sfence.stream.spmem;
	s0 =	simm.s32 $0x5  }
0x2c1: {  	s1 =	simm.s32 $0x200;
	s2 =	simm.s32 $0x3658;
	[sflag:s0] =	ssyncpa.u1 $0x0  }
0x2c2: {  	[tilespmem:s2], [sflag:$0x5] =	stream.linear.gather [spmem:s1], $0x20, $0x38;
	[tilespmem:$0x1F0F8] =	vst v63  }
0x2c3: {  	s26 =	simm.s32 $0x0;
	s28 =	simm.s32 $0x3678  }
0x2c4: {  	[tilespmem:s28], [sflag:$0x5] =	stream.linear.gather [spmem:s26], $0x200, $0x38;
	[tilespmem:$0x1F0F8] =	vst v63  }
0x2c5: {  	_ =	swait.ge [sflag:s0], $0x220  }
0x2c6: {  	[sflag:s0] =	ssyncset.done $0x0  }
0x2c7: {  	s29 =	simm.s32 $0x0;
	[sflag:s0] =	ssyncadd.s32 $0xFFFFFDE0  }
0x2c8: {  	v0 =	vld.msk [tilespmem:s29+$0x3658], $0x1;
	_ =	sdelay $0x1  }
0x2c9: {  	s30 =	simm.s32 $0x1  }
0x2ca: {  	v1 =	vld.msk [tilespmem:s30+$0x3658], $0x1;
	_ =	sdelay $0x1  }
0x2cb: {  	(v2sf) =	vpush v0, $0x0;
	_ =	sdelay $0x2  }
0x2cc: {  	(v2sf) =	vpush v1, $0x0;
	_ =	sdelay $0x2  }
0x2cd: {  	s31 =	simm.s32 $0x2  }
0x2ce: {  	v0 =	vld.msk [tilespmem:s31+$0x3658], $0x1;
	_ =	sdelay $0x2  }
0x2cf: {  	s6 =	simm.s32 $0xFFFFFFFF;
	s1 =	simm.s32 $0xFFFFFFFF;
	s0 =	simm.s32 $0xC  }
.LBB2_23:
0x2d0: {  	s2 =	smov.u32 s6;
	s4 =	smov.u32 s1  }
0x2d1: {  	s1 =	sshra.s32 s0, $0x2;
	p1 =	sne.s32 s0, $0x7C;
	s0 =	sadd.s32 $0x4, s0;
	(v2sf) =	vpush v0, $0x0  }
0x2d2: {  	v0 =	vld.msk [tilespmem:s1+$0x3658], $0x1  }
.Ltmp19:
0x2d3: {  	(pc) =	sbr.rel @p1 .LBB2_23-.Ltmp19, $4  }
0x2d4: {  	s6 =	spop (v2sf)  }
0x2d5: {  	p2 =	sne.s32 s4, $0xFFFFFFFF;
	s1 =	smov.u32 s6  }
0x2d6: {  	p3 =	seq.s32 s6, $0xFFFFFFFF;
	s1 =	smov.u32 @p2 s4  }
0x2d7: {  	s6 =	smov.u32 @p3 s2;
	s1 =	smov.u32 @p3 s4  }
0x2d8: {  	(v2sf) =	vpush v0, $0x0;
	_ =	sdelay $0x8  }
0x2d9: {  	s0 =	spop (v2sf)  }
0x2da: {  	p1 =	sne.s32 s1, $0xFFFFFFFF;
	s2 =	smov.u32 s0  }
0x2db: {  	s9 =	simm.s32 $0x6;
	p2 =	seq.s32 s0, $0xFFFFFFFF;
	s2 =	smov.u32 @p1 s1  }
0x2dc: {  	s10 =	simm.s32 $0x3638;
	s2 =	smov.u32 @p2 s1;
	s1 =	spop (v2sf)  }
0x2dd: {  	s0 =	smov.u32 @p2 s6;
	p1 =	sne.s32 s2, $0xFFFFFFFF;
	s4 =	smov.u32 s1  }
.Ltmp20:
0x2de: {  	p2 =	seq.s32 s1, $0xFFFFFFFF;
	s4 =	smov.u32 @p1 s2;
	(pc) =	sbr.rel .LBB2_25-.Ltmp20, $4  }
0x2df: {  	s11 =	simm.s32 $0x0;
	s4 =	smov.u32 @p2 s2;
	s7 =	spop (v2sf)  }
0x2e0: {  	[sflag:s9] =	ssyncpa.u1 $0x0;
	p1 =	sne.s32 s4, $0xFFFFFFFF;
	s8 =	smov.u32 s7  }
0x2e1: {  	s1 =	smov.u32 @p2 s0;
	p2 =	seq.s32 s7, $0xFFFFFFFF;
	s8 =	smov.u32 @p1 s4  }
0x2e2: {  	s6 =	simm.s32 $0x0;
	s7 =	smov.u32 @p2 s1;
	s8 =	smov.u32 @p2 s4  }
.LBB2_30:
0x2e3: {  	p1 =	sgt.u32 s12, $0x1869FE  }
0x2e4: {  	p2 =	seq.s32 @!p1 s12, s8  }
0x2e5: {  	p1 =	por p1, p2  }
0x2e6: {  	p2 =	sne.s32 @!p1 s12, s7  }
0x2e7: {  	p1 =	por p1, !p2  }
0x2e8: {  	s0 =	sshll.u32 @p1 s11, $0x6  }
0x2e9: {  	s0 =	sand.u32 @!p1 $0x1FFFF8, s12  }
0x2ea: {  	s1 =	sand.u32 @!p1 $0x7, s12;
	s0 =	sadd.s32 @!p1 s3, s0  }
0x2eb: {  	[tilespmem:s10], [sflag:$0x6] =	stream.linear.gather @!p1 [hbm4b:s0+s1], $0x10, $0x38;
	[tilespmem:$0x1F0F8] =	vst v63  }
0x2ec: {  	_ =	swait.ge @!p1 [sflag:s9], $0x10  }
0x2ed: {  	[sflag:s9] =	ssyncset.done @!p1 $0x0  }
0x2ee: {  	[sflag:s9] =	ssyncadd.s32 @!p1 $0xFFFFFFF0  }
0x2ef: {  	v1 =	vld @!p1 [tilespmem:$0x3638];
	_ =	sdelay $0x2  }
0x2f0: {  	s0 =	sshll.u32 @!p1 s11, $0x6  }
0x2f1: {  	s1 =	sshrl.u32 @!p1 s0, $0x2  }
0x2f2: {  	[tilespmem:s1+$0x3678] =	vst.add.f32.msk @!p1 $0xffff, v1  }
0x2f3: {  	s0 =	sshrl.u32 s0, $0x2;
	[tilespmem:s6+$0x3658] =	vst.msk $0x1, v0  }
0x2f4: {  	v0 =	vld [tilespmem:s0+$0x3678];
	_ =	sdelay $0x2  }
0x2f5: {  	s31 =	sshll.u32 s6, $0x6  }
0x2f6: {  	s0 =	sshra.s32 s31, $0x2  }
0x2f7: {  	s6 =	sadd.s32 $0x1, s6;
	[tilespmem:s0+$0x3678] =	vst v0  }
.LBB2_32:
0x2f8: {  	s11 =	sadd.s32 $0x1, s11  }
0x2f9: {  	p1 =	sne.s32 s11, $0x20  }
.Ltmp21:
0x2fa: {  	_ = 	snop;
	(pc) =	sbr.rel @!p1 .LBB2_33-.Ltmp21, $1  }
0x2fb: {  	_ =	sdelay $0x3  }
.LBB2_25:
0x2fc: {  	v0 =	vld.msk [tilespmem:s11+$0x3658], $0x1;
	_ =	sdelay $0x4  }
0x2fd: {  	(v2sf) =	vpush v0, $0x0;
	_ =	sdelay $0xe  }
0x2fe: {  	s12 =	spop (v2sf)  }
0x2ff: {  	p1 =	seq.s32 s12, $0xFFFFFFFF  }
.Ltmp22:
0x300: {  	_ = 	snop;
	(pc) =	sbr.rel @p1 .LBB2_32-.Ltmp22, $1  }
0x301: {  	_ =	sdelay $0x3  }
0x302: {  	p1 =	slt.s32 s6, $0x1  }
.Ltmp23:
0x303: {  	_ = 	snop;
	(pc) =	sbr.rel @p1 .LBB2_30-.Ltmp23, $1  }
0x304: {  	_ =	sdelay $0x3  }
0x305: {  	s13 =	simm.s32 $0x3658;
	p1 =	por $0x0, $0x0  }
0x306: {  	v1 =	vld.msk @!p1 [tilespmem:s13+$0x0], $0x1;
	_ =	sdelay $0x4  }
0x307: {  	(v2sf) =	vpush @!p1 v1, $0x0;
	_ =	sdelay $0xd  }
0x308: {  	p3 =	sne.s32 s6, $0x1  }
.Ltmp24:
0x309: {  	s0 =	spop @!p1 (v2sf);
	(pc) =	sbr.rel @!p3 .LBB2_29-.Ltmp24, $4  }
0x30a: {  	p2 =	seq.s32 @!p1 s12, s0  }
0x30b: {  	s14 =	simm.s32 $0x0;
	p2 =	por !p2, p1  }
0x30c: {  	s0 =	simm.s32 $0xFFFFFFFF;
	s14 =	simm.s32 @p2 $0xFFFFFFFF  }
0x30d: {  	s15 =	simm.s32 $0x1;
	s14 =	smov.u32 @p1 s0  }
.LBB2_28:
0x30e: {  	s0 =	smov.u32 s14;
	p1 =	sne.s32 s14, $0xFFFFFFFF  }
0x30f: {  	s13 =	sadd.s32 $0x1, s13;
	s14 =	smov.u32 s15;
	s15 =	sadd.s32 $0x1, s15  }
0x310: {  	p2 =	sne.s32 s6, s15;
	v1 =	vld.msk @!p1 [tilespmem:s13+$0x0], $0x1;
	_ =	sdelay $0x4  }
0x311: {  	(v2sf) =	vpush @!p1 v1, $0x0;
	_ =	sdelay $0xe  }
.Ltmp25:
0x312: {  	s1 =	spop @!p1 (v2sf);
	(pc) =	sbr.rel @p2 .LBB2_28-.Ltmp25, $4  }
0x313: {  	p3 =	seq.s32 @!p1 s12, s1  }
0x314: {  	p3 =	por !p3, p1  }
0x315: {  	s14 =	simm.s32 @p3 $0xFFFFFFFF  }
0x316: {  	s14 =	smov.u32 @p1 s0  }
.LBB2_29:
0x317: {  	p1 =	sne.s32 s14, $0xFFFFFFFF  }
.Ltmp26:
0x318: {  	_ = 	snop;
	(pc) =	sbr.rel @!p1 .LBB2_30-.Ltmp26, $1  }
0x319: {  	_ =	sdelay $0x3  }
0x31a: {  	s0 =	sshll.u32 s11, $0x4  }
0x31b: {  	s0 =	sand.u32 $0x3FFFFFF0, s0  }
0x31c: {  	v0 =	vld [tilespmem:s0+$0x3678]  }
.Ltmp27:
0x31d: {  	_ = 	snop;
	(pc) =	sbr.rel .LBB2_32-.Ltmp27, $4  }
0x31e: {  	_ = 	snop  }
0x31f: {  	s31 =	sshll.u32 s14, $0x6  }
0x320: {  	s0 =	sshra.s32 s31, $0x2  }
0x321: {  	[tilespmem:s0+$0x3678] =	vst.add.f32.msk $0xffff, v0  }
.LBB2_33:
0x322: {  	s0 =	simm.s32 $0x6;
	p1 =	seq.s32 s6, $0x0  }
0x323: {  	[sflag:s0] =	ssyncpa.u1 $0x1;
	v0 =	vimm.s32 @p1 $0xFFFFFFFF  }
0x324: {  	s9 =	sadd.s32 $0xFFFFFFFF, s6;
	[tilespmem:$0x3878] =	vst @p1 v0  }
0x325: {  	v0 =	vld.msk @!p1 [tilespmem:s9+$0x3658], $0x1;
	_ =	sdelay $0x1  }
0x326: {  	v1 =	vld.msk @!p1 [tilespmem:$0x3658], $0x1;
	_ =	sdelay $0x2  }
0x327: {  	p2 =	seq.s32 @!p1 s9, $0x0;
	v0 =	vbroadcast @!p1 v0, $0x0  }
0x328: {  	vm0 =	vmmov @!p1 $0x1;
	p2 =	por !p2, p1  }
0x329: {  	v1 =	vnsel @!p1 vm0, $0xFFFFFFFF, v1;
	vm0 =	vcmask @!p1 $0x308;
	v0 =	vpsel !p2, $0xFFFFFFFF, v0  }
0x32a: {  	p2 =	sne.s32 @!p1 s8, s7;
	v0 =	vsel @!p1 vm0, v1, v0  }
0x32b: {  	s0 =	simm.s32 @!p1 $0x3678;
	s1 =	simm.s32 @!p1 $0x0;
	p3 =	por !p2, p1;
	[tilespmem:$0x3878] =	vst @!p1 v0  }
0x32c: {  	[spmem:s1] =	stream.linear.scatter @!p1 [tilespmem:s0], [sflag:$0x1], $0x10, $0x38;
	[tilespmem:$0x1F0F8] =	vst v63  }
0x32d: {  	s0 =	sshll.u32 @!p3 s9, $0x6  }
0x32e: {  	s0 =	sshra.s32 @!p3 s0, $0x2  }
0x32f: {  	s1 =	simm.s32 @!p3 $0x10;
	s0 =	sadd.s32 @!p3 $0x3678, s0  }
0x330: {  	[spmem:s1] =	stream.linear.scatter @!p3 [tilespmem:s0], [sflag:$0x1], $0x10, $0x38;
	[tilespmem:$0x1F0F8] =	vst v63  }
0x331: {  	s0 =	simm.s32 @!p3 $0x1  }
0x332: {  	_ =	swait.ge @!p3 [sflag:s0], $0x20  }
0x333: {  	p1 =	por p2, p1;
	[sflag:s0] =	ssyncset.done @!p3 $0x0  }
0x334: {  	[sflag:s0] =	ssyncadd.s32 @!p3 $0xFFFFFFE0;
	s0 =	simm.s32 @!p1 $0x1  }
0x335: {  	_ =	swait.ge @!p1 [sflag:s0], $0x10  }
0x336: {  	s29 =	simm.s32 $0x3878;
	[sflag:s0] =	ssyncset.done @!p1 $0x0  }
0x337: {  	s30 =	simm.s32 $0x200;
	s31 =	simm.s32 $0x1;
	[sflag:s0] =	ssyncadd.s32 @!p1 $0xFFFFFFF0  }
0x338: {  	[spmem:s30] =	stream.linear.scatter [tilespmem:s29], [sflag:$0x1], $0x10, $0x38;
	[tilespmem:$0x1F0F8] =	vst v63  }
0x339: {  	_ =	swait.ge [sflag:s31], $0x10  }
0x33a: {  	[sflag:s31] =	ssyncset.done $0x0  }
0x33b: {  	p1 =	seq.s32 s17, $0x0;
	s8 =	rddreg [dreg:$0x1];
	[sflag:s31] =	ssyncadd.s32 $0xFFFFFFF0  }
0x33c: {  	s1 =	sshll.u32 @p1 s8, $0xE;
	s7 =	rddreg [dreg:$0x2]  }
0x33d: {  	s0 =	sadd.s32 @p1 $0x15C3C, s1;
	s1 =	sshll.u32 @p1 s7, $0x11  }
0x33e: {  	_ =	sfence.stream.spmem;
	s0 =	sor.u32 @p1 s1, s0  }
0x33f: {  	[sflag:s0] =	ssyncadd.remote.s32 @p1 $0x1;
	s0 =	simm.s32 @p1 $0x4  }
0x340: {  	s2 =	simm.s32 @!p1 $0x3C;
	s1 =	sand.u32 $0xFFFFFFFE, s8;
	_ =	swait.ge @p1 [sflag:s0], $0x6  }
0x341: {  	s4 =	simm.s32 @!p1 $0x0;
	s1 =	sadd.s32 @!p1 $0x4, s1;
	[sflag:s0] =	ssyncset.done @p1 $0x0  }
0x342: {  	s5 =	simm.s32 @!p1 $0x20;
	[sflag:s0] =	ssyncadd.s32 @p1 $0xFFFFFFFA;
	s0 =	sshll.u32 @!p1 s1, $0x1A  }
0x343: {  	s1 =	sshll.u32 @!p1 s1, $0xD;
	s0 =	sor.u32 @!p1 s0, s7;
	_ =	swait.eq @!p1 [sflag:s2], $0x1  }
0x344: {  	s1 =	sor.u32 @!p1 $0x1C04, s1;
	s2 =	simm.s32 @!p1 $0x1C03;
	s0 =	sor.u32 @!p1 $0x80004000, s0  }
0x345: {  	[spmem:s5], [sflag:s1] =	dma.general @!p1 [spmem:s4], [sflag:s2], length:$0x4, [dreg:$0x0], stride_count:$0x0, ici_dest:s0, dma_misc:DstOpCode:WRITE  }
0x346: {  	p2 =	slt.s32 s9, $0x2;
	s4 =	simm.s32 @!p1 $0x40;
	s5 =	simm.s32 @!p1 $0x42  }
0x347: {  	[spmem:s5], [sflag:s1] =	dma.general @!p1 [spmem:s4], [sflag:s2], length:$0x2, [dreg:$0x0], stride_count:$0x0, ici_dest:s0, dma_misc:DstOpCode:WRITE  }
.Ltmp28:
0x348: {  	s0 =	simm.s32 @!p1 $0x3;
	(pc) =	sbr.rel @p2 .LBB2_37-.Ltmp28, $4  }
0x349: {  	s1 =	sshll.u32 @!p1 s8, $0xE;
	_ =	swait.ge @!p1 [sflag:s0], $0x6  }
0x34a: {  	s2 =	sshll.u32 @!p1 s7, $0x11;
	s1 =	sadd.s32 @!p1 $0x11C3C, s1;
	[sflag:s0] =	ssyncset.done @!p1 $0x0  }
0x34b: {  	[sflag:s0] =	ssyncadd.s32 @!p1 $0xFFFFFFFA;
	s0 =	sor.u32 @!p1 s2, s1  }
0x34c: {  	[sflag:s0] =	ssyncadd.remote.s32 @!p1 $0xFFFFFFFF;
	s0 =	simm.s32 $0x0  }
0x34d: {  	s0 =	simm.s32 $0x3659  }
0x34e: {  	v0 =	vld.msk [tilespmem:s0+$0x0], $0x1;
	_ =	sdelay $0x4  }
0x34f: {  	(v2sf) =	vpush v0, $0x0;
	_ =	sdelay $0xd  }
0x350: {  	s2 =	sadd.s32 $0xFFFFFFFE, s6  }
0x351: {  	s2 =	sadd.s32 $0xFFFFFFFF, s2;
	s0 =	spop (v2sf)  }
0x352: {  	p2 =	sne.s32 s2, $0x0;
	p1 =	sgt.u32 s0, $0x1869FE  }
.Ltmp29:
0x353: {  	s4 =	sand.u32 @!p1 $0x1FFFF8, s0;
	(pc) =	sbr.rel @!p2 .LBB2_36-.Ltmp29, $4  }
0x354: {  	s1 =	simm.s32 $0x3688;
	s0 =	sand.u32 @!p1 $0x7, s0;
	s4 =	sadd.s32 @!p1 s3, s4  }
0x355: {  	[hbm4b:s4+s0] =	stream.linear.scatter @!p1 [tilespmem:s1], [sflag:$0x5], $0x10, $0x38;
	[tilespmem:$0x1F0F8] =	vst v63  }
0x356: {  	s0 =	simm.s32 $0x0  }
0x357: {  	s6 =	simm.s32 $0x0;
	s7 =	simm.s32 $0x365A;
	s0 =	simm.s32 @!p1 $0x40  }
.LBB2_35:
0x358: {  	v0 =	vld.msk [tilespmem:s7+$0x0], $0x1;
	s2 =	sadd.s32 $0xFFFFFFFF, s2;
	s6 =	sadd.s32 s6, s0  }
0x359: {  	p1 =	sne.s32 s2, $0x0;
	_ =	sdelay $0x3  }
0x35a: {  	(v2sf) =	vpush v0, $0x0;
	_ =	sdelay $0xe  }
.Ltmp30:
0x35b: {  	s4 =	spop (v2sf);
	(pc) =	sbr.rel @p1 .LBB2_35-.Ltmp30, $4  }
0x35c: {  	s0 =	simm.s32 $0x0;
	p2 =	sgt.u32 s4, $0x1869FE  }
0x35d: {  	s1 =	sadd.s32 $0x10, s1;
	s0 =	simm.s32 @!p2 $0x40;
	s5 =	sand.u32 @!p2 $0x1FFFF8, s4  }
0x35e: {  	s7 =	sadd.s32 $0x1, s7;
	s4 =	sand.u32 @!p2 $0x7, s4;
	s5 =	sadd.s32 @!p2 s3, s5  }
0x35f: {  	[hbm4b:s5+s4] =	stream.linear.scatter @!p2 [tilespmem:s1], [sflag:$0x5], $0x10, $0x38;
	[tilespmem:$0x1F0F8] =	vst v63  }
.LBB2_36:
0x360: {  	s0 =	sadd.s32 s6, s0  }
0x361: {  	s0 =	sshrl.u32 s0, $0x2  }
.LBB2_37:
0x362: {  	s1 =	simm.s32 $0x5  }
0x363: {  	_ =	swait.ge [sflag:s1], s0  }
0x364: {  	s31 =	ssub.s32 $0x0, s0;
	[sflag:s1] =	ssyncset.done $0x0  }
0x365: {  	[sflag:s1] =	ssyncadd.s32 s31  }
0x366: {  	[sflag:s1] =	ssyncpa.u1 $0x1  }
.LBB2_38:
0x367: {  	s0 =	sor.u32 s17, s16  }
0x368: {  	p1 =	sne.s32 s0, $0x0  }
.Ltmp31:
0x369: {  	_ = 	snop;
	(pc) =	sbr.rel @p1 .LBB2_53-.Ltmp31, $3  }
0x36a: {  	_ =	sdelay $0x1  }
0x36b: {  	[bflag:$0x0] =	sbarrier.arrive $0xFFFF  }
0x36c: {  	_ =	sfence  }
0x36d: {  	s0 =	simm.s32 $0x7  }
0x36e: {  	s1 =	simm.s32 $0x200;
	s2 =	simm.s32 $0x3658;
	[sflag:s0] =	ssyncpa.u1 $0x0  }
0x36f: {  	[tilespmem:s2], [sflag:$0x7] =	stream.linear.gather [spmem:s1], $0x20, $0x38;
	[tilespmem:$0x1F0F8] =	vst v63  }
0x370: {  	s30 =	simm.s32 $0x3678;
	s1 =	simm.s32 $0x0  }
0x371: {  	[tilespmem:s30], [sflag:$0x7] =	stream.linear.gather [spmem:s1], $0x200, $0x38;
	[tilespmem:$0x1F0F8] =	vst v63  }
.Ltmp32:
0x372: {  	_ = 	snop;
	(pc) =	sbr.rel .LBB2_40-.Ltmp32, $4  }
0x373: {  	_ =	swait.ge [sflag:s0], $0x220  }
0x374: {  	[sflag:s0] =	ssyncset.done $0x0  }
0x375: {  	s31 =	simm.s32 $0x8;
	[sflag:s0] =	ssyncadd.s32 $0xFFFFFDE0  }
0x376: {  	s2 =	simm.s32 $0x0;
	[sflag:s31] =	ssyncpa.u1 $0x0  }
.LBB2_45:
0x377: {  	p1 =	slt.u32 s4, $0x1869FF  }
0x378: {  	s0 =	sand.u32 @p1 $0x1FFFF8, s4  }
0x379: {  	s4 =	sand.u32 @p1 $0x7, s4;
	s5 =	simm.s32 @p1 $0x3638;
	s0 =	sadd.s32 @p1 s3, s0  }
0x37a: {  	[tilespmem:s5], [sflag:$0x8] =	stream.linear.gather @p1 [hbm4b:s0+s4], $0x10, $0x38;
	[tilespmem:$0x1F0F8] =	vst v63  }
0x37b: {  	s0 =	simm.s32 @p1 $0x8  }
0x37c: {  	_ =	swait.ge @p1 [sflag:s0], $0x10  }
0x37d: {  	[sflag:s0] =	ssyncset.done @p1 $0x0  }
0x37e: {  	[sflag:s0] =	ssyncadd.s32 @p1 $0xFFFFFFF0  }
0x37f: {  	v1 =	vld @p1 [tilespmem:$0x3638];
	_ =	sdelay $0x2  }
0x380: {  	s0 =	sshll.u32 @p1 s2, $0x6  }
0x381: {  	s5 =	sshll.u32 @!p1 s2, $0x6;
	s4 =	sshrl.u32 @p1 s0, $0x2  }
0x382: {  	s5 =	smov.u32 @p1 s0;
	[tilespmem:s4+$0x3678] =	vst.add.f32.msk @p1 $0xffff, v1  }
0x383: {  	s0 =	sshrl.u32 s5, $0x2;
	[tilespmem:s1+$0x3658] =	vst.msk $0x1, v0  }
0x384: {  	v0 =	vld [tilespmem:s0+$0x3678];
	_ =	sdelay $0x2  }
0x385: {  	s31 =	sshll.u32 s1, $0x6  }
0x386: {  	s0 =	sshra.s32 s31, $0x2  }
0x387: {  	s1 =	sadd.s32 $0x1, s1;
	[tilespmem:s0+$0x3678] =	vst v0  }
.LBB2_47:
0x388: {  	s2 =	sadd.s32 $0x1, s2  }
0x389: {  	p1 =	sne.s32 s2, $0x20  }
.Ltmp33:
0x38a: {  	_ = 	snop;
	(pc) =	sbr.rel @!p1 .LBB2_48-.Ltmp33, $1  }
0x38b: {  	_ =	sdelay $0x3  }
.LBB2_40:
0x38c: {  	v0 =	vld.msk [tilespmem:s2+$0x3658], $0x1;
	_ =	sdelay $0x4  }
0x38d: {  	(v2sf) =	vpush v0, $0x0;
	_ =	sdelay $0xe  }
0x38e: {  	s4 =	spop (v2sf)  }
0x38f: {  	p1 =	seq.s32 s4, $0xFFFFFFFF  }
.Ltmp34:
0x390: {  	_ = 	snop;
	(pc) =	sbr.rel @p1 .LBB2_47-.Ltmp34, $1  }
0x391: {  	_ =	sdelay $0x3  }
0x392: {  	p1 =	slt.s32 s1, $0x1  }
.Ltmp35:
0x393: {  	_ = 	snop;
	(pc) =	sbr.rel @p1 .LBB2_45-.Ltmp35, $1  }
0x394: {  	_ =	sdelay $0x3  }
0x395: {  	s5 =	simm.s32 $0x3658;
	p1 =	por $0x0, $0x0  }
0x396: {  	v1 =	vld.msk @!p1 [tilespmem:s5+$0x0], $0x1;
	_ =	sdelay $0x4  }
0x397: {  	(v2sf) =	vpush @!p1 v1, $0x0;
	_ =	sdelay $0xd  }
0x398: {  	p3 =	sne.s32 s1, $0x1  }
.Ltmp36:
0x399: {  	s0 =	spop @!p1 (v2sf);
	(pc) =	sbr.rel @!p3 .LBB2_44-.Ltmp36, $4  }
0x39a: {  	p2 =	seq.s32 @!p1 s4, s0  }
0x39b: {  	s6 =	simm.s32 $0x0;
	p2 =	por !p2, p1  }
0x39c: {  	s0 =	simm.s32 $0xFFFFFFFF;
	s6 =	simm.s32 @p2 $0xFFFFFFFF  }
0x39d: {  	s7 =	simm.s32 $0x1;
	s6 =	smov.u32 @p1 s0  }
.LBB2_43:
0x39e: {  	s0 =	smov.u32 s6;
	p1 =	sne.s32 s6, $0xFFFFFFFF  }
0x39f: {  	s5 =	sadd.s32 $0x1, s5;
	s6 =	smov.u32 s7;
	s7 =	sadd.s32 $0x1, s7  }
0x3a0: {  	p2 =	sne.s32 s1, s7;
	v1 =	vld.msk @!p1 [tilespmem:s5+$0x0], $0x1;
	_ =	sdelay $0x4  }
0x3a1: {  	(v2sf) =	vpush @!p1 v1, $0x0;
	_ =	sdelay $0xe  }
.Ltmp37:
0x3a2: {  	s8 =	spop @!p1 (v2sf);
	(pc) =	sbr.rel @p2 .LBB2_43-.Ltmp37, $4  }
0x3a3: {  	p3 =	seq.s32 @!p1 s4, s8  }
0x3a4: {  	p3 =	por !p3, p1  }
0x3a5: {  	s6 =	simm.s32 @p3 $0xFFFFFFFF  }
0x3a6: {  	s6 =	smov.u32 @p1 s0  }
.LBB2_44:
0x3a7: {  	p1 =	sne.s32 s6, $0xFFFFFFFF  }
.Ltmp38:
0x3a8: {  	_ = 	snop;
	(pc) =	sbr.rel @!p1 .LBB2_45-.Ltmp38, $1  }
0x3a9: {  	_ =	sdelay $0x3  }
0x3aa: {  	s0 =	sshll.u32 s2, $0x4  }
0x3ab: {  	s0 =	sand.u32 $0x3FFFFFF0, s0  }
0x3ac: {  	v0 =	vld [tilespmem:s0+$0x3678]  }
.Ltmp39:
0x3ad: {  	_ = 	snop;
	(pc) =	sbr.rel .LBB2_47-.Ltmp39, $4  }
0x3ae: {  	_ = 	snop  }
0x3af: {  	s31 =	sshll.u32 s6, $0x6  }
0x3b0: {  	s0 =	sshra.s32 s31, $0x2  }
0x3b1: {  	[tilespmem:s0+$0x3678] =	vst.add.f32.msk $0xffff, v0  }
.LBB2_48:
0x3b2: {  	p1 =	slt.s32 s1, $0x1  }
.Ltmp40:
0x3b3: {  	_ = 	snop;
	(pc) =	sbr.rel @p1 .LBB2_52-.Ltmp40, $3  }
0x3b4: {  	_ =	sdelay $0x1  }
0x3b5: {  	s0 =	simm.s32 $0x8  }
0x3b6: {  	s2 =	simm.s32 $0x0;
	[sflag:s0] =	ssyncpa.u1 $0x1  }
0x3b7: {  	s0 =	simm.s32 $0x3658  }
0x3b8: {  	v0 =	vld.msk [tilespmem:s0+$0x0], $0x1;
	_ =	sdelay $0x4  }
0x3b9: {  	(v2sf) =	vpush v0, $0x0;
	_ =	sdelay $0xe  }
0x3ba: {  	s1 =	sadd.s32 $0xFFFFFFFF, s1;
	s0 =	spop (v2sf)  }
0x3bb: {  	p2 =	sne.s32 s1, $0x0;
	p1 =	sgt.u32 s0, $0x1869FE  }
.Ltmp41:
0x3bc: {  	s5 =	sand.u32 @!p1 $0x1FFFF8, s0;
	(pc) =	sbr.rel @!p2 .LBB2_51-.Ltmp41, $4  }
0x3bd: {  	s4 =	simm.s32 $0x3678;
	s0 =	sand.u32 @!p1 $0x7, s0;
	s5 =	sadd.s32 @!p1 s3, s5  }
0x3be: {  	[hbm4b:s5+s0] =	stream.linear.scatter @!p1 [tilespmem:s4], [sflag:$0x7], $0x10, $0x38;
	[tilespmem:$0x1F0F8] =	vst v63  }
0x3bf: {  	s0 =	simm.s32 $0x0  }
0x3c0: {  	s5 =	simm.s32 $0x3659;
	s0 =	simm.s32 @!p1 $0x40  }
.LBB2_50:
0x3c1: {  	v0 =	vld.msk [tilespmem:s5+$0x0], $0x1;
	s1 =	sadd.s32 $0xFFFFFFFF, s1;
	s2 =	sadd.s32 s2, s0  }
0x3c2: {  	p1 =	sne.s32 s1, $0x0;
	_ =	sdelay $0x3  }
0x3c3: {  	(v2sf) =	vpush v0, $0x0;
	_ =	sdelay $0xe  }
.Ltmp42:
0x3c4: {  	s6 =	spop (v2sf);
	(pc) =	sbr.rel @p1 .LBB2_50-.Ltmp42, $4  }
0x3c5: {  	s0 =	simm.s32 $0x0;
	p2 =	sgt.u32 s6, $0x1869FE  }
0x3c6: {  	s4 =	sadd.s32 $0x10, s4;
	s0 =	simm.s32 @!p2 $0x40;
	s7 =	sand.u32 @!p2 $0x1FFFF8, s6  }
0x3c7: {  	s5 =	sadd.s32 $0x1, s5;
	s6 =	sand.u32 @!p2 $0x7, s6;
	s7 =	sadd.s32 @!p2 s3, s7  }
0x3c8: {  	[hbm4b:s7+s6] =	stream.linear.scatter @!p2 [tilespmem:s4], [sflag:$0x7], $0x10, $0x38;
	[tilespmem:$0x1F0F8] =	vst v63  }
.LBB2_51:
0x3c9: {  	s0 =	sadd.s32 s2, s0  }
0x3ca: {  	s2 =	sshrl.u32 s0, $0x2  }
.LBB2_52:
0x3cb: {  	s0 =	simm.s32 $0x7  }
0x3cc: {  	_ =	swait.ge [sflag:s0], s2  }
0x3cd: {  	s1 =	ssub.s32 $0x0, s2;
	[sflag:s0] =	ssyncset.done $0x0  }
0x3ce: {  	[sflag:s0] =	ssyncadd.s32 s1  }
0x3cf: {  	[sflag:s0] =	ssyncpa.u1 $0x1  }
.LBB2_53:
0x3d0: {  	_ =	sfence;
	s0 =	simm.s32 $0x1  }
0x3d1: {  	[sflag:s0] =	ssyncpa.u1 $0x1  }
0x3d2: {  	_ =	strace $0x9000004D  }
0x3d3: {  	[bflag:$0x2] =	sbarrier.arrive $0xFFFF  }
0x3d4: {  	s0 =	rddreg [dreg:$0x3]  }
0x3d5: {  	s0 =	sadd.s32 @!p0 $0x100000, s0  }
0x3d6: {  	[sflag:s0] =	ssyncadd.tile.s32 @!p0 $0x1;
	_ =	shalt  }
.Lfunc_end2:
_tile_overlayer_lowered:
.L_overlay_start_2:
0x3d7: {  	(tag) =	ssettag $0x2  }
0x3d8: {  	s0 =	rddreg [dreg:$0x0];
	s2 =	stileid.u32  }
0x3d9: {  	s1 =	rddreg [dreg:$0x1];
	p0 =	sne.s32 s2, $0x0  }
0x3da: {  	s3 =	rddreg [dreg:$0x2];
	[bflag:$0x3] =	sbarrier.arrive $0xFFFF;
	s2 =	simm.s32 @!p0 $0x1C01  }
0x3db: {  	[timem:s3], [sflag:s2] =	dma.local @!p0 [hbm:s0], s1  }
0x3dc: {  	s0 =	simm.s32 @!p0 $0x1  }
0x3dd: {  	_ =	swait.ge @!p0 [sflag:s0], s1  }
0x3de: {  	s1 =	ssub.s32 @!p0 $0x0, s1;
	[sflag:s0] =	ssyncset.done @!p0 $0x0  }
0x3df: {  	[sflag:s0] =	ssyncadd.s32 @!p0 s1  }
0x3e0: {  	[bflag:$0x3] =	sbarrier.arrive $0xFFFF  }
0x3e1: {  	_ =	shalt  }

// kernel: scatter_offload_async_start
scs
__scs_entry_jumppad:
0x0: {  	(pc) =	sbr.rel $0x88, $3  }
0x1: {  	(tag) =	ssettag $0x0;
	lr =	simm.s32 $0x1  }
0x2: {  	[smem:$0x3F9A] =	sst lr;
	_ =	strace $0xD0000000  }
0x3: {  	_ = 	snop  }
0x4: {  	_ = 	snop  }
0x5: {  	_ = 	snop  }
0x6: {  	_ = 	snop  }
0x7: {  	_ = 	snop  }
__scs_overlays_trampoline_lowered:
0x8: {  	[smem:$0x3FA9] =	sst s0  }
0x9: {  	[smem:$0x3FAA] =	sst s1  }
0xa: {  	[smem:$0x3FAB] =	sst s2  }
0xb: {  	[smem:$0x3FAC] =	sst s3  }
0xc: {  	[smem:$0x3FAD] =	sst s4  }
0xd: {  	[smem:$0x3FAE] =	sst s5  }
0xe: {  	[smem:$0x3FAF] =	sst s6  }
0xf: {  	[smem:$0x3FB0] =	sst s7  }
0x10: {  	[smem:$0x3FB1] =	sst s8  }
0x11: {  	[smem:$0x3FB2] =	sst s9;
	s0 =	simm.s32 @!p0 $0x0  }
0x12: {  	s1 =	sld [smem:$0x3F98];
	s0 =	simm.s32 @p0 $0x1  }
0x13: {  	[smem:$0x3FB3] =	sst s0;
	s0 =	simm.s32 @!p1 $0x0  }
0x14: {  	s2 =	sld [smem:$0x3F97];
	s0 =	simm.s32 @p1 $0x1  }
0x15: {  	[smem:$0x3FB4] =	sst s0;
	s0 =	simm.s32 @!p2 $0x0  }
0x16: {  	s3 =	sld [smem:$0x3FDB];
	s0 =	simm.s32 @p2 $0x1  }
0x17: {  	s4 =	simm.s32 $0x1BF5;
	[smem:$0x3FB6] =	sst s0  }
0x18: {  	s0 =	sld [smem:$0x3F99];
	_ =	swait.ge [sflag:s4], $0x0  }
0x19: {  	s7 =	sld [smem:$0x3F9A]  }
0x1a: {  	s8 =	sadd.s32 $0xFFFFE003, lr  }
0x1b: {  	s9 =	sadd.s32 $0xFFFFFEF7, lr;
	s5 =	simm.s32 $0xFFFFFFFF;
	p2 =	slt.u32 s8, $0xFFFFF086  }
0x1c: {  	p1 =	slt.u32 s9, $0xF7A;
	s5 =	simm.s32 @!p2 $0x0  }
0x1d: {  	s5 =	simm.s32 @p1 $0x1;
	p0 =	seq.s32 s7, s2  }
0x1e: {  	s7 =	smul.u32 @!p0 $0xF7A, s2;
	p2 =	seq.s32 @!p0 s5, $0x0  }
0x1f: {  	s9 =	smul.u32 $0xF7A, s1;
	s8 =	simm.s32 @!p0 $0x1BF5;
	p2 =	por !p2, p0  }
0x20: {  	[sflag:s8] =	ssyncset.s32 @!p0 $0xFFFFF086;
	s6 =	sadd.s32 @!p0 s3, s7;
	s7 =	simm.s32 @!p0 $0x108  }
0x21: {  	s3 =	sadd.s32 s3, s9;
	s6 =	sadd.s32 @!p0 $0x88, s6;
	s7 =	simm.s32 @p2 $0x1082  }
0x22: {  	[simem:s7], [sflag:s8] =	dma.local @!p0 [hbm:s6], $0xF7A  }
0x23: {  	s9 =	sor.u32 $0xD0000000, s2;
	s6 =	simm.s32 $0x108;
	_ =	swait.ge @!p0 [sflag:s8], $0x0  }
0x24: {  	s3 =	sadd.s32 $0x88, s3;
	s6 =	simm.s32 @!p1 $0x1082;
	[sflag:s4] =	ssyncset.s32 $0xFFFFF086  }
0x25: {  	[simem:s6], [sflag:s4] =	dma.local [hbm:s3], $0xF7A  }
0x26: {  	[smem:$0x3F9A] =	sst s1;
	(tag) =	ssettag s2;
	_ =	strace s9  }
0x27: {  	s1 =	sld [smem:$0x3FAA]  }
0x28: {  	s2 =	sld [smem:$0x3FAB]  }
0x29: {  	s4 =	sld [smem:$0x3FAD]  }
0x2a: {  	p0 =	seq.s32 s5, $0x0;
	s5 =	sld [smem:$0x3FAE]  }
0x2b: {  	s6 =	sld [smem:$0x3FAF]  }
0x2c: {  	s7 =	sld [smem:$0x3FB0]  }
0x2d: {  	s3 =	simm.s32 $0x108;
	s8 =	sld [smem:$0x3FB1]  }
0x2e: {  	s3 =	simm.s32 @!p0 $0x1082;
	s9 =	sld [smem:$0x3FB2]  }
0x2f: {  	lr =	sadd.s32 s0, s3;
	s0 =	sld [smem:$0x3FA9]  }
0x30: {  	s3 =	sld [smem:$0x3FAC]  }
0x31: {  	[smem:$0x3FB5] =	sst s10  }
0x32: {  	s10 =	sld [smem:$0x3FB3];
	_ =	sdelay $0x3  }
0x33: {  	p0 =	seq.s32 s10, $0x1;
	s10 =	sld [smem:$0x3FB5];
	_ =	sdelay $0x3  }
0x34: {  	[smem:$0x3FB5] =	sst s10  }
0x35: {  	s10 =	sld [smem:$0x3FB4];
	_ =	sdelay $0x3  }
0x36: {  	p1 =	seq.s32 s10, $0x1;
	s10 =	sld [smem:$0x3FB5];
	_ =	sdelay $0x3  }
0x37: {  	[smem:$0x3FB5] =	sst s10  }
0x38: {  	s10 =	sld [smem:$0x3FB6]  }
0x39: {  	_ = 	snop;
	(pc) =	sbr.ind lr, $3  }
0x3a: {  	_ = 	snop  }
0x3b: {  	_ = 	snop  }
0x3c: {  	p2 =	seq.s32 s10, $0x1;
	s10 =	sld [smem:$0x3FB5]  }
0x3d: {  	_ =	shalt  }
0x3e: {  	_ =	shalt  }
0x3f: {  	_ =	shalt  }
0x40: {  	_ =	shalt  }
0x41: {  	_ =	shalt  }
0x42: {  	_ =	shalt  }
0x43: {  	_ =	shalt  }
0x44: {  	_ =	shalt  }
0x45: {  	_ =	shalt  }
0x46: {  	_ =	shalt  }
0x47: {  	_ =	shalt  }
0x48: {  	_ =	shalt  }
0x49: {  	_ =	shalt  }
0x4a: {  	_ =	shalt  }
0x4b: {  	_ =	shalt  }
0x4c: {  	_ =	shalt  }
0x4d: {  	_ =	shalt  }
0x4e: {  	_ =	shalt  }
0x4f: {  	_ =	shalt  }
0x50: {  	_ =	shalt  }
0x51: {  	_ =	shalt  }
0x52: {  	_ =	shalt  }
0x53: {  	_ =	shalt  }
0x54: {  	_ =	shalt  }
0x55: {  	_ =	shalt  }
0x56: {  	_ =	shalt  }
0x57: {  	_ =	shalt  }
0x58: {  	_ =	shalt  }
0x59: {  	_ =	shalt  }
0x5a: {  	_ =	shalt  }
0x5b: {  	_ =	shalt  }
0x5c: {  	_ =	shalt  }
0x5d: {  	_ =	shalt  }
0x5e: {  	_ =	shalt  }
0x5f: {  	_ =	shalt  }
0x60: {  	_ =	shalt  }
0x61: {  	_ =	shalt  }
0x62: {  	_ =	shalt  }
0x63: {  	_ =	shalt  }
0x64: {  	_ =	shalt  }
0x65: {  	_ =	shalt  }
0x66: {  	_ =	shalt  }
0x67: {  	_ =	shalt  }
0x68: {  	_ =	shalt  }
0x69: {  	_ =	shalt  }
0x6a: {  	_ =	shalt  }
0x6b: {  	_ =	shalt  }
0x6c: {  	_ =	shalt  }
0x6d: {  	_ =	shalt  }
0x6e: {  	_ =	shalt  }
0x6f: {  	_ =	shalt  }
0x70: {  	_ =	shalt  }
0x71: {  	_ =	shalt  }
0x72: {  	_ =	shalt  }
0x73: {  	_ =	shalt  }
0x74: {  	_ =	shalt  }
0x75: {  	_ =	shalt  }
0x76: {  	_ =	shalt  }
0x77: {  	_ =	shalt  }
0x78: {  	_ =	shalt  }
0x79: {  	_ =	shalt  }
0x7a: {  	_ =	shalt  }
0x7b: {  	_ =	shalt  }
0x7c: {  	_ =	shalt  }
0x7d: {  	_ =	shalt  }
0x7e: {  	_ =	shalt  }
0x7f: {  	_ =	shalt  }
0x80: {  	_ =	shalt  }
0x81: {  	_ =	shalt  }
0x82: {  	_ =	shalt  }
0x83: {  	_ =	shalt  }
0x84: {  	_ =	shalt  }
0x85: {  	_ =	shalt  }
0x86: {  	_ =	shalt  }
0x87: {  	_ =	shalt  }
.Lfunc_end0:
.L_simem_size_0:
called_computation_lowered:
.L_overlay_start_0:
0x88: {  	s2 =	sld [smem:$0x3FD9]  }
0x89: {  	s3 =	sld [smem:$0x3FFE];
	_ =	sdelay $0x1  }
0x8a: {  	s1 =	srdreg.scid  }
0x8b: {  	s0 =	sand.u32 $0x1, s1  }
0x8c: {  	s15 =	sshll.u32 s0, $0xA;
	s2 =	sadd.s32 s3, s2  }
0x8d: {  	s2 =	sadd.s32 s2, s15  }
0x8e: {  	[smem:$0x3FC1] =	sst s2  }
0x8f: {  	_ = 	snop  }
0x90: {  	(tm) =	ssettm $0x1  }
0x91: {  	s16 =	sld [smem:$0x3FFB];
	_ =	sdelay $0x3  }
0x92: {  	_ =	strace s16  }
0x93: {  	s2 =	sld [smem:$0x3FFC];
	_ =	sdelay $0x3  }
0x94: {  	_ =	strace s2  }
0x95: {  	s2 =	sld [smem:$0x3FFD];
	_ =	sdelay $0x3  }
0x96: {  	_ =	strace s2  }
0x97: {  	_ =	strace $0x8FFFFFFF  }
0x98: {  	s17 =	sld [smem:$0x3FDB];
	_ =	sdelay $0x1  }
0x99: {  	s18 =	simm.s32 $_scs_section_size  }
0x9a: {  	s4 =	simm.s32 $_size__tile_overlayer_lowered;
	s5 =	simm.s32 $_tile_overlayer_lowered  }
0x9b: {  	s21 =	simm.s32 $0x1BFF;
	s20 =	sshll.u32 s5, $0x1;
	s2 =	sadd.s32 s18, s17  }
0x9c: {  	s6 =	simm.s32 $0x0;
	s19 =	sshll.u32 s4, $0x1;
	s4 =	sadd.s32 s20, s2  }
0x9d: {  	[timem:s6], [sflag:s21] =	dma.local [hbm:s4], s19  }
0x9e: {  	_ =	swait.ge [sflag:s21], s19  }
0x9f: {  	s3 =	ssub.s32 $0x0, s19;
	[sflag:s21] =	ssyncset.done $0x0  }
0xa0: {  	[sflag:s21] =	ssyncadd.s32 s3;
	_ =	sdelay $0x1  }
0xa1: {  	s22 =	simm.s32 $0x1B8B  }
0xa2: {  	_ =	swait.ge [sflag:s22], $0x1  }
0xa3: {  	[sflag:s22] =	ssyncset.done $0x0  }
0xa4: {  	s23 =	sld [smem:$0x3FFE];
	[sflag:s22] =	ssyncadd.s32 $0xFFFFFFFF  }
0xa5: {  	s25 =	simm.s32 $0x1B8E;
	s24 =	sld [smem:$0x0]  }
0xa6: {  	s26 =	simm.s32 $execute0_lowered;
	[smem:$0x3FD2] =	sst s25  }
0xa7: {  	s5 =	sshll.u32 s26, $0x1;
	_ =	strace $0x80000049;
	[dreg:$0x1] =	wrdreg $0xFFFFFFFF  }
0xa8: {  	s28 =	simm.s32 $_size_execute0_lowered;
	s2 =	sadd.s32 s2, s5;
	[dreg:$0x0] =	wrdreg $0x0  }
0xa9: {  	s5 =	sshll.u32 s28, $0x1;
	[dreg:$0x2] =	wrdreg s2  }
0xaa: {  	[dreg:$0x3] =	wrdreg s5  }
0xab: {  	[dreg:$0x4] =	wrdreg $0xC0  }
0xac: {  	_ =	task [dreg:s6], $0x5FFFF  }
0xad: {  	[dreg:$0x1] =	wrdreg $0xFFFFFFFF  }
0xae: {  	[dreg:$0x0] =	wrdreg $0x60  }
0xaf: {  	[dreg:$0x2] =	wrdreg s23  }
0xb0: {  	[dreg:$0x3] =	wrdreg s1  }
0xb1: {  	[dreg:$0x4] =	wrdreg s24  }
0xb2: {  	[dreg:$0x5] =	wrdreg $0x9  }
0xb3: {  	_ =	task.clear_ibuf [dreg:s6], $0x6FFFF;
	_ =	strace $0x90000049  }
0xb4: {  	s29 =	simm.s32 $0x9;
	_ =	strace $0x8000004B  }
0xb5: {  	_ =	swait.ge [sflag:s29], $0x1  }
0xb6: {  	[sflag:s29] =	ssyncadd.s32 $0xFFFFFFFF  }
0xb7: {  	_ =	strace $0x9000004B  }
0xb8: {  	_ =	sfence  }
0xb9: {  	s30 =	sld [smem:$0x0];
	_ =	sdelay $0x2  }
0xba: {  	s31 =	sshll.u32 s1, $0xD;
	s1 =	sshrl.u32 s1, $0x2  }
0xbb: {  	s3 =	sand.u32 $0x4000, s31;
	s1 =	sadd.s32 s1, s30  }
0xbc: {  	s0 =	sor.u32 s3, s0;
	s1 =	sshll.u32 s1, $0x11  }
0xbd: {  	s0 =	sor.u32 s1, s0  }
0xbe: {  	s0 =	sadd.s32 $0x8F2B, s0  }
0xbf: {  	[sflag:s0] =	ssyncadd.remote.s32 $0x1  }
0xc0: {  	_ =	sfence.sel $0xFFFF  }
0xc1: {  	[dreg:$0x0] =	wrdreg $0xFFFFFFFF;
	(pc) =	sbr.abs _section_cstart, $3  }
0xc2: {  	[dreg:$0x1] =	wrdreg $0xFFFFFFFF  }
0xc3: {  	_ =	task.clear_ibuf [dreg:s6], $0x2FFFF;
	_ =	strace $0x9FFFFFFF  }
0xc4: {  	(tm) =	ssettm $0x7FFFFFFF  }
0xc5: {  	_ =	shalt  }
tec
execute0_lowered:
.L_overlay_start_1:
0x0: {  	(tag) =	ssettag $0x1  }
0x1: {  	s11 =	rddreg [dreg:$0x0]  }
0x2: {  	s2 =	rddreg [dreg:$0x1];
	_ =	strace $0x8000004A;
	s12 =	simm.s32 $0x1  }
0x3: {  	v0 =	vimm.s32 $0x0;
	[sflag:s12] =	ssyncpa.u1 $0x0  }
0x4: {  	[tilespmem:$0x28] =	vst v0  }
0x5: {  	[tilespmem:$0x38] =	vst v0  }
0x6: {  	[tilespmem:$0x48] =	vst v0  }
0x7: {  	[tilespmem:$0x58] =	vst v0  }
0x8: {  	[tilespmem:$0x68] =	vst v0  }
0x9: {  	[tilespmem:$0x78] =	vst v0  }
0xa: {  	[tilespmem:$0x88] =	vst v0  }
0xb: {  	[tilespmem:$0x98] =	vst v0  }
0xc: {  	[tilespmem:$0xA8] =	vst v0  }
0xd: {  	[tilespmem:$0xB8] =	vst v0  }
0xe: {  	[tilespmem:$0xC8] =	vst v0  }
0xf: {  	[tilespmem:$0xD8] =	vst v0  }
0x10: {  	[tilespmem:$0xE8] =	vst v0  }
0x11: {  	[tilespmem:$0xF8] =	vst v0  }
0x12: {  	[tilespmem:$0x108] =	vst v0  }
0x13: {  	[tilespmem:$0x118] =	vst v0  }
0x14: {  	[tilespmem:$0x128] =	vst v0  }
0x15: {  	[tilespmem:$0x138] =	vst v0  }
0x16: {  	[tilespmem:$0x148] =	vst v0  }
0x17: {  	[tilespmem:$0x158] =	vst v0  }
0x18: {  	[tilespmem:$0x168] =	vst v0  }
0x19: {  	[tilespmem:$0x178] =	vst v0  }
0x1a: {  	[tilespmem:$0x188] =	vst v0  }
0x1b: {  	[tilespmem:$0x198] =	vst v0  }
0x1c: {  	[tilespmem:$0x1A8] =	vst v0  }
0x1d: {  	[tilespmem:$0x1B8] =	vst v0  }
0x1e: {  	[tilespmem:$0x1C8] =	vst v0  }
0x1f: {  	[tilespmem:$0x1D8] =	vst v0  }
0x20: {  	[tilespmem:$0x1E8] =	vst v0  }
0x21: {  	[tilespmem:$0x1F8] =	vst v0  }
0x22: {  	[tilespmem:$0x208] =	vst v0  }
0x23: {  	[tilespmem:$0x218] =	vst v0  }
0x24: {  	[tilespmem:$0x228] =	vst v0  }
0x25: {  	[tilespmem:$0x238] =	vst v0  }
0x26: {  	[tilespmem:$0x248] =	vst v0  }
0x27: {  	[tilespmem:$0x258] =	vst v0  }
0x28: {  	[tilespmem:$0x268] =	vst v0  }
0x29: {  	[tilespmem:$0x278] =	vst v0  }
0x2a: {  	[tilespmem:$0x288] =	vst v0  }
0x2b: {  	[tilespmem:$0x298] =	vst v0  }
0x2c: {  	[tilespmem:$0x2A8] =	vst v0  }
0x2d: {  	[tilespmem:$0x2B8] =	vst v0  }
0x2e: {  	[tilespmem:$0x2C8] =	vst v0  }
0x2f: {  	[tilespmem:$0x2D8] =	vst v0  }
0x30: {  	[tilespmem:$0x2E8] =	vst v0  }
0x31: {  	[tilespmem:$0x2F8] =	vst v0  }
0x32: {  	[tilespmem:$0x308] =	vst v0  }
0x33: {  	[tilespmem:$0x318] =	vst v0  }
0x34: {  	[tilespmem:$0x328] =	vst v0  }
0x35: {  	[tilespmem:$0x338] =	vst v0  }
0x36: {  	[tilespmem:$0x348] =	vst v0  }
0x37: {  	[tilespmem:$0x358] =	vst v0  }
0x38: {  	[tilespmem:$0x368] =	vst v0  }
0x39: {  	[tilespmem:$0x378] =	vst v0  }
0x3a: {  	[tilespmem:$0x388] =	vst v0  }
0x3b: {  	[tilespmem:$0x398] =	vst v0  }
0x3c: {  	[tilespmem:$0x3A8] =	vst v0  }
0x3d: {  	[tilespmem:$0x3B8] =	vst v0  }
0x3e: {  	[tilespmem:$0x3C8] =	vst v0  }
0x3f: {  	[tilespmem:$0x3D8] =	vst v0  }
0x40: {  	[tilespmem:$0x3E8] =	vst v0  }
0x41: {  	[tilespmem:$0x3F8] =	vst v0  }
0x42: {  	[tilespmem:$0x408] =	vst v0  }
0x43: {  	[tilespmem:$0x418] =	vst v0  }
0x44: {  	[tilespmem:$0x428] =	vst v0  }
0x45: {  	[tilespmem:$0x438] =	vst v0  }
0x46: {  	[tilespmem:$0x448] =	vst v0  }
0x47: {  	[tilespmem:$0x458] =	vst v0  }
0x48: {  	[tilespmem:$0x468] =	vst v0  }
0x49: {  	[tilespmem:$0x478] =	vst v0  }
0x4a: {  	[tilespmem:$0x488] =	vst v0  }
0x4b: {  	[tilespmem:$0x498] =	vst v0  }
0x4c: {  	[tilespmem:$0x4A8] =	vst v0  }
0x4d: {  	[tilespmem:$0x4B8] =	vst v0  }
0x4e: {  	[tilespmem:$0x4C8] =	vst v0  }
0x4f: {  	[tilespmem:$0x4D8] =	vst v0  }
0x50: {  	[tilespmem:$0x4E8] =	vst v0  }
0x51: {  	[tilespmem:$0x4F8] =	vst v0  }
0x52: {  	[tilespmem:$0x508] =	vst v0  }
0x53: {  	[tilespmem:$0x518] =	vst v0  }
0x54: {  	[tilespmem:$0x528] =	vst v0  }
0x55: {  	[tilespmem:$0x538] =	vst v0  }
0x56: {  	[tilespmem:$0x548] =	vst v0  }
0x57: {  	[tilespmem:$0x558] =	vst v0  }
0x58: {  	[tilespmem:$0x568] =	vst v0  }
0x59: {  	[tilespmem:$0x578] =	vst v0  }
0x5a: {  	[tilespmem:$0x588] =	vst v0  }
0x5b: {  	[tilespmem:$0x598] =	vst v0  }
0x5c: {  	[tilespmem:$0x5A8] =	vst v0  }
0x5d: {  	[tilespmem:$0x5B8] =	vst v0  }
0x5e: {  	[tilespmem:$0x5C8] =	vst v0  }
0x5f: {  	[tilespmem:$0x5D8] =	vst v0  }
0x60: {  	[tilespmem:$0x5E8] =	vst v0  }
0x61: {  	[tilespmem:$0x5F8] =	vst v0  }
0x62: {  	[tilespmem:$0x608] =	vst v0  }
0x63: {  	[tilespmem:$0x618] =	vst v0  }
0x64: {  	[tilespmem:$0x628] =	vst v0  }
0x65: {  	[tilespmem:$0x638] =	vst v0  }
0x66: {  	[tilespmem:$0x648] =	vst v0  }
0x67: {  	[tilespmem:$0x658] =	vst v0  }
0x68: {  	[tilespmem:$0x668] =	vst v0  }
0x69: {  	[tilespmem:$0x678] =	vst v0  }
0x6a: {  	[tilespmem:$0x688] =	vst v0  }
0x6b: {  	[tilespmem:$0x698] =	vst v0  }
0x6c: {  	[tilespmem:$0x6A8] =	vst v0  }
0x6d: {  	[tilespmem:$0x6B8] =	vst v0  }
0x6e: {  	[tilespmem:$0x6C8] =	vst v0  }
0x6f: {  	[tilespmem:$0x6D8] =	vst v0  }
0x70: {  	[tilespmem:$0x6E8] =	vst v0  }
0x71: {  	[tilespmem:$0x6F8] =	vst v0  }
0x72: {  	[tilespmem:$0x708] =	vst v0  }
0x73: {  	[tilespmem:$0x718] =	vst v0  }
0x74: {  	[tilespmem:$0x728] =	vst v0  }
0x75: {  	[tilespmem:$0x738] =	vst v0  }
0x76: {  	[tilespmem:$0x748] =	vst v0  }
0x77: {  	[tilespmem:$0x758] =	vst v0  }
0x78: {  	[tilespmem:$0x768] =	vst v0  }
0x79: {  	[tilespmem:$0x778] =	vst v0  }
0x7a: {  	[tilespmem:$0x788] =	vst v0  }
0x7b: {  	[tilespmem:$0x798] =	vst v0  }
0x7c: {  	[tilespmem:$0x7A8] =	vst v0  }
0x7d: {  	[tilespmem:$0x7B8] =	vst v0  }
0x7e: {  	[tilespmem:$0x7C8] =	vst v0  }
0x7f: {  	[tilespmem:$0x7D8] =	vst v0  }
0x80: {  	[tilespmem:$0x7E8] =	vst v0  }
0x81: {  	[tilespmem:$0x7F8] =	vst v0  }
0x82: {  	[tilespmem:$0x808] =	vst v0  }
0x83: {  	[tilespmem:$0x818] =	vst v0  }
0x84: {  	[tilespmem:$0x828] =	vst v0  }
0x85: {  	[tilespmem:$0x838] =	vst v0  }
0x86: {  	[tilespmem:$0x848] =	vst v0  }
0x87: {  	[tilespmem:$0x858] =	vst v0  }
0x88: {  	[tilespmem:$0x868] =	vst v0  }
0x89: {  	[tilespmem:$0x878] =	vst v0  }
0x8a: {  	[tilespmem:$0x888] =	vst v0  }
0x8b: {  	[tilespmem:$0x898] =	vst v0  }
0x8c: {  	[tilespmem:$0x8A8] =	vst v0  }
0x8d: {  	[tilespmem:$0x8B8] =	vst v0  }
0x8e: {  	[tilespmem:$0x8C8] =	vst v0  }
0x8f: {  	[tilespmem:$0x8D8] =	vst v0  }
0x90: {  	[tilespmem:$0x8E8] =	vst v0  }
0x91: {  	[tilespmem:$0x8F8] =	vst v0  }
0x92: {  	[tilespmem:$0x908] =	vst v0  }
0x93: {  	[tilespmem:$0x918] =	vst v0  }
0x94: {  	[tilespmem:$0x928] =	vst v0  }
0x95: {  	[tilespmem:$0x938] =	vst v0  }
0x96: {  	[tilespmem:$0x948] =	vst v0  }
0x97: {  	[tilespmem:$0x958] =	vst v0  }
0x98: {  	[tilespmem:$0x968] =	vst v0  }
0x99: {  	[tilespmem:$0x978] =	vst v0  }
0x9a: {  	[tilespmem:$0x988] =	vst v0  }
0x9b: {  	[tilespmem:$0x998] =	vst v0  }
0x9c: {  	[tilespmem:$0x9A8] =	vst v0  }
0x9d: {  	[tilespmem:$0x9B8] =	vst v0  }
0x9e: {  	[tilespmem:$0x9C8] =	vst v0  }
0x9f: {  	[tilespmem:$0x9D8] =	vst v0  }
0xa0: {  	[tilespmem:$0x9E8] =	vst v0  }
0xa1: {  	[tilespmem:$0x9F8] =	vst v0  }
0xa2: {  	[tilespmem:$0xA08] =	vst v0  }
0xa3: {  	[tilespmem:$0xA18] =	vst v0  }
0xa4: {  	[tilespmem:$0xA28] =	vst v0  }
0xa5: {  	[tilespmem:$0xA38] =	vst v0  }
0xa6: {  	[tilespmem:$0xA48] =	vst v0  }
0xa7: {  	[tilespmem:$0xA58] =	vst v0  }
0xa8: {  	[tilespmem:$0xA68] =	vst v0  }
0xa9: {  	[tilespmem:$0xA78] =	vst v0  }
0xaa: {  	[tilespmem:$0xA88] =	vst v0  }
0xab: {  	[tilespmem:$0xA98] =	vst v0  }
0xac: {  	[tilespmem:$0xAA8] =	vst v0  }
0xad: {  	[tilespmem:$0xAB8] =	vst v0  }
0xae: {  	[tilespmem:$0xAC8] =	vst v0  }
0xaf: {  	[tilespmem:$0xAD8] =	vst v0  }
0xb0: {  	[tilespmem:$0xAE8] =	vst v0  }
0xb1: {  	[tilespmem:$0xAF8] =	vst v0  }
0xb2: {  	[tilespmem:$0xB08] =	vst v0  }
0xb3: {  	[tilespmem:$0xB18] =	vst v0  }
0xb4: {  	[tilespmem:$0xB28] =	vst v0  }
0xb5: {  	[tilespmem:$0xB38] =	vst v0  }
0xb6: {  	[tilespmem:$0xB48] =	vst v0  }
0xb7: {  	[tilespmem:$0xB58] =	vst v0  }
0xb8: {  	[tilespmem:$0xB68] =	vst v0  }
0xb9: {  	[tilespmem:$0xB78] =	vst v0  }
0xba: {  	[tilespmem:$0xB88] =	vst v0  }
0xbb: {  	[tilespmem:$0xB98] =	vst v0  }
0xbc: {  	[tilespmem:$0xBA8] =	vst v0  }
0xbd: {  	[tilespmem:$0xBB8] =	vst v0  }
0xbe: {  	[tilespmem:$0xBC8] =	vst v0  }
0xbf: {  	[tilespmem:$0xBD8] =	vst v0  }
0xc0: {  	[tilespmem:$0xBE8] =	vst v0  }
0xc1: {  	[tilespmem:$0xBF8] =	vst v0  }
0xc2: {  	[tilespmem:$0xC08] =	vst v0  }
0xc3: {  	[tilespmem:$0xC18] =	vst v0  }
0xc4: {  	[tilespmem:$0xC28] =	vst v0  }
0xc5: {  	[tilespmem:$0xC38] =	vst v0  }
0xc6: {  	[tilespmem:$0xC48] =	vst v0  }
0xc7: {  	[tilespmem:$0xC58] =	vst v0  }
0xc8: {  	[tilespmem:$0xC68] =	vst v0  }
0xc9: {  	[tilespmem:$0xC78] =	vst v0  }
0xca: {  	[tilespmem:$0xC88] =	vst v0  }
0xcb: {  	[tilespmem:$0xC98] =	vst v0  }
0xcc: {  	[tilespmem:$0xCA8] =	vst v0  }
0xcd: {  	[tilespmem:$0xCB8] =	vst v0  }
0xce: {  	[tilespmem:$0xCC8] =	vst v0  }
0xcf: {  	[tilespmem:$0xCD8] =	vst v0  }
0xd0: {  	[tilespmem:$0xCE8] =	vst v0  }
0xd1: {  	[tilespmem:$0xCF8] =	vst v0  }
0xd2: {  	[tilespmem:$0xD08] =	vst v0  }
0xd3: {  	[tilespmem:$0xD18] =	vst v0  }
0xd4: {  	[tilespmem:$0xD28] =	vst v0  }
0xd5: {  	[tilespmem:$0xD38] =	vst v0  }
0xd6: {  	[tilespmem:$0xD48] =	vst v0  }
0xd7: {  	[tilespmem:$0xD58] =	vst v0  }
0xd8: {  	[tilespmem:$0xD68] =	vst v0  }
0xd9: {  	[tilespmem:$0xD78] =	vst v0  }
0xda: {  	[tilespmem:$0xD88] =	vst v0  }
0xdb: {  	[tilespmem:$0xD98] =	vst v0  }
0xdc: {  	[tilespmem:$0xDA8] =	vst v0  }
0xdd: {  	[tilespmem:$0xDB8] =	vst v0  }
0xde: {  	[tilespmem:$0xDC8] =	vst v0  }
0xdf: {  	[tilespmem:$0xDD8] =	vst v0  }
0xe0: {  	[tilespmem:$0xDE8] =	vst v0  }
0xe1: {  	[tilespmem:$0xDF8] =	vst v0  }
0xe2: {  	[tilespmem:$0xE08] =	vst v0  }
0xe3: {  	[tilespmem:$0xE18] =	vst v0  }
0xe4: {  	[tilespmem:$0xE28] =	vst v0  }
0xe5: {  	[tilespmem:$0xE38] =	vst v0  }
0xe6: {  	[tilespmem:$0xE48] =	vst v0  }
0xe7: {  	[tilespmem:$0xE58] =	vst v0  }
0xe8: {  	[tilespmem:$0xE68] =	vst v0  }
0xe9: {  	[tilespmem:$0xE78] =	vst v0  }
0xea: {  	[tilespmem:$0xE88] =	vst v0  }
0xeb: {  	[tilespmem:$0xE98] =	vst v0  }
0xec: {  	[tilespmem:$0xEA8] =	vst v0  }
0xed: {  	[tilespmem:$0xEB8] =	vst v0  }
0xee: {  	[tilespmem:$0xEC8] =	vst v0  }
0xef: {  	[tilespmem:$0xED8] =	vst v0  }
0xf0: {  	[tilespmem:$0xEE8] =	vst v0  }
0xf1: {  	[tilespmem:$0xEF8] =	vst v0  }
0xf2: {  	[tilespmem:$0xF08] =	vst v0  }
0xf3: {  	[tilespmem:$0xF18] =	vst v0  }
0xf4: {  	[tilespmem:$0xF28] =	vst v0  }
0xf5: {  	[tilespmem:$0xF38] =	vst v0  }
0xf6: {  	[tilespmem:$0xF48] =	vst v0  }
0xf7: {  	[tilespmem:$0xF58] =	vst v0  }
0xf8: {  	[tilespmem:$0xF68] =	vst v0  }
0xf9: {  	[tilespmem:$0xF78] =	vst v0  }
0xfa: {  	[tilespmem:$0xF88] =	vst v0  }
0xfb: {  	[tilespmem:$0xF98] =	vst v0  }
0xfc: {  	[tilespmem:$0xFA8] =	vst v0  }
0xfd: {  	[tilespmem:$0xFB8] =	vst v0  }
0xfe: {  	[tilespmem:$0xFC8] =	vst v0  }
0xff: {  	[tilespmem:$0xFD8] =	vst v0  }
0x100: {  	[tilespmem:$0xFE8] =	vst v0  }
0x101: {  	[tilespmem:$0xFF8] =	vst v0  }
0x102: {  	[tilespmem:$0x1028] =	vst v0  }
0x103: {  	[tilespmem:$0x10E8] =	vst v0  }
0x104: {  	[tilespmem:$0x1068] =	vst v0  }
0x105: {  	[tilespmem:$0x1B28] =	vst v0  }
0x106: {  	[tilespmem:$0x1B18] =	vst v0  }
0x107: {  	[tilespmem:$0x1B08] =	vst v0  }
0x108: {  	[tilespmem:$0x1AF8] =	vst v0  }
0x109: {  	[tilespmem:$0x1AE8] =	vst v0  }
0x10a: {  	[tilespmem:$0x1AD8] =	vst v0  }
0x10b: {  	[tilespmem:$0x1AC8] =	vst v0  }
0x10c: {  	[tilespmem:$0x1AB8] =	vst v0  }
0x10d: {  	[tilespmem:$0x1AA8] =	vst v0  }
0x10e: {  	[tilespmem:$0x1A98] =	vst v0  }
0x10f: {  	[tilespmem:$0x1A88] =	vst v0  }
0x110: {  	[tilespmem:$0x1A78] =	vst v0  }
0x111: {  	[tilespmem:$0x1A68] =	vst v0  }
0x112: {  	[tilespmem:$0x1A58] =	vst v0  }
0x113: {  	[tilespmem:$0x1A48] =	vst v0  }
0x114: {  	[tilespmem:$0x1A38] =	vst v0  }
0x115: {  	[tilespmem:$0x1A28] =	vst v0  }
0x116: {  	[tilespmem:$0x1A18] =	vst v0  }
0x117: {  	[tilespmem:$0x1A08] =	vst v0  }
0x118: {  	[tilespmem:$0x19F8] =	vst v0  }
0x119: {  	[tilespmem:$0x19E8] =	vst v0  }
0x11a: {  	[tilespmem:$0x19D8] =	vst v0  }
0x11b: {  	[tilespmem:$0x19C8] =	vst v0  }
0x11c: {  	[tilespmem:$0x19B8] =	vst v0  }
0x11d: {  	[tilespmem:$0x19A8] =	vst v0  }
0x11e: {  	[tilespmem:$0x1998] =	vst v0  }
0x11f: {  	[tilespmem:$0x1988] =	vst v0  }
0x120: {  	[tilespmem:$0x1978] =	vst v0  }
0x121: {  	[tilespmem:$0x1968] =	vst v0  }
0x122: {  	[tilespmem:$0x1958] =	vst v0  }
0x123: {  	[tilespmem:$0x1948] =	vst v0  }
0x124: {  	[tilespmem:$0x1938] =	vst v0  }
0x125: {  	[tilespmem:$0x1928] =	vst v0  }
0x126: {  	[tilespmem:$0x1918] =	vst v0  }
0x127: {  	[tilespmem:$0x1908] =	vst v0  }
0x128: {  	[tilespmem:$0x18F8] =	vst v0  }
0x129: {  	[tilespmem:$0x18E8] =	vst v0  }
0x12a: {  	[tilespmem:$0x18D8] =	vst v0  }
0x12b: {  	[tilespmem:$0x18C8] =	vst v0  }
0x12c: {  	[tilespmem:$0x18B8] =	vst v0  }
0x12d: {  	[tilespmem:$0x18A8] =	vst v0  }
0x12e: {  	[tilespmem:$0x1898] =	vst v0  }
0x12f: {  	[tilespmem:$0x1888] =	vst v0  }
0x130: {  	[tilespmem:$0x1878] =	vst v0  }
0x131: {  	[tilespmem:$0x1868] =	vst v0  }
0x132: {  	[tilespmem:$0x1858] =	vst v0  }
0x133: {  	[tilespmem:$0x1848] =	vst v0  }
0x134: {  	[tilespmem:$0x1838] =	vst v0  }
0x135: {  	[tilespmem:$0x1828] =	vst v0  }
0x136: {  	[tilespmem:$0x1818] =	vst v0  }
0x137: {  	[tilespmem:$0x1808] =	vst v0  }
0x138: {  	[tilespmem:$0x17F8] =	vst v0  }
0x139: {  	[tilespmem:$0x17E8] =	vst v0  }
0x13a: {  	[tilespmem:$0x17D8] =	vst v0  }
0x13b: {  	[tilespmem:$0x17C8] =	vst v0  }
0x13c: {  	[tilespmem:$0x17B8] =	vst v0  }
0x13d: {  	[tilespmem:$0x17A8] =	vst v0  }
0x13e: {  	[tilespmem:$0x1798] =	vst v0  }
0x13f: {  	[tilespmem:$0x1788] =	vst v0  }
0x140: {  	[tilespmem:$0x1778] =	vst v0  }
0x141: {  	[tilespmem:$0x1768] =	vst v0  }
0x142: {  	[tilespmem:$0x1758] =	vst v0  }
0x143: {  	[tilespmem:$0x1748] =	vst v0  }
0x144: {  	[tilespmem:$0x1738] =	vst v0  }
0x145: {  	[tilespmem:$0x1728] =	vst v0  }
0x146: {  	[tilespmem:$0x1718] =	vst v0  }
0x147: {  	[tilespmem:$0x1708] =	vst v0  }
0x148: {  	[tilespmem:$0x16F8] =	vst v0  }
0x149: {  	[tilespmem:$0x16E8] =	vst v0  }
0x14a: {  	[tilespmem:$0x16D8] =	vst v0  }
0x14b: {  	[tilespmem:$0x16C8] =	vst v0  }
0x14c: {  	[tilespmem:$0x16B8] =	vst v0  }
0x14d: {  	[tilespmem:$0x16A8] =	vst v0  }
0x14e: {  	[tilespmem:$0x1698] =	vst v0  }
0x14f: {  	[tilespmem:$0x1688] =	vst v0  }
0x150: {  	[tilespmem:$0x1678] =	vst v0  }
0x151: {  	[tilespmem:$0x1668] =	vst v0  }
0x152: {  	[tilespmem:$0x1658] =	vst v0  }
0x153: {  	[tilespmem:$0x1648] =	vst v0  }
0x154: {  	[tilespmem:$0x1638] =	vst v0  }
0x155: {  	[tilespmem:$0x1628] =	vst v0  }
0x156: {  	[tilespmem:$0x1618] =	vst v0  }
0x157: {  	[tilespmem:$0x1608] =	vst v0  }
0x158: {  	[tilespmem:$0x15F8] =	vst v0  }
0x159: {  	[tilespmem:$0x15E8] =	vst v0  }
0x15a: {  	[tilespmem:$0x15D8] =	vst v0  }
0x15b: {  	[tilespmem:$0x15C8] =	vst v0  }
0x15c: {  	[tilespmem:$0x15B8] =	vst v0  }
0x15d: {  	[tilespmem:$0x15A8] =	vst v0  }
0x15e: {  	[tilespmem:$0x1598] =	vst v0  }
0x15f: {  	[tilespmem:$0x1588] =	vst v0  }
0x160: {  	[tilespmem:$0x1578] =	vst v0  }
0x161: {  	[tilespmem:$0x1568] =	vst v0  }
0x162: {  	[tilespmem:$0x1558] =	vst v0  }
0x163: {  	[tilespmem:$0x1548] =	vst v0  }
0x164: {  	[tilespmem:$0x1538] =	vst v0  }
0x165: {  	[tilespmem:$0x1528] =	vst v0  }
0x166: {  	[tilespmem:$0x1518] =	vst v0  }
0x167: {  	[tilespmem:$0x1508] =	vst v0  }
0x168: {  	[tilespmem:$0x14F8] =	vst v0  }
0x169: {  	[tilespmem:$0x14E8] =	vst v0  }
0x16a: {  	[tilespmem:$0x14D8] =	vst v0  }
0x16b: {  	[tilespmem:$0x14C8] =	vst v0  }
0x16c: {  	[tilespmem:$0x14B8] =	vst v0  }
0x16d: {  	[tilespmem:$0x14A8] =	vst v0  }
0x16e: {  	[tilespmem:$0x1498] =	vst v0  }
0x16f: {  	[tilespmem:$0x1488] =	vst v0  }
0x170: {  	[tilespmem:$0x1478] =	vst v0  }
0x171: {  	[tilespmem:$0x1468] =	vst v0  }
0x172: {  	[tilespmem:$0x1458] =	vst v0  }
0x173: {  	[tilespmem:$0x1448] =	vst v0  }
0x174: {  	[tilespmem:$0x1438] =	vst v0  }
0x175: {  	[tilespmem:$0x1428] =	vst v0  }
0x176: {  	[tilespmem:$0x1418] =	vst v0  }
0x177: {  	[tilespmem:$0x1408] =	vst v0  }
0x178: {  	[tilespmem:$0x13F8] =	vst v0  }
0x179: {  	[tilespmem:$0x13E8] =	vst v0  }
0x17a: {  	[tilespmem:$0x13D8] =	vst v0  }
0x17b: {  	[tilespmem:$0x13C8] =	vst v0  }
0x17c: {  	[tilespmem:$0x13B8] =	vst v0  }
0x17d: {  	[tilespmem:$0x13A8] =	vst v0  }
0x17e: {  	[tilespmem:$0x1398] =	vst v0  }
0x17f: {  	[tilespmem:$0x1388] =	vst v0  }
0x180: {  	[tilespmem:$0x1378] =	vst v0  }
0x181: {  	[tilespmem:$0x1368] =	vst v0  }
0x182: {  	[tilespmem:$0x1358] =	vst v0  }
0x183: {  	[tilespmem:$0x1348] =	vst v0  }
0x184: {  	[tilespmem:$0x1338] =	vst v0  }
0x185: {  	[tilespmem:$0x1328] =	vst v0  }
0x186: {  	[tilespmem:$0x1318] =	vst v0  }
0x187: {  	[tilespmem:$0x1308] =	vst v0  }
0x188: {  	[tilespmem:$0x12F8] =	vst v0  }
0x189: {  	[tilespmem:$0x12E8] =	vst v0  }
0x18a: {  	[tilespmem:$0x12D8] =	vst v0  }
0x18b: {  	[tilespmem:$0x12C8] =	vst v0  }
0x18c: {  	[tilespmem:$0x12B8] =	vst v0  }
0x18d: {  	[tilespmem:$0x12A8] =	vst v0  }
0x18e: {  	[tilespmem:$0x1298] =	vst v0  }
0x18f: {  	[tilespmem:$0x1288] =	vst v0  }
0x190: {  	[tilespmem:$0x1278] =	vst v0  }
0x191: {  	[tilespmem:$0x1268] =	vst v0  }
0x192: {  	[tilespmem:$0x1258] =	vst v0  }
0x193: {  	[tilespmem:$0x1248] =	vst v0  }
0x194: {  	[tilespmem:$0x1238] =	vst v0  }
0x195: {  	[tilespmem:$0x1228] =	vst v0  }
0x196: {  	[tilespmem:$0x1218] =	vst v0  }
0x197: {  	[tilespmem:$0x1208] =	vst v0  }
0x198: {  	[tilespmem:$0x11F8] =	vst v0  }
0x199: {  	[tilespmem:$0x11E8] =	vst v0  }
0x19a: {  	[tilespmem:$0x11D8] =	vst v0  }
0x19b: {  	[tilespmem:$0x11C8] =	vst v0  }
0x19c: {  	[tilespmem:$0x11B8] =	vst v0  }
0x19d: {  	[tilespmem:$0x11A8] =	vst v0  }
0x19e: {  	[tilespmem:$0x1198] =	vst v0  }
0x19f: {  	[tilespmem:$0x1188] =	vst v0  }
0x1a0: {  	[tilespmem:$0x1178] =	vst v0  }
0x1a1: {  	[tilespmem:$0x1168] =	vst v0  }
0x1a2: {  	[tilespmem:$0x1158] =	vst v0  }
0x1a3: {  	[tilespmem:$0x1148] =	vst v0  }
0x1a4: {  	[tilespmem:$0x1138] =	vst v0  }
0x1a5: {  	[tilespmem:$0x1128] =	vst v0  }
0x1a6: {  	[tilespmem:$0x1118] =	vst v0  }
0x1a7: {  	s4 =	stileid.u32;
	[tilespmem:$0x1108] =	vst v0  }
0x1a8: {  	s0 =	smul.u32 $0xE7, s4;
	[tilespmem:$0x10F8] =	vst v0  }
0x1a9: {  	s1 =	smin.u32 s4, $0x8;
	[tilespmem:$0x10C8] =	vst v0  }
0x1aa: {  	[tilespmem:$0x10D8] =	vst v0;
	s0 =	sadd.s32 s1, s0  }
0x1ab: {  	p0 =	slt.u32 s4, $0x8;
	[tilespmem:$0x10B8] =	vst v0;
	s1 =	simm.s32 $0x18780;
	s6 =	smul.u32 $0x1B0, s0  }
0x1ac: {  	s1 =	simm.s32 @!p0 $0x185D0;
	[tilespmem:$0x1038] =	vst v0  }
0x1ad: {  	[tilespmem:$0x10A8] =	vst v0;
	s0 =	sadd.s32 s1, s6  }
0x1ae: {  	s3 =	simm.s32 $0x2;
	s8 =	simm.s32 $0x9;
	[tilespmem:$0x1098] =	vst v0;
	s7 =	smin.u32 s0, $0x186A00  }
0x1af: {  	s10 =	simm.s32 $0xA;
	s30 =	simm.s32 $0xB;
	[tilespmem:$0x1088] =	vst v0;
	s0 =	ssub.s32 s7, s6  }
0x1b0: {  	s16 =	simm.s32 $0x0;
	p4 =	por $0x0, $0x0;
	[tilespmem:$0x1078] =	vst v0;
	p0 =	sgt.s32 s0, $0x0  }
0x1b1: {  	s17 =	simm.s32 $0xC;
	s21 =	simm.s32 $0x0;
	[tilespmem:$0x1058] =	vst v0;
	s0 =	simm.s32 @!p0 $0x0  }
0x1b2: {  	s18 =	simm.s32 $0x0;
	s2 =	sand.u32 $0x1, s2;
	[tilespmem:$0x1048] =	vst v0;
	s29 =	smulhi.u32 $0x4BDA12F7, s0  }
0x1b3: {  	s20 =	simm.s32 $0x0;
	s31 =	sshll.u32 s4, $0x5;
	[tilespmem:$0x1018] =	vst v0;
	[dreg:$0x5] =	wrdreg s2  }
0x1b4: {  	s2 =	smul.u32 $0x30D40, s2;
	[tilespmem:$0x1008] =	vst v0;
	[sflag:s3] =	ssyncpa.u1 $0x0;
	s1 =	sshrl.u32 s29, $0x7  }
0x1b5: {  	v0 =	vimm.s32 $0xFFFFFFFF;
	s3 =	sadd.s32 $0x5BFE00, s11;
	[dreg:$0x4] =	wrdreg s31;
	s5 =	smul.u32 $0x1B0, s1  }
.Ltmp0:
0x1b6: {  	[tilespmem:$0x3648] =	vst v0;
	[sflag:s8] =	ssyncpa.u1 $0x0;
	s2 =	sadd.s32 s2, s11;
	(pc) =	sbr.rel .LBB2_1-.Ltmp0, $4  }
0x1b7: {  	[sflag:s10] =	ssyncpa.u1 $0x0;
	s11 =	sadd.s32 $0xB1B000, s11;
	p0 =	sne.s32 s0, s5  }
0x1b8: {  	[sflag:s30] =	ssyncpa.u1 $0x0;
	s14 =	sadd.s32 $0x4FC600, s2;
	s12 =	simm.s32 @!p0 $0x0  }
0x1b9: {  	s15 =	sadd.s32 $0x64E00, s2;
	s19 =	smov.u32 s6;
	s12 =	sadd.s32 s12, s1  }
0x1ba: {  	v0 =	vlaneseq.u32;
	[dreg:$0x6] =	wrdreg s6;
	p0 =	por $0x1, $0x1;
	s4 =	sadd.s32 $0x1, s12  }
.LBB2_18:
0x1bb: {  	s0 =	simm.s32 $0x2  }
0x1bc: {  	_ =	swait.ge [sflag:s0], $0x0  }
0x1bd: {  	[sflag:s0] =	ssyncset.done $0x0;
	s0 =	simm.s32 $0x0  }
.LBB2_19:
0x1be: {  	_ =	swait.ge [sflag:s17], s0  }
0x1bf: {  	s31 =	ssub.s32 $0x0, s0;
	v1 =	vmov s23;
	vm0 =	veq.s32 v0, $0x0;
	[sflag:s17] =	ssyncset.done $0x0  }
0x1c0: {  	vm15 =	veq.s32 v0, $0x2;
	v1 =	vsel vm0, s28, v1;
	[sflag:s17] =	ssyncadd.s32 s31  }
0x1c1: {  	v1 =	vsel vm15, s21, v1;
	[sflag:s17] =	ssyncpa.u1 $0x1  }
0x1c2: {  	[tilespmem:$0x3648] =	vst v1  }
.LBB2_20:
0x1c3: {  	s0 =	sadd.s32 $0x1B0, s19  }
0x1c4: {  	s1 =	smov.u32 s6;
	p1 =	slt.s32 s0, s7  }
0x1c5: {  	s1 =	smov.u32 @p1 s0;
	p1 =	sne.s32 s20, s4  }
.Ltmp1:
0x1c6: {  	_ = 	snop;
	(pc) =	sbr.rel @!p1 .LBB2_21-.Ltmp1, $4  }
0x1c7: {  	_ = 	snop  }
0x1c8: {  	s21 =	smov.u32 s18  }
0x1c9: {  	s31 =	sadd.s32 $0x1, s20;
	s18 =	smov.u32 s19;
	p0 =	por !p0, !p0  }
0x1ca: {  	p4 =	por !p4, !p4;
	s20 =	smov.u32 s31;
	s19 =	smov.u32 s1  }
.LBB2_1:
0x1cb: {  	p2 =	sge.u32 s20, s12  }
0x1cc: {  	s0 =	smulhi.u32 @!p2 $0xAAAAAAAB, s20  }
0x1cd: {  	s1 =	smov.u32 s19;
	p3 =	sgt.s32 @!p2 s19, $0x186850  }
0x1ce: {  	s2 =	sshra.s32 @!p2 s19, $0x1F;
	p3 =	por !p3, p2;
	s0 =	sshrl.u32 @!p2 s0, $0x1  }
0x1cf: {  	s2 =	sand.u32 @!p2 s2, s19;
	s1 =	simm.s32 @p3 $0x186850;
	s0 =	smul.u32 @!p2 $0x3, s0  }
0x1d0: {  	s1 =	ssub.s32 @!p2 s1, s2  }
0x1d1: {  	s23 =	sadd.s32 $0xFFFFFFFF, s20;
	s1 =	sadd.s32 @!p2 $0xFFE797B0, s1;
	s0 =	ssub.s32 @!p2 s20, s0  }
0x1d2: {  	s2 =	sshll.u32 @!p2 s1, $0x2;
	p3 =	sgt.s32 @!p2 s1, $0x1AF;
	s0 =	smul.u32 @!p2 $0x6C0, s0  }
0x1d3: {  	s5 =	sand.u32 @!p2 $0x7, s19;
	s1 =	ssub.s32 @!p2 $0x6C0, s2;
	p3 =	por !p3, p2  }
0x1d4: {  	s2 =	sshrl.u32 @!p2 s19, $0x3;
	s1 =	sshrl.u32 @!p2 s1, $0x2;
	s0 =	sshrl.u32 @!p2 s0, $0x2  }
0x1d5: {  	s2 =	sadd.s32 @!p2 s2, s14;
	s1 =	simm.s32 @!p3 $0x0;
	s0 =	sadd.s32 @!p2 $0x3888, s0  }
0x1d6: {  	[tilespmem:s0], [sflag:$0xA] =	stream.linear.gather @!p2 [hbm4b:s2+s5], s1, $0x38;
	[tilespmem:$0x1F0F8] =	vst v63  }
0x1d7: {  	p2 =	sge.u32 s23, s12  }
0x1d8: {  	p3 =	sgt.s32 @!p2 s18, $0x186850  }
0x1d9: {  	s0 =	smov.u32 s18;
	s1 =	sshra.s32 @!p2 s18, $0x1F;
	p3 =	por !p3, p2  }
0x1da: {  	s1 =	sand.u32 @!p2 s1, s18;
	s0 =	simm.s32 @p3 $0x186850  }
0x1db: {  	s0 =	ssub.s32 @!p2 s0, s1  }
0x1dc: {  	s0 =	sadd.s32 @!p2 $0xFFE797B0, s0  }
0x1dd: {  	s1 =	sshll.u32 @!p2 s0, $0x2  }
0x1de: {  	p3 =	sgt.s32 @!p2 s0, $0x1AF;
	s0 =	ssub.s32 @!p2 $0x6C0, s1  }
0x1df: {  	s22 =	ssub.s32 @!p2 $0x186A00, s18;
	p3 =	por !p3, p2;
	s0 =	sshrl.u32 @!p2 s0, $0x2  }
0x1e0: {  	s1 =	sand.u32 @!p2 $0x1, s23;
	s0 =	simm.s32 @!p3 $0x0;
	p3 =	slt.s32 @!p2 s22, $0x1  }
0x1e1: {  	s2 =	simm.s32 @!p2 $0xA;
	s1 =	smul.u32 @!p2 $0x6C0, s1;
	p3 =	por p2, p3  }
.Ltmp2:
0x1e2: {  	_ =	swait.ge @!p2 [sflag:s2], s0;
	(pc) =	sbr.rel @p3 .LBB2_7-.Ltmp2, $4  }
0x1e3: {  	s5 =	ssub.s32 @!p2 $0x0, s0;
	[sflag:s2] =	ssyncset.done @!p2 $0x0  }
0x1e4: {  	s1 =	sshrl.u32 @!p2 s1, $0x2;
	[sflag:s2] =	ssyncadd.s32 @!p2 s5;
	s2 =	sshrl.u32 @!p2 s18, $0x3  }
0x1e5: {  	s1 =	sadd.s32 @!p2 $0x3D98, s1;
	s5 =	sand.u32 @!p2 $0x7, s18;
	s2 =	sadd.s32 @!p2 s2, s15  }
0x1e6: {  	[tilespmem:s1], [sflag:$0xB] =	stream.linear.gather @!p2 [hbm4b:s2+s5], s0, $0x38;
	[tilespmem:$0x1F0F8] =	vst v63  }
0x1e7: {  	s0 =	smulhi.u32 $0xAAAAAAAB, s23;
	_ =	sdelay $0x1  }
0x1e8: {  	s0 =	sshrl.u32 s0, $0x1  }
0x1e9: {  	s0 =	smul.u32 $0x3, s0;
	_ =	sdelay $0x1  }
0x1ea: {  	s0 =	ssub.s32 s23, s0  }
0x1eb: {  	s1 =	simm.s32 $0x1;
	s0 =	smul.u32 $0x6C0, s0  }
.Ltmp3:
0x1ec: {  	s1 =	simm.s32 @!p0 $0x0;
	(pc) =	sbr.rel .LBB2_4-.Ltmp3, $4  }
0x1ed: {  	s1 =	smul.u32 $0x36000, s1  }
0x1ee: {  	p3 =	slt.s32 @!p2 s22, $0x1B0;
	s0 =	sshrl.u32 s0, $0x2  }
0x1ef: {  	p2 =	por !p3, p2;
	s1 =	sshrl.u32 s1, $0x2;
	s0 =	sadd.s32 $0x3888, s0  }
0x1f0: {  	s24 =	simm.s32 $0x0;
	s22 =	simm.s32 @p2 $0x1B0;
	s23 =	sadd.s32 $0x40F8, s1;
	v1 =	vmov s0  }
.LBB2_3:
0x1f1: {  	p2 =	sge.s32 s24, s22  }
.Ltmp4:
0x1f2: {  	_ = 	snop;
	(pc) =	sbr.rel @p2 .LBB2_7-.Ltmp4, $2  }
0x1f3: {  	_ =	sdelay $0x2  }
0x1f4: {  	s23 =	sadd.s32 $0x800, s23  }
.LBB2_4:
0x1f5: {  	p2 =	sle.s32 s22, s24  }
.Ltmp5:
0x1f6: {  	_ = 	snop;
	(pc) =	sbr.rel @p2 .LBB2_3-.Ltmp5, $2  }
0x1f7: {  	_ =	sdelay $0x2  }
0x1f8: {  	s0 =	smov.u32 s24;
	s24 =	sadd.s32 $0x10, s24  }
0x1f9: {  	s1 =	ssub.s32 s22, s0  }
0x1fa: {  	p2 =	slt.s32 s1, $0x10  }
0x1fb: {  	s1 =	simm.s32 @!p2 $0x10  }
0x1fc: {  	v2 =	vmov s1  }
0x1fd: {  	vm0 =	vgt.s32 v2, v0;
	_ =	sdelay $0x5  }
0x1fe: {  	v2 =	vld.idx.msk [tilespmem:v1+s0+$0x0 ss:$0x1], vm0;
	_ =	sdelay $0x2  }
0x1ff: {  	p2 =	slt.s32 s24, s22;
	s1 =	smov.u32 s22  }
0x200: {  	s2 =	smov.u32 s23;
	s25 =	simm.s32 $0x0;
	s1 =	smov.u32 @p2 s24  }
.LBB2_6:
0x201: {  	(v2sf) =	vpush v2, s25;
	_ =	sdelay $0xc  }
0x202: {  	s25 =	sadd.s32 $0x1, s25  }
0x203: {  	s31 =	sadd.s32 s25, s0  }
0x204: {  	p2 =	slt.s32 s31, s1;
	s5 =	spop (v2sf)  }
.Ltmp6:
0x205: {  	s5 =	sshll.u32 s5, $0x4;
	(pc) =	sbr.rel @p2 .LBB2_6-.Ltmp6, $4  }
0x206: {  	s5 =	sand.u32 $0x1FFFFFF0, s5  }
0x207: {  	s5 =	sadd.s32 s11, s5  }
0x208: {  	[tilespmem:s2], [sflag:$0x9] =	stream.linear.gather [hbm4b:s5+s16], $0x10, $0x38;
	[tilespmem:$0x1F0F8] =	vst v63  }
0x209: {  	s2 =	sadd.s32 $0x80, s2  }
.Ltmp7:
0x20a: {  	_ = 	snop;
	(pc) =	sbr.rel .LBB2_3-.Ltmp7, $1  }
0x20b: {  	_ =	sdelay $0x3  }
.LBB2_7:
0x20c: {  	p2 =	slt.u32 s20, $0x2  }
.Ltmp8:
0x20d: {  	_ = 	snop;
	(pc) =	sbr.rel @p2 .LBB2_20-.Ltmp8, $1  }
0x20e: {  	_ =	sdelay $0x3  }
0x20f: {  	p2 =	sgt.s32 s21, $0x186850  }
0x210: {  	s0 =	smov.u32 s21;
	s1 =	sshra.s32 s21, $0x1F;
	s2 =	ssub.s32 $0x186A00, s21  }
0x211: {  	s0 =	simm.s32 @!p2 $0x186850;
	s1 =	sand.u32 s1, s21;
	p2 =	slt.s32 s2, $0x1B0  }
0x212: {  	s0 =	ssub.s32 s0, s1;
	s2 =	simm.s32 @!p2 $0x1B0  }
0x213: {  	s0 =	sadd.s32 $0xFFE797B0, s0;
	s24 =	sshll.u32 s2, $0x4  }
0x214: {  	s28 =	simm.s32 $0x9;
	s25 =	sshll.u32 s0, $0x2;
	s1 =	sand.u32 $0x3FFFFFF0, s24  }
0x215: {  	p2 =	sgt.s32 s0, $0x1AF;
	s26 =	ssub.s32 $0x6C0, s25;
	_ =	swait.ge [sflag:s28], s1  }
0x216: {  	s1 =	ssub.s32 $0x0, s1;
	[sflag:s28] =	ssyncset.done $0x0;
	s0 =	sshrl.u32 s26, $0x2  }
0x217: {  	s30 =	simm.s32 $0xB;
	[sflag:s28] =	ssyncadd.s32 s1;
	s0 =	simm.s32 @p2 $0x0  }
0x218: {  	_ =	swait.ge [sflag:s30], s0  }
0x219: {  	s0 =	ssub.s32 $0x0, s0;
	[sflag:s30] =	ssyncset.done $0x0  }
0x21a: {  	[sflag:s30] =	ssyncadd.s32 s0  }
0x21b: {  	v1 =	vld [tilespmem:$0x3648];
	_ =	sdelay $0x4  }
0x21c: {  	(v2sf) =	vpush v1, $0x0  }
0x21d: {  	(v2sf) =	vpush v1, $0x1  }
0x21e: {  	(v2sf) =	vpush v1, $0x2;
	_ =	sdelay $0x3  }
0x21f: {  	s0 =	sadd.s32 $0x1B0, s21  }
0x220: {  	s1 =	ssub.s32 $0x30D400, s21;
	p2 =	slt.s32 s7, s0  }
0x221: {  	s0 =	smov.u32 @p2 s7;
	p2 =	sgt.s32 s1, $0x0  }
0x222: {  	s25 =	ssub.s32 s0, s21;
	s1 =	simm.s32 @!p2 $0x0  }
0x223: {  	p2 =	slt.s32 s1, s25  }
0x224: {  	s25 =	smov.u32 @p2 s1  }
0x225: {  	s24 =	simm.s32 $0x1;
	p2 =	slt.s32 s25, $0x1  }
.Ltmp9:
0x226: {  	s24 =	simm.s32 @!p4 $0x0;
	(pc) =	sbr.rel @p2 .LBB2_12-.Ltmp9, $4  }
0x227: {  	s31 =	smul.u32 $0x6C0, s24  }
0x228: {  	s26 =	spop (v2sf)  }
0x229: {  	s0 =	sshrl.u32 s31, $0x2;
	s29 =	spop (v2sf)  }
0x22a: {  	s22 =	sadd.s32 $0x3D98, s0;
	s21 =	spop (v2sf)  }
0x22b: {  	s0 =	smin.u32 s25, $0x10  }
0x22c: {  	v1 =	vmov s0  }
0x22d: {  	p3 =	sgt.s32 s25, $0x10;
	vm1 =	vgt.u32 v1, v0  }
.Ltmp10:
0x22e: {  	_ = 	snop;
	(pc) =	sbr.rel @!p3 .LBB2_11-.Ltmp10, $2  }
0x22f: {  	_ =	sdelay $0x2  }
0x230: {  	s23 =	simm.s32 $0x10;
	s28 =	sadd.s32 $0xFFFFFFF0, s25;
	s0 =	smov.u32 s22;
	vm0 =	vmmov vm1  }
.LBB2_10:
0x231: {  	s1 =	smin.u32 s28, $0x10;
	s23 =	sadd.s32 $0x10, s23;
	v1 =	vld.msk [tilespmem:s0+$0x0 ss:$0x1], vm1  }
0x232: {  	v2 =	vmov s1;
	p3 =	slt.s32 s23, s25  }
0x233: {  	vm1 =	vgt.u32 v2, v0  }
.Ltmp11:
0x234: {  	(pc) =	sbr.rel @p3 .LBB2_10-.Ltmp11, $3  }
0x235: {  	_ =	sdelay $0x1  }
0x236: {  	v1 =	vshll.u32 v1, $0x4  }
0x237: {  	s28 =	sadd.s32 $0xFFFFFFF0, s28;
	[tilespmem:s0+$0x0] =	vst.msk vm0, v1;
	s0 =	sadd.s32 $0x10, s0;
	vm0 =	vmmov vm1  }
.LBB2_11:
0x238: {  	_ =	sdelay $0x4  }
0x239: {  	v1 =	vld.msk [tilespmem:s0+$0x0 ss:$0x1], vm1;
	_ =	sdelay $0x4  }
0x23a: {  	v1 =	vshll.u32 v1, $0x4  }
0x23b: {  	[tilespmem:s0+$0x0] =	vst.msk vm0, v1  }
.LBB2_12:
0x23c: {  	s0 =	sand.u32 $0x1, s20  }
0x23d: {  	s0 =	smul.u32 $0x1B0, s0  }
0x23e: {  	p3 =	sne.s32 s29, $0xFFFFFFFF  }
0x23f: {  	v1 =	vld.msk @!p3 [tilespmem:s0+$0x3D98], $0x1;
	_ =	sdelay $0x4  }
0x240: {  	(v2sf) =	vpush @!p3 v1, $0x0;
	_ =	sdelay $0xc  }
.Ltmp12:
0x241: {  	_ = 	snop;
	(pc) =	sbr.rel @p2 .LBB2_18-.Ltmp12, $4  }
0x242: {  	_ = 	snop  }
0x243: {  	s28 =	spop @!p3 (v2sf)  }
0x244: {  	s21 =	simm.s32 @!p3 $0x0;
	s23 =	smov.u32 s28  }
0x245: {  	[sflag:s17] =	ssyncpa.u1 $0x0;
	s28 =	smov.u32 @p3 s26;
	s23 =	smov.u32 @p3 s29  }
0x246: {  	v1 =	vld.msk [tilespmem:s22+$0x0], $0x1;
	_ =	sdelay $0x4  }
0x247: {  	(v2sf) =	vpush v1, $0x0;
	_ =	sdelay $0xe  }
0x248: {  	s0 =	simm.s32 @!p4 $0x0;
	s26 =	smul.u32 $0x36000, s24;
	s31 =	spop (v2sf)  }
0x249: {  	s29 =	ssub.s32 $0x0, s25;
	s0 =	simm.s32 @p4 $0x1;
	p2 =	seq.s32 s28, s31  }
0x24a: {  	s1 =	smov.u32 s28;
	[smem:$0x7FD] =	sst s0;
	p3 =	sgt.s32 @!p2 s28, $0x0  }
0x24b: {  	s0 =	sshrl.u32 s26, $0x2;
	s26 =	sadd.s32 $0x1, s29;
	p3 =	por !p3, p2  }
0x24c: {  	s1 =	simm.s32 @p3 $0x0;
	p3 =	seq.s32 s26, $0x0  }
.Ltmp13:
0x24d: {  	_ = 	snop;
	(pc) =	sbr.rel @p3 .LBB2_15-.Ltmp13, $4  }
0x24e: {  	s6 =	smov.u32 s4;
	s25 =	simm.s32 $0x0  }
0x24f: {  	s24 =	sadd.s32 $0x40F8, s0;
	s0 =	simm.s32 @!p2 $0x1;
	s2 =	smin.u32 @!p2 s1, $0x1869FE  }
0x250: {  	s30 =	sadd.s32 $0x1, s22;
	s0 =	smov.u32 @p2 s25;
	s5 =	sand.u32 @!p2 $0x1FFFF8, s2  }
0x251: {  	s1 =	simm.s32 @!p2 $0x1B38;
	s2 =	sand.u32 @!p2 $0x7, s2;
	s5 =	sadd.s32 @!p2 s3, s5  }
.LBB2_14:
0x252: {  	s4 =	smov.u32 s0  }
0x253: {  	[tilespmem:s1], [sflag:$0x2] =	stream.linear.gather @!p2 [hbm4b:s5+s2], $0x10, $0x38;
	[tilespmem:$0x1F0F8] =	vst v63  }
0x254: {  	s26 =	sadd.s32 $0x1, s26;
	s2 =	smov.u32 s31;
	v1 =	vld.msk [tilespmem:s30+$0x0], $0x1  }
0x255: {  	p3 =	seq.s32 s26, $0x0;
	_ =	sdelay $0x3  }
0x256: {  	(v2sf) =	vpush v1, $0x0;
	_ =	sdelay $0xe  }
0x257: {  	s31 =	spop (v2sf)  }
0x258: {  	p2 =	seq.s32 s2, s31  }
0x259: {  	p4 =	sgt.s32 @!p2 s2, $0x0;
	s1 =	sshll.u32 @!p2 s0, $0x6;
	s0 =	sadd.s32 @!p2 $0x1, s0  }
.Ltmp14:
0x25a: {  	p4 =	por !p4, p2;
	s1 =	sshra.s32 @!p2 s1, $0x2;
	(pc) =	sbr.rel @!p3 .LBB2_14-.Ltmp14, $4  }
0x25b: {  	s0 =	smov.u32 @p2 s4;
	s2 =	simm.s32 @p4 $0x0;
	s1 =	sadd.s32 @!p2 $0x1B38, s1  }
0x25c: {  	s2 =	smin.u32 @!p2 s2, $0x1869FE  }
0x25d: {  	s4 =	sand.u32 @!p2 $0x1FFFF8, s2;
	s2 =	sand.u32 @!p2 $0x7, s2  }
0x25e: {  	s30 =	sadd.s32 $0x1, s30;
	s5 =	sadd.s32 @!p2 s3, s4  }
.LBB2_15:
0x25f: {  	[tilespmem:s1], [sflag:$0x2] =	stream.linear.gather @!p2 [hbm4b:s5+s2], $0x10, $0x38;
	[tilespmem:$0x1F0F8] =	vst v63  }
0x260: {  	s0 =	sshll.u32 s0, $0x4  }
0x261: {  	s31 =	simm.s32 $0x2;
	s0 =	sand.u32 $0x3FFFFFF0, s0  }
0x262: {  	_ =	swait.ge [sflag:s31], s0  }
0x263: {  	s0 =	ssub.s32 $0x0, s0;
	[sflag:s31] =	ssyncset.done $0x0  }
0x264: {  	[sflag:s31] =	ssyncadd.s32 s0  }
0x265: {  	v1 =	vld.msk [tilespmem:s22+$0x0], $0x1;
	_ =	sdelay $0x4  }
0x266: {  	(v2sf) =	vpush v1, $0x0;
	_ =	sdelay $0xe  }
0x267: {  	s26 =	spop (v2sf)  }
0x268: {  	p2 =	sne.s32 s28, s26  }
0x269: {  	p4 =	sne.s32 @p2 s28, s23  }
0x26a: {  	p3 =	por !p4, !p2  }
0x26b: {  	s0 =	simm.s32 @!p3 $0x0  }
0x26c: {  	v1 =	vld @!p3 [tilespmem:s0+$0x1B38]  }
0x26d: {  	p5 =	sgt.u32 @!p3 s28, $0x1869FE  }
0x26e: {  	s1 =	sshll.u32 @!p3 s21, $0x6;
	p6 =	por @p2 p5, !p4  }
0x26f: {  	s1 =	sshra.s32 @!p3 s1, $0x2;
	p1 =	por p6, !p2;
	p6 =	por p4, !p2  }
0x270: {  	s2 =	sadd.s32 @!p3 $0x28, s1;
	s4 =	sand.u32 @!p1 $0x1FFFF8, s28;
	s5 =	sshll.u32 @!p6 s21, $0x6  }
0x271: {  	s28 =	sand.u32 @!p1 $0x7, s28;
	[tilespmem:s1+$0x28] =	vst.add.f32.msk @!p3 $0xffff, v1;
	s1 =	sadd.s32 @!p1 s3, s4;
	s4 =	sshra.s32 @!p6 s5, $0x2  }
0x272: {  	[hbm4b:s1+s28] =	stream.linear.scatter @!p1 [tilespmem:s2], [sflag:$0xC], $0x10, $0x38;
	[tilespmem:$0x1F0F8] =	vst v63  }
0x273: {  	s0 =	rddreg [dreg:$0x4];
	s1 =	sadd.s32 @!p6 $0x28, s4;
	s2 =	simm.s32 @!p6 $0x1  }
0x274: {  	[spmem:s0] =	stream.linear.scatter @!p6 [tilespmem:s1], [sflag:$0x1], $0x10, $0x38;
	[tilespmem:$0x1F0F8] =	vst v63  }
0x275: {  	s0 =	sadd.s32 @p2 $0x1, s21;
	_ =	swait.ge @!p6 [sflag:s2], $0x10  }
0x276: {  	s1 =	sshrl.u32 @p2 s0, $0x4;
	[sflag:s2] =	ssyncset.done @!p6 $0x0  }
0x277: {  	s1 =	smulhi.u32 @p2 $0x97B425F, s1;
	[sflag:s2] =	ssyncadd.s32 @!p6 $0xFFFFFFF0  }
0x278: {  	s28 =	sadd.s32 $0x1, s29;
	v1 =	vld @p2 [tilespmem:s24+$0x0]  }
0x279: {  	p1 =	por @p2 !p5, !p4;
	p4 =	seq.s32 s28, $0x0;
	s1 =	smul.u32 @p2 $0x1B0, s1  }
.Ltmp15:
0x27a: {  	p1 =	por !p1, !p2;
	s2 =	simm.s32 @!p3 $0x0;
	(pc) =	sbr.rel @p4 .LBB2_17-.Ltmp15, $4  }
0x27b: {  	s4 =	sshll.u32 @!p2 s21, $0x6;
	s2 =	simm.s32 @!p1 $0x40;
	s0 =	ssub.s32 @p2 s0, s1  }
0x27c: {  	s29 =	simm.s32 $0x0;
	s2 =	sadd.s32 @!p3 $0x0, s2;
	s5 =	sshll.u32 @p2 s0, $0x4  }
0x27d: {  	s30 =	sshra.s32 @!p2 s4, $0x2;
	s1 =	simm.s32 @p2 $0x1;
	s2 =	smov.u32 @p3 s25;
	[tilespmem:s5+$0x28] =	vst @p2 v1  }
0x27e: {  	s21 =	smov.u32 @p2 s0;
	s29 =	smov.u32 @p2 s2;
	s25 =	smov.u32 @p2 s1;
	v1 =	vld @!p2 [tilespmem:s24+$0x0]  }
.LBB2_16:
0x27f: {  	_ =	sdelay $0x3  }
0x280: {  	s22 =	sadd.s32 $0x1, s22;
	[tilespmem:s30+$0x28] =	vst.add.f32.msk @!p2 $0xffff, v1  }
0x281: {  	v1 =	vld.msk [tilespmem:s22+$0x0], $0x1;
	_ =	sdelay $0x4  }
0x282: {  	(v2sf) =	vpush v1, $0x0;
	_ =	sdelay $0xe  }
0x283: {  	s0 =	smov.u32 s26;
	s26 =	spop (v2sf)  }
0x284: {  	p2 =	sne.s32 s0, s26  }
0x285: {  	p5 =	sne.s32 @p2 s0, s23  }
0x286: {  	s4 =	sshll.u32 @!p2 s21, $0x6;
	p4 =	por !p5, !p2  }
0x287: {  	s30 =	sshra.s32 @!p2 s4, $0x2;
	s4 =	sshll.u32 @!p4 s25, $0x6  }
0x288: {  	s4 =	sshra.s32 @!p4 s4, $0x2  }
0x289: {  	p1 =	sgt.u32 @!p4 s0, $0x1869FE;
	v1 =	vld @!p4 [tilespmem:s4+$0x1B38]  }
0x28a: {  	s31 =	sshll.u32 @!p4 s21, $0x6;
	p6 =	por @p2 p1, !p5;
	p1 =	por @p2 !p1, !p5  }
0x28b: {  	s8 =	simm.s32 @!p4 $0x0;
	s31 =	sshra.s32 @!p4 s31, $0x2;
	p1 =	por !p1, !p2  }
0x28c: {  	p5 =	por p5, !p2;
	s8 =	simm.s32 @!p1 $0x40;
	p1 =	por p6, !p2  }
0x28d: {  	s4 =	sadd.s32 @!p4 $0x28, s31;
	s13 =	sshll.u32 @!p5 s21, $0x6;
	s10 =	sand.u32 @!p1 $0x1FFFF8, s0  }
0x28e: {  	s13 =	sshra.s32 @!p5 s13, $0x2;
	s0 =	sand.u32 @!p1 $0x7, s0;
	s10 =	sadd.s32 @!p1 s3, s10;
	[tilespmem:s31+$0x28] =	vst.add.f32.msk @!p4 $0xffff, v1  }
0x28f: {  	[hbm4b:s10+s0] =	stream.linear.scatter @!p1 [tilespmem:s4], [sflag:$0xC], $0x10, $0x38;
	[tilespmem:$0x1F0F8] =	vst v63  }
0x290: {  	s1 =	rddreg [dreg:$0x4];
	s0 =	sadd.s32 @!p5 $0x28, s13;
	s4 =	simm.s32 @!p5 $0x1  }
0x291: {  	[spmem:s1] =	stream.linear.scatter @!p5 [tilespmem:s0], [sflag:$0x1], $0x10, $0x38;
	[tilespmem:$0x1F0F8] =	vst v63  }
0x292: {  	s2 =	sadd.s32 @p2 $0x1, s21;
	_ =	swait.ge @!p5 [sflag:s4], $0x10  }
0x293: {  	s5 =	sshrl.u32 @p2 s2, $0x4;
	[sflag:s4] =	ssyncset.done @!p5 $0x0  }
0x294: {  	s24 =	sadd.s32 $0x80, s24;
	s5 =	smulhi.u32 @p2 $0x97B425F, s5;
	[sflag:s4] =	ssyncadd.s32 @!p5 $0xFFFFFFF0  }
0x295: {  	s28 =	sadd.s32 $0x1, s28;
	v1 =	vld @p2 [tilespmem:s24+$0x0]  }
0x296: {  	p3 =	seq.s32 s28, $0x0;
	s5 =	smul.u32 @p2 $0x1B0, s5  }
.Ltmp16:
0x297: {  	_ = 	snop;
	(pc) =	sbr.rel @!p3 .LBB2_16-.Ltmp16, $4  }
0x298: {  	s2 =	ssub.s32 @p2 s2, s5  }
0x299: {  	s8 =	sadd.s32 @!p4 s8, s29;
	s5 =	sshll.u32 @p2 s2, $0x4  }
0x29a: {  	s9 =	sadd.s32 @p2 $0x1, s25;
	s8 =	smov.u32 @p4 s29;
	[tilespmem:s5+$0x28] =	vst @p2 v1  }
0x29b: {  	s25 =	smov.u32 @p2 s9;
	s21 =	smov.u32 @p2 s2;
	s29 =	smov.u32 @p2 s8;
	v1 =	vld @!p2 [tilespmem:s24+$0x0]  }
.LBB2_17:
.Ltmp17:
0x29c: {  	_ = 	snop;
	(pc) =	sbr.rel .LBB2_19-.Ltmp17, $3  }
0x29d: {  	s1 =	sld [smem:$0x7FD];
	_ =	sdelay $0x1  }
0x29e: {  	s0 =	sshrl.u32 s29, $0x2;
	s28 =	smov.u32 s26  }
0x29f: {  	s4 =	smov.u32 s6;
	s6 =	rddreg [dreg:$0x6];
	p4 =	seq.s32 s1, $0x1;
	[tilespmem:s30+$0x28] =	vst.add.f32.msk @!p2 $0xffff, v1  }
.LBB2_21:
0x2a0: {  	_ =	sfence.sel $0x180000  }
0x2a1: {  	s0 =	simm.s32 $0x9;
	[bflag:$0x0] =	sbarrier.arrive $0xFFFF  }
0x2a2: {  	s24 =	simm.s32 $0xA;
	[sflag:s0] =	ssyncpa.u1 $0x1  }
0x2a3: {  	s25 =	simm.s32 $0xB;
	[sflag:s24] =	ssyncpa.u1 $0x1  }
0x2a4: {  	s26 =	simm.s32 $0x2;
	[sflag:s25] =	ssyncpa.u1 $0x1  }
0x2a5: {  	[sflag:s26] =	ssyncpa.u1 $0x1  }
0x2a6: {  	v0 =	vld [tilespmem:$0x3648];
	_ =	sdelay $0x4  }
0x2a7: {  	(v2sf) =	vpush v0, $0x0  }
0x2a8: {  	(v2sf) =	vpush v0, $0x1;
	_ =	sdelay $0x1  }
0x2a9: {  	(v2sf) =	vpush v0, $0x2;
	_ =	sdelay $0xb  }
0x2aa: {  	s0 =	spop (v2sf)  }
0x2ab: {  	s1 =	spop (v2sf)  }
0x2ac: {  	s2 =	smov.u32 s0;
	p0 =	sne.s32 s0, s1  }
0x2ad: {  	s4 =	spop (v2sf);
	s2 =	simm.s32 @!p0 $0xFFFFFFFF  }
0x2ae: {  	v2 =	vimm.s32 $0x1;
	v3 =	vlaneseq.u32;
	p0 =	seq.s32 s4, $0xFFFFFFFF;
	v1 =	vmov s2  }
0x2af: {  	s16 =	stileid.u32;
	v0 =	vperm.xlane v0, v2;
	p1 =	sne.s32 @!p0 s0, s1;
	v1 =	vperm.xlane v1, v3  }
0x2b0: {  	vm0 =	vcmask $0x3F04;
	s6 =	simm.s32 $0x3648;
	s0 =	simm.s32 @!p0 $0x1;
	p1 =	por !p1, p0  }
0x2b1: {  	s2 =	sshll.u32 s16, $0x1;
	s1 =	sshll.u32 @!p0 s4, $0x6;
	s0 =	simm.s32 @p1 $0x0;
	v0 =	vsel vm0, v1, v0  }
0x2b2: {  	s5 =	sor.u32 $0x200, s2;
	s1 =	sshra.s32 @!p0 s1, $0x2;
	s0 =	sor.u32 @!p0 s0, s2;
	[tilespmem:$0x3648] =	vst v0  }
0x2b3: {  	[spmem:s5] =	stream.linear.scatter [tilespmem:s6], [sflag:$0x1], $0x2, $0x38;
	[tilespmem:$0x1F0F8] =	vst v63  }
0x2b4: {  	s1 =	sadd.s32 @!p0 $0x28, s1;
	s0 =	sshll.u32 @!p0 s0, $0x4  }
0x2b5: {  	[spmem:s0] =	stream.linear.scatter @!p0 [tilespmem:s1], [sflag:$0x1], $0x10, $0x38;
	[tilespmem:$0x1F0F8] =	vst v63  }
0x2b6: {  	s0 =	simm.s32 @!p0 $0x12  }
0x2b7: {  	s28 =	simm.s32 $0x1;
	s0 =	simm.s32 @p0 $0x2  }
0x2b8: {  	_ =	swait.ge [sflag:s28], s0  }
0x2b9: {  	s0 =	ssub.s32 $0x0, s0;
	[sflag:s28] =	ssyncset.done $0x0  }
0x2ba: {  	p0 =	sne.s32 s16, $0x0;
	[sflag:s28] =	ssyncadd.s32 s0  }
.Ltmp18:
0x2bb: {  	_ =	sfence.stream.spmem;
	(pc) =	sbr.rel @p0 .LBB2_38-.Ltmp18, $4  }
0x2bc: {  	s29 =	simm.s32 $0x3;
	[bflag:$0x0] =	sbarrier.arrive $0xFFFF  }
0x2bd: {  	s30 =	simm.s32 $0x4;
	[sflag:s29] =	ssyncpa.u1 $0x1  }
0x2be: {  	s31 =	simm.s32 $0x3C;
	[sflag:s30] =	ssyncpa.u1 $0x1  }
0x2bf: {  	s17 =	rddreg [dreg:$0x5];
	[sflag:s31] =	ssyncpa.u1 $0x1  }
0x2c0: {  	_ =	sfence.stream.spmem;
	s0 =	simm.s32 $0x5  }
0x2c1: {  	s1 =	simm.s32 $0x200;
	s2 =	simm.s32 $0x3658;
	[sflag:s0] =	ssyncpa.u1 $0x0  }
0x2c2: {  	[tilespmem:s2], [sflag:$0x5] =	stream.linear.gather [spmem:s1], $0x20, $0x38;
	[tilespmem:$0x1F0F8] =	vst v63  }
0x2c3: {  	s26 =	simm.s32 $0x0;
	s28 =	simm.s32 $0x3678  }
0x2c4: {  	[tilespmem:s28], [sflag:$0x5] =	stream.linear.gather [spmem:s26], $0x200, $0x38;
	[tilespmem:$0x1F0F8] =	vst v63  }
0x2c5: {  	_ =	swait.ge [sflag:s0], $0x220  }
0x2c6: {  	[sflag:s0] =	ssyncset.done $0x0  }
0x2c7: {  	s29 =	simm.s32 $0x0;
	[sflag:s0] =	ssyncadd.s32 $0xFFFFFDE0  }
0x2c8: {  	v0 =	vld.msk [tilespmem:s29+$0x3658], $0x1;
	_ =	sdelay $0x1  }
0x2c9: {  	s30 =	simm.s32 $0x1  }
0x2ca: {  	v1 =	vld.msk [tilespmem:s30+$0x3658], $0x1;
	_ =	sdelay $0x1  }
0x2cb: {  	(v2sf) =	vpush v0, $0x0;
	_ =	sdelay $0x2  }
0x2cc: {  	(v2sf) =	vpush v1, $0x0;
	_ =	sdelay $0x2  }
0x2cd: {  	s31 =	simm.s32 $0x2  }
0x2ce: {  	v0 =	vld.msk [tilespmem:s31+$0x3658], $0x1;
	_ =	sdelay $0x2  }
0x2cf: {  	s6 =	simm.s32 $0xFFFFFFFF;
	s1 =	simm.s32 $0xFFFFFFFF;
	s0 =	simm.s32 $0xC  }
.LBB2_23:
0x2d0: {  	s2 =	smov.u32 s6;
	s4 =	smov.u32 s1  }
0x2d1: {  	s1 =	sshra.s32 s0, $0x2;
	p1 =	sne.s32 s0, $0x7C;
	s0 =	sadd.s32 $0x4, s0;
	(v2sf) =	vpush v0, $0x0  }
0x2d2: {  	v0 =	vld.msk [tilespmem:s1+$0x3658], $0x1  }
.Ltmp19:
0x2d3: {  	(pc) =	sbr.rel @p1 .LBB2_23-.Ltmp19, $4  }
0x2d4: {  	s6 =	spop (v2sf)  }
0x2d5: {  	p2 =	sne.s32 s4, $0xFFFFFFFF;
	s1 =	smov.u32 s6  }
0x2d6: {  	p3 =	seq.s32 s6, $0xFFFFFFFF;
	s1 =	smov.u32 @p2 s4  }
0x2d7: {  	s6 =	smov.u32 @p3 s2;
	s1 =	smov.u32 @p3 s4  }
0x2d8: {  	(v2sf) =	vpush v0, $0x0;
	_ =	sdelay $0x8  }
0x2d9: {  	s0 =	spop (v2sf)  }
0x2da: {  	p1 =	sne.s32 s1, $0xFFFFFFFF;
	s2 =	smov.u32 s0  }
0x2db: {  	s9 =	simm.s32 $0x6;
	p2 =	seq.s32 s0, $0xFFFFFFFF;
	s2 =	smov.u32 @p1 s1  }
0x2dc: {  	s10 =	simm.s32 $0x3638;
	s2 =	smov.u32 @p2 s1;
	s1 =	spop (v2sf)  }
0x2dd: {  	s0 =	smov.u32 @p2 s6;
	p1 =	sne.s32 s2, $0xFFFFFFFF;
	s4 =	smov.u32 s1  }
.Ltmp20:
0x2de: {  	p2 =	seq.s32 s1, $0xFFFFFFFF;
	s4 =	smov.u32 @p1 s2;
	(pc) =	sbr.rel .LBB2_25-.Ltmp20, $4  }
0x2df: {  	s11 =	simm.s32 $0x0;
	s4 =	smov.u32 @p2 s2;
	s7 =	spop (v2sf)  }
0x2e0: {  	[sflag:s9] =	ssyncpa.u1 $0x0;
	p1 =	sne.s32 s4, $0xFFFFFFFF;
	s8 =	smov.u32 s7  }
0x2e1: {  	s1 =	smov.u32 @p2 s0;
	p2 =	seq.s32 s7, $0xFFFFFFFF;
	s8 =	smov.u32 @p1 s4  }
0x2e2: {  	s6 =	simm.s32 $0x0;
	s7 =	smov.u32 @p2 s1;
	s8 =	smov.u32 @p2 s4  }
.LBB2_30:
0x2e3: {  	p1 =	sgt.u32 s12, $0x1869FE  }
0x2e4: {  	p2 =	seq.s32 @!p1 s12, s8  }
0x2e5: {  	p1 =	por p1, p2  }
0x2e6: {  	p2 =	sne.s32 @!p1 s12, s7  }
0x2e7: {  	p1 =	por p1, !p2  }
0x2e8: {  	s0 =	sshll.u32 @p1 s11, $0x6  }
0x2e9: {  	s0 =	sand.u32 @!p1 $0x1FFFF8, s12  }
0x2ea: {  	s1 =	sand.u32 @!p1 $0x7, s12;
	s0 =	sadd.s32 @!p1 s3, s0  }
0x2eb: {  	[tilespmem:s10], [sflag:$0x6] =	stream.linear.gather @!p1 [hbm4b:s0+s1], $0x10, $0x38;
	[tilespmem:$0x1F0F8] =	vst v63  }
0x2ec: {  	_ =	swait.ge @!p1 [sflag:s9], $0x10  }
0x2ed: {  	[sflag:s9] =	ssyncset.done @!p1 $0x0  }
0x2ee: {  	[sflag:s9] =	ssyncadd.s32 @!p1 $0xFFFFFFF0  }
0x2ef: {  	v1 =	vld @!p1 [tilespmem:$0x3638];
	_ =	sdelay $0x2  }
0x2f0: {  	s0 =	sshll.u32 @!p1 s11, $0x6  }
0x2f1: {  	s1 =	sshrl.u32 @!p1 s0, $0x2  }
0x2f2: {  	[tilespmem:s1+$0x3678] =	vst.add.f32.msk @!p1 $0xffff, v1  }
0x2f3: {  	s0 =	sshrl.u32 s0, $0x2;
	[tilespmem:s6+$0x3658] =	vst.msk $0x1, v0  }
0x2f4: {  	v0 =	vld [tilespmem:s0+$0x3678];
	_ =	sdelay $0x2  }
0x2f5: {  	s31 =	sshll.u32 s6, $0x6  }
0x2f6: {  	s0 =	sshra.s32 s31, $0x2  }
0x2f7: {  	s6 =	sadd.s32 $0x1, s6;
	[tilespmem:s0+$0x3678] =	vst v0  }
.LBB2_32:
0x2f8: {  	s11 =	sadd.s32 $0x1, s11  }
0x2f9: {  	p1 =	sne.s32 s11, $0x20  }
.Ltmp21:
0x2fa: {  	_ = 	snop;
	(pc) =	sbr.rel @!p1 .LBB2_33-.Ltmp21, $1  }
0x2fb: {  	_ =	sdelay $0x3  }
.LBB2_25:
0x2fc: {  	v0 =	vld.msk [tilespmem:s11+$0x3658], $0x1;
	_ =	sdelay $0x4  }
0x2fd: {  	(v2sf) =	vpush v0, $0x0;
	_ =	sdelay $0xe  }
0x2fe: {  	s12 =	spop (v2sf)  }
0x2ff: {  	p1 =	seq.s32 s12, $0xFFFFFFFF  }
.Ltmp22:
0x300: {  	_ = 	snop;
	(pc) =	sbr.rel @p1 .LBB2_32-.Ltmp22, $1  }
0x301: {  	_ =	sdelay $0x3  }
0x302: {  	p1 =	slt.s32 s6, $0x1  }
.Ltmp23:
0x303: {  	_ = 	snop;
	(pc) =	sbr.rel @p1 .LBB2_30-.Ltmp23, $1  }
0x304: {  	_ =	sdelay $0x3  }
0x305: {  	s13 =	simm.s32 $0x3658;
	p1 =	por $0x0, $0x0  }
0x306: {  	v1 =	vld.msk @!p1 [tilespmem:s13+$0x0], $0x1;
	_ =	sdelay $0x4  }
0x307: {  	(v2sf) =	vpush @!p1 v1, $0x0;
	_ =	sdelay $0xd  }
0x308: {  	p3 =	sne.s32 s6, $0x1  }
.Ltmp24:
0x309: {  	s0 =	spop @!p1 (v2sf);
	(pc) =	sbr.rel @!p3 .LBB2_29-.Ltmp24, $4  }
0x30a: {  	p2 =	seq.s32 @!p1 s12, s0  }
0x30b: {  	s14 =	simm.s32 $0x0;
	p2 =	por !p2, p1  }
0x30c: {  	s0 =	simm.s32 $0xFFFFFFFF;
	s14 =	simm.s32 @p2 $0xFFFFFFFF  }
0x30d: {  	s15 =	simm.s32 $0x1;
	s14 =	smov.u32 @p1 s0  }
.LBB2_28:
0x30e: {  	s0 =	smov.u32 s14;
	p1 =	sne.s32 s14, $0xFFFFFFFF  }
0x30f: {  	s13 =	sadd.s32 $0x1, s13;
	s14 =	smov.u32 s15;
	s15 =	sadd.s32 $0x1, s15  }
0x310: {  	p2 =	sne.s32 s6, s15;
	v1 =	vld.msk @!p1 [tilespmem:s13+$0x0], $0x1;
	_ =	sdelay $0x4  }
0x311: {  	(v2sf) =	vpush @!p1 v1, $0x0;
	_ =	sdelay $0xe  }
.Ltmp25:
0x312: {  	s1 =	spop @!p1 (v2sf);
	(pc) =	sbr.rel @p2 .LBB2_28-.Ltmp25, $4  }
0x313: {  	p3 =	seq.s32 @!p1 s12, s1  }
0x314: {  	p3 =	por !p3, p1  }
0x315: {  	s14 =	simm.s32 @p3 $0xFFFFFFFF  }
0x316: {  	s14 =	smov.u32 @p1 s0  }
.LBB2_29:
0x317: {  	p1 =	sne.s32 s14, $0xFFFFFFFF  }
.Ltmp26:
0x318: {  	_ = 	snop;
	(pc) =	sbr.rel @!p1 .LBB2_30-.Ltmp26, $1  }
0x319: {  	_ =	sdelay $0x3  }
0x31a: {  	s0 =	sshll.u32 s11, $0x4  }
0x31b: {  	s0 =	sand.u32 $0x3FFFFFF0, s0  }
0x31c: {  	v0 =	vld [tilespmem:s0+$0x3678]  }
.Ltmp27:
0x31d: {  	_ = 	snop;
	(pc) =	sbr.rel .LBB2_32-.Ltmp27, $4  }
0x31e: {  	_ = 	snop  }
0x31f: {  	s31 =	sshll.u32 s14, $0x6  }
0x320: {  	s0 =	sshra.s32 s31, $0x2  }
0x321: {  	[tilespmem:s0+$0x3678] =	vst.add.f32.msk $0xffff, v0  }
.LBB2_33:
0x322: {  	s0 =	simm.s32 $0x6;
	p1 =	seq.s32 s6, $0x0  }
0x323: {  	[sflag:s0] =	ssyncpa.u1 $0x1;
	v0 =	vimm.s32 @p1 $0xFFFFFFFF  }
0x324: {  	s9 =	sadd.s32 $0xFFFFFFFF, s6;
	[tilespmem:$0x3878] =	vst @p1 v0  }
0x325: {  	v0 =	vld.msk @!p1 [tilespmem:s9+$0x3658], $0x1;
	_ =	sdelay $0x1  }
0x326: {  	v1 =	vld.msk @!p1 [tilespmem:$0x3658], $0x1;
	_ =	sdelay $0x2  }
0x327: {  	p2 =	seq.s32 @!p1 s9, $0x0;
	v0 =	vbroadcast @!p1 v0, $0x0  }
0x328: {  	vm0 =	vmmov @!p1 $0x1;
	p2 =	por !p2, p1  }
0x329: {  	v1 =	vnsel @!p1 vm0, $0xFFFFFFFF, v1;
	vm0 =	vcmask @!p1 $0x308;
	v0 =	vpsel !p2, $0xFFFFFFFF, v0  }
0x32a: {  	p2 =	sne.s32 @!p1 s8, s7;
	v0 =	vsel @!p1 vm0, v1, v0  }
0x32b: {  	s0 =	simm.s32 @!p1 $0x3678;
	s1 =	simm.s32 @!p1 $0x0;
	p3 =	por !p2, p1;
	[tilespmem:$0x3878] =	vst @!p1 v0  }
0x32c: {  	[spmem:s1] =	stream.linear.scatter @!p1 [tilespmem:s0], [sflag:$0x1], $0x10, $0x38;
	[tilespmem:$0x1F0F8] =	vst v63  }
0x32d: {  	s0 =	sshll.u32 @!p3 s9, $0x6  }
0x32e: {  	s0 =	sshra.s32 @!p3 s0, $0x2  }
0x32f: {  	s1 =	simm.s32 @!p3 $0x10;
	s0 =	sadd.s32 @!p3 $0x3678, s0  }
0x330: {  	[spmem:s1] =	stream.linear.scatter @!p3 [tilespmem:s0], [sflag:$0x1], $0x10, $0x38;
	[tilespmem:$0x1F0F8] =	vst v63  }
0x331: {  	s0 =	simm.s32 @!p3 $0x1  }
0x332: {  	_ =	swait.ge @!p3 [sflag:s0], $0x20  }
0x333: {  	p1 =	por p2, p1;
	[sflag:s0] =	ssyncset.done @!p3 $0x0  }
0x334: {  	[sflag:s0] =	ssyncadd.s32 @!p3 $0xFFFFFFE0;
	s0 =	simm.s32 @!p1 $0x1  }
0x335: {  	_ =	swait.ge @!p1 [sflag:s0], $0x10  }
0x336: {  	s29 =	simm.s32 $0x3878;
	[sflag:s0] =	ssyncset.done @!p1 $0x0  }
0x337: {  	s30 =	simm.s32 $0x200;
	s31 =	simm.s32 $0x1;
	[sflag:s0] =	ssyncadd.s32 @!p1 $0xFFFFFFF0  }
0x338: {  	[spmem:s30] =	stream.linear.scatter [tilespmem:s29], [sflag:$0x1], $0x10, $0x38;
	[tilespmem:$0x1F0F8] =	vst v63  }
0x339: {  	_ =	swait.ge [sflag:s31], $0x10  }
0x33a: {  	[sflag:s31] =	ssyncset.done $0x0  }
0x33b: {  	p1 =	seq.s32 s17, $0x0;
	s8 =	rddreg [dreg:$0x1];
	[sflag:s31] =	ssyncadd.s32 $0xFFFFFFF0  }
0x33c: {  	s1 =	sshll.u32 @p1 s8, $0xE;
	s7 =	rddreg [dreg:$0x2]  }
0x33d: {  	s0 =	sadd.s32 @p1 $0x15C3C, s1;
	s1 =	sshll.u32 @p1 s7, $0x11  }
0x33e: {  	_ =	sfence.stream.spmem;
	s0 =	sor.u32 @p1 s1, s0  }
0x33f: {  	[sflag:s0] =	ssyncadd.remote.s32 @p1 $0x1;
	s0 =	simm.s32 @p1 $0x4  }
0x340: {  	s2 =	simm.s32 @!p1 $0x3C;
	s1 =	sand.u32 $0xFFFFFFFE, s8;
	_ =	swait.ge @p1 [sflag:s0], $0x6  }
0x341: {  	s4 =	simm.s32 @!p1 $0x0;
	s1 =	sadd.s32 @!p1 $0x4, s1;
	[sflag:s0] =	ssyncset.done @p1 $0x0  }
0x342: {  	s5 =	simm.s32 @!p1 $0x20;
	[sflag:s0] =	ssyncadd.s32 @p1 $0xFFFFFFFA;
	s0 =	sshll.u32 @!p1 s1, $0x1A  }
0x343: {  	s1 =	sshll.u32 @!p1 s1, $0xD;
	s0 =	sor.u32 @!p1 s0, s7;
	_ =	swait.eq @!p1 [sflag:s2], $0x1  }
0x344: {  	s1 =	sor.u32 @!p1 $0x1C04, s1;
	s2 =	simm.s32 @!p1 $0x1C03;
	s0 =	sor.u32 @!p1 $0x80004000, s0  }
0x345: {  	[spmem:s5], [sflag:s1] =	dma.general @!p1 [spmem:s4], [sflag:s2], length:$0x4, [dreg:$0x0], stride_count:$0x0, ici_dest:s0, dma_misc:DstOpCode:WRITE  }
0x346: {  	p2 =	slt.s32 s9, $0x2;
	s4 =	simm.s32 @!p1 $0x40;
	s5 =	simm.s32 @!p1 $0x42  }
0x347: {  	[spmem:s5], [sflag:s1] =	dma.general @!p1 [spmem:s4], [sflag:s2], length:$0x2, [dreg:$0x0], stride_count:$0x0, ici_dest:s0, dma_misc:DstOpCode:WRITE  }
.Ltmp28:
0x348: {  	s0 =	simm.s32 @!p1 $0x3;
	(pc) =	sbr.rel @p2 .LBB2_37-.Ltmp28, $4  }
0x349: {  	s1 =	sshll.u32 @!p1 s8, $0xE;
	_ =	swait.ge @!p1 [sflag:s0], $0x6  }
0x34a: {  	s2 =	sshll.u32 @!p1 s7, $0x11;
	s1 =	sadd.s32 @!p1 $0x11C3C, s1;
	[sflag:s0] =	ssyncset.done @!p1 $0x0  }
0x34b: {  	[sflag:s0] =	ssyncadd.s32 @!p1 $0xFFFFFFFA;
	s0 =	sor.u32 @!p1 s2, s1  }
0x34c: {  	[sflag:s0] =	ssyncadd.remote.s32 @!p1 $0xFFFFFFFF;
	s0 =	simm.s32 $0x0  }
0x34d: {  	s0 =	simm.s32 $0x3659  }
0x34e: {  	v0 =	vld.msk [tilespmem:s0+$0x0], $0x1;
	_ =	sdelay $0x4  }
0x34f: {  	(v2sf) =	vpush v0, $0x0;
	_ =	sdelay $0xd  }
0x350: {  	s2 =	sadd.s32 $0xFFFFFFFE, s6  }
0x351: {  	s2 =	sadd.s32 $0xFFFFFFFF, s2;
	s0 =	spop (v2sf)  }
0x352: {  	p2 =	sne.s32 s2, $0x0;
	p1 =	sgt.u32 s0, $0x1869FE  }
.Ltmp29:
0x353: {  	s4 =	sand.u32 @!p1 $0x1FFFF8, s0;
	(pc) =	sbr.rel @!p2 .LBB2_36-.Ltmp29, $4  }
0x354: {  	s1 =	simm.s32 $0x3688;
	s0 =	sand.u32 @!p1 $0x7, s0;
	s4 =	sadd.s32 @!p1 s3, s4  }
0x355: {  	[hbm4b:s4+s0] =	stream.linear.scatter @!p1 [tilespmem:s1], [sflag:$0x5], $0x10, $0x38;
	[tilespmem:$0x1F0F8] =	vst v63  }
0x356: {  	s0 =	simm.s32 $0x0  }
0x357: {  	s6 =	simm.s32 $0x0;
	s7 =	simm.s32 $0x365A;
	s0 =	simm.s32 @!p1 $0x40  }
.LBB2_35:
0x358: {  	v0 =	vld.msk [tilespmem:s7+$0x0], $0x1;
	s2 =	sadd.s32 $0xFFFFFFFF, s2;
	s6 =	sadd.s32 s6, s0  }
0x359: {  	p1 =	sne.s32 s2, $0x0;
	_ =	sdelay $0x3  }
0x35a: {  	(v2sf) =	vpush v0, $0x0;
	_ =	sdelay $0xe  }
.Ltmp30:
0x35b: {  	s4 =	spop (v2sf);
	(pc) =	sbr.rel @p1 .LBB2_35-.Ltmp30, $4  }
0x35c: {  	s0 =	simm.s32 $0x0;
	p2 =	sgt.u32 s4, $0x1869FE  }
0x35d: {  	s1 =	sadd.s32 $0x10, s1;
	s0 =	simm.s32 @!p2 $0x40;
	s5 =	sand.u32 @!p2 $0x1FFFF8, s4  }
0x35e: {  	s7 =	sadd.s32 $0x1, s7;
	s4 =	sand.u32 @!p2 $0x7, s4;
	s5 =	sadd.s32 @!p2 s3, s5  }
0x35f: {  	[hbm4b:s5+s4] =	stream.linear.scatter @!p2 [tilespmem:s1], [sflag:$0x5], $0x10, $0x38;
	[tilespmem:$0x1F0F8] =	vst v63  }
.LBB2_36:
0x360: {  	s0 =	sadd.s32 s6, s0  }
0x361: {  	s0 =	sshrl.u32 s0, $0x2  }
.LBB2_37:
0x362: {  	s1 =	simm.s32 $0x5  }
0x363: {  	_ =	swait.ge [sflag:s1], s0  }
0x364: {  	s31 =	ssub.s32 $0x0, s0;
	[sflag:s1] =	ssyncset.done $0x0  }
0x365: {  	[sflag:s1] =	ssyncadd.s32 s31  }
0x366: {  	[sflag:s1] =	ssyncpa.u1 $0x1  }
.LBB2_38:
0x367: {  	s0 =	sor.u32 s17, s16  }
0x368: {  	p1 =	sne.s32 s0, $0x0  }
.Ltmp31:
0x369: {  	_ = 	snop;
	(pc) =	sbr.rel @p1 .LBB2_53-.Ltmp31, $3  }
0x36a: {  	_ =	sdelay $0x1  }
0x36b: {  	[bflag:$0x0] =	sbarrier.arrive $0xFFFF  }
0x36c: {  	_ =	sfence  }
0x36d: {  	s0 =	simm.s32 $0x7  }
0x36e: {  	s1 =	simm.s32 $0x200;
	s2 =	simm.s32 $0x3658;
	[sflag:s0] =	ssyncpa.u1 $0x0  }
0x36f: {  	[tilespmem:s2], [sflag:$0x7] =	stream.linear.gather [spmem:s1], $0x20, $0x38;
	[tilespmem:$0x1F0F8] =	vst v63  }
0x370: {  	s30 =	simm.s32 $0x3678;
	s1 =	simm.s32 $0x0  }
0x371: {  	[tilespmem:s30], [sflag:$0x7] =	stream.linear.gather [spmem:s1], $0x200, $0x38;
	[tilespmem:$0x1F0F8] =	vst v63  }
.Ltmp32:
0x372: {  	_ = 	snop;
	(pc) =	sbr.rel .LBB2_40-.Ltmp32, $4  }
0x373: {  	_ =	swait.ge [sflag:s0], $0x220  }
0x374: {  	[sflag:s0] =	ssyncset.done $0x0  }
0x375: {  	s31 =	simm.s32 $0x8;
	[sflag:s0] =	ssyncadd.s32 $0xFFFFFDE0  }
0x376: {  	s2 =	simm.s32 $0x0;
	[sflag:s31] =	ssyncpa.u1 $0x0  }
.LBB2_45:
0x377: {  	p1 =	slt.u32 s4, $0x1869FF  }
0x378: {  	s0 =	sand.u32 @p1 $0x1FFFF8, s4  }
0x379: {  	s4 =	sand.u32 @p1 $0x7, s4;
	s5 =	simm.s32 @p1 $0x3638;
	s0 =	sadd.s32 @p1 s3, s0  }
0x37a: {  	[tilespmem:s5], [sflag:$0x8] =	stream.linear.gather @p1 [hbm4b:s0+s4], $0x10, $0x38;
	[tilespmem:$0x1F0F8] =	vst v63  }
0x37b: {  	s0 =	simm.s32 @p1 $0x8  }
0x37c: {  	_ =	swait.ge @p1 [sflag:s0], $0x10  }
0x37d: {  	[sflag:s0] =	ssyncset.done @p1 $0x0  }
0x37e: {  	[sflag:s0] =	ssyncadd.s32 @p1 $0xFFFFFFF0  }
0x37f: {  	v1 =	vld @p1 [tilespmem:$0x3638];
	_ =	sdelay $0x2  }
0x380: {  	s0 =	sshll.u32 @p1 s2, $0x6  }
0x381: {  	s5 =	sshll.u32 @!p1 s2, $0x6;
	s4 =	sshrl.u32 @p1 s0, $0x2  }
0x382: {  	s5 =	smov.u32 @p1 s0;
	[tilespmem:s4+$0x3678] =	vst.add.f32.msk @p1 $0xffff, v1  }
0x383: {  	s0 =	sshrl.u32 s5, $0x2;
	[tilespmem:s1+$0x3658] =	vst.msk $0x1, v0  }
0x384: {  	v0 =	vld [tilespmem:s0+$0x3678];
	_ =	sdelay $0x2  }
0x385: {  	s31 =	sshll.u32 s1, $0x6  }
0x386: {  	s0 =	sshra.s32 s31, $0x2  }
0x387: {  	s1 =	sadd.s32 $0x1, s1;
	[tilespmem:s0+$0x3678] =	vst v0  }
.LBB2_47:
0x388: {  	s2 =	sadd.s32 $0x1, s2  }
0x389: {  	p1 =	sne.s32 s2, $0x20  }
.Ltmp33:
0x38a: {  	_ = 	snop;
	(pc) =	sbr.rel @!p1 .LBB2_48-.Ltmp33, $1  }
0x38b: {  	_ =	sdelay $0x3  }
.LBB2_40:
0x38c: {  	v0 =	vld.msk [tilespmem:s2+$0x3658], $0x1;
	_ =	sdelay $0x4  }
0x38d: {  	(v2sf) =	vpush v0, $0x0;
	_ =	sdelay $0xe  }
0x38e: {  	s4 =	spop (v2sf)  }
0x38f: {  	p1 =	seq.s32 s4, $0xFFFFFFFF  }
.Ltmp34:
0x390: {  	_ = 	snop;
	(pc) =	sbr.rel @p1 .LBB2_47-.Ltmp34, $1  }
0x391: {  	_ =	sdelay $0x3  }
0x392: {  	p1 =	slt.s32 s1, $0x1  }
.Ltmp35:
0x393: {  	_ = 	snop;
	(pc) =	sbr.rel @p1 .LBB2_45-.Ltmp35, $1  }
0x394: {  	_ =	sdelay $0x3  }
0x395: {  	s5 =	simm.s32 $0x3658;
	p1 =	por $0x0, $0x0  }
0x396: {  	v1 =	vld.msk @!p1 [tilespmem:s5+$0x0], $0x1;
	_ =	sdelay $0x4  }
0x397: {  	(v2sf) =	vpush @!p1 v1, $0x0;
	_ =	sdelay $0xd  }
0x398: {  	p3 =	sne.s32 s1, $0x1  }
.Ltmp36:
0x399: {  	s0 =	spop @!p1 (v2sf);
	(pc) =	sbr.rel @!p3 .LBB2_44-.Ltmp36, $4  }
0x39a: {  	p2 =	seq.s32 @!p1 s4, s0  }
0x39b: {  	s6 =	simm.s32 $0x0;
	p2 =	por !p2, p1  }
0x39c: {  	s0 =	simm.s32 $0xFFFFFFFF;
	s6 =	simm.s32 @p2 $0xFFFFFFFF  }
0x39d: {  	s7 =	simm.s32 $0x1;
	s6 =	smov.u32 @p1 s0  }
.LBB2_43:
0x39e: {  	s0 =	smov.u32 s6;
	p1 =	sne.s32 s6, $0xFFFFFFFF  }
0x39f: {  	s5 =	sadd.s32 $0x1, s5;
	s6 =	smov.u32 s7;
	s7 =	sadd.s32 $0x1, s7  }
0x3a0: {  	p2 =	sne.s32 s1, s7;
	v1 =	vld.msk @!p1 [tilespmem:s5+$0x0], $0x1;
	_ =	sdelay $0x4  }
0x3a1: {  	(v2sf) =	vpush @!p1 v1, $0x0;
	_ =	sdelay $0xe  }
.Ltmp37:
0x3a2: {  	s8 =	spop @!p1 (v2sf);
	(pc) =	sbr.rel @p2 .LBB2_43-.Ltmp37, $4  }
0x3a3: {  	p3 =	seq.s32 @!p1 s4, s8  }
0x3a4: {  	p3 =	por !p3, p1  }
0x3a5: {  	s6 =	simm.s32 @p3 $0xFFFFFFFF  }
0x3a6: {  	s6 =	smov.u32 @p1 s0  }
.LBB2_44:
0x3a7: {  	p1 =	sne.s32 s6, $0xFFFFFFFF  }
.Ltmp38:
0x3a8: {  	_ = 	snop;
	(pc) =	sbr.rel @!p1 .LBB2_45-.Ltmp38, $1  }
0x3a9: {  	_ =	sdelay $0x3  }
0x3aa: {  	s0 =	sshll.u32 s2, $0x4  }
0x3ab: {  	s0 =	sand.u32 $0x3FFFFFF0, s0  }
0x3ac: {  	v0 =	vld [tilespmem:s0+$0x3678]  }
.Ltmp39:
0x3ad: {  	_ = 	snop;
	(pc) =	sbr.rel .LBB2_47-.Ltmp39, $4  }
0x3ae: {  	_ = 	snop  }
0x3af: {  	s31 =	sshll.u32 s6, $0x6  }
0x3b0: {  	s0 =	sshra.s32 s31, $0x2  }
0x3b1: {  	[tilespmem:s0+$0x3678] =	vst.add.f32.msk $0xffff, v0  }
.LBB2_48:
0x3b2: {  	p1 =	slt.s32 s1, $0x1  }
.Ltmp40:
0x3b3: {  	_ = 	snop;
	(pc) =	sbr.rel @p1 .LBB2_52-.Ltmp40, $3  }
0x3b4: {  	_ =	sdelay $0x1  }
0x3b5: {  	s0 =	simm.s32 $0x8  }
0x3b6: {  	s2 =	simm.s32 $0x0;
	[sflag:s0] =	ssyncpa.u1 $0x1  }
0x3b7: {  	s0 =	simm.s32 $0x3658  }
0x3b8: {  	v0 =	vld.msk [tilespmem:s0+$0x0], $0x1;
	_ =	sdelay $0x4  }
0x3b9: {  	(v2sf) =	vpush v0, $0x0;
	_ =	sdelay $0xe  }
0x3ba: {  	s1 =	sadd.s32 $0xFFFFFFFF, s1;
	s0 =	spop (v2sf)  }
0x3bb: {  	p2 =	sne.s32 s1, $0x0;
	p1 =	sgt.u32 s0, $0x1869FE  }
.Ltmp41:
0x3bc: {  	s5 =	sand.u32 @!p1 $0x1FFFF8, s0;
	(pc) =	sbr.rel @!p2 .LBB2_51-.Ltmp41, $4  }
0x3bd: {  	s4 =	simm.s32 $0x3678;
	s0 =	sand.u32 @!p1 $0x7, s0;
	s5 =	sadd.s32 @!p1 s3, s5  }
0x3be: {  	[hbm4b:s5+s0] =	stream.linear.scatter @!p1 [tilespmem:s4], [sflag:$0x7], $0x10, $0x38;
	[tilespmem:$0x1F0F8] =	vst v63  }
0x3bf: {  	s0 =	simm.s32 $0x0  }
0x3c0: {  	s5 =	simm.s32 $0x3659;
	s0 =	simm.s32 @!p1 $0x40  }
.LBB2_50:
0x3c1: {  	v0 =	vld.msk [tilespmem:s5+$0x0], $0x1;
	s1 =	sadd.s32 $0xFFFFFFFF, s1;
	s2 =	sadd.s32 s2, s0  }
0x3c2: {  	p1 =	sne.s32 s1, $0x0;
	_ =	sdelay $0x3  }
0x3c3: {  	(v2sf) =	vpush v0, $0x0;
	_ =	sdelay $0xe  }
.Ltmp42:
0x3c4: {  	s6 =	spop (v2sf);
	(pc) =	sbr.rel @p1 .LBB2_50-.Ltmp42, $4  }
0x3c5: {  	s0 =	simm.s32 $0x0;
	p2 =	sgt.u32 s6, $0x1869FE  }
0x3c6: {  	s4 =	sadd.s32 $0x10, s4;
	s0 =	simm.s32 @!p2 $0x40;
	s7 =	sand.u32 @!p2 $0x1FFFF8, s6  }
0x3c7: {  	s5 =	sadd.s32 $0x1, s5;
	s6 =	sand.u32 @!p2 $0x7, s6;
	s7 =	sadd.s32 @!p2 s3, s7  }
0x3c8: {  	[hbm4b:s7+s6] =	stream.linear.scatter @!p2 [tilespmem:s4], [sflag:$0x7], $0x10, $0x38;
	[tilespmem:$0x1F0F8] =	vst v63  }
.LBB2_51:
0x3c9: {  	s0 =	sadd.s32 s2, s0  }
0x3ca: {  	s2 =	sshrl.u32 s0, $0x2  }
.LBB2_52:
0x3cb: {  	s0 =	simm.s32 $0x7  }
0x3cc: {  	_ =	swait.ge [sflag:s0], s2  }
0x3cd: {  	s1 =	ssub.s32 $0x0, s2;
	[sflag:s0] =	ssyncset.done $0x0  }
0x3ce: {  	[sflag:s0] =	ssyncadd.s32 s1  }
0x3cf: {  	[sflag:s0] =	ssyncpa.u1 $0x1  }
.LBB2_53:
0x3d0: {  	_ =	sfence;
	s0 =	simm.s32 $0x1  }
0x3d1: {  	[sflag:s0] =	ssyncpa.u1 $0x1  }
0x3d2: {  	_ =	strace $0x9000004A  }
0x3d3: {  	[bflag:$0x2] =	sbarrier.arrive $0xFFFF  }
0x3d4: {  	s0 =	rddreg [dreg:$0x3]  }
0x3d5: {  	s0 =	sadd.s32 @!p0 $0x100000, s0  }
0x3d6: {  	[sflag:s0] =	ssyncadd.tile.s32 @!p0 $0x1;
	_ =	shalt  }
.Lfunc_end2:
_tile_overlayer_lowered:
.L_overlay_start_2:
0x3d7: {  	(tag) =	ssettag $0x2  }
0x3d8: {  	s0 =	rddreg [dreg:$0x0];
	s2 =	stileid.u32  }
0x3d9: {  	s1 =	rddreg [dreg:$0x1];
	p0 =	sne.s32 s2, $0x0  }
0x3da: {  	s3 =	rddreg [dreg:$0x2];
	[bflag:$0x3] =	sbarrier.arrive $0xFFFF;
	s2 =	simm.s32 @!p0 $0x1C01  }
0x3db: {  	[timem:s3], [sflag:s2] =	dma.local @!p0 [hbm:s0], s1  }
0x3dc: {  	s0 =	simm.s32 @!p0 $0x1  }
0x3dd: {  	_ =	swait.ge @!p0 [sflag:s0], s1  }
0x3de: {  	s1 =	ssub.s32 @!p0 $0x0, s1;
	[sflag:s0] =	ssyncset.done @!p0 $0x0  }
0x3df: {  	[sflag:s0] =	ssyncadd.s32 @!p0 s1  }
0x3e0: {  	[bflag:$0x3] =	sbarrier.arrive $0xFFFF  }
0x3e1: {  	_ =	shalt  }

</sc_bundles>
